<compile_context>
chip_gen: v7x
topology: tpu7x:2x2x1
jax: 0.10.2.dev20260603
libtpu: 0.0.44.dev20260713+nightly
codegen_flags: <defaults>
</compile_context>

<pallas_src>
import functools

import jax
import jax.numpy as jnp
import numpy as np
from jax import lax
from jax.experimental import pallas as pl
from jax.experimental.pallas import tpu as pltpu
from jax.experimental.pallas import tpu_sc as plsc

B, C, N = 2, 1024, 4096
GROUP_SIZES = (128, 128, 256, 512)
GROUP_STARTS = (0, 128, 256, 512)

NC, NS = 2, 16
NW = NC * NS
ROWS_PER_LEAF_PER_W = tuple(2 * g // NW for g in GROUP_SIZES)
IDX_PER_W = 2 * C // NW
CHUNK = 8
NBUF = 3

_RM = np.zeros(2 * C, dtype=np.int32)
_OM = np.zeros(2 * C, dtype=np.int32)
for _w in range(NW):
    _l = 0
    for _g, _s0, _rpw in zip(GROUP_SIZES, GROUP_STARTS, ROWS_PER_LEAF_PER_W):
        for _r in range(_rpw):
            _flat = _w * _rpw + _r
            _b, _j = divmod(_flat, _g)
            _RM[_w * IDX_PER_W + _l] = _s0 + _j
            _OM[_w * IDX_PER_W + _l] = _b * C
            _l += 1


def _fused_body(q_ref, rm_ref, om_ref, i0_ref, i1_ref, i2_ref, i3_ref,
                gidx_ref, e_scr):
    i = pl.program_id(0)
    x = jnp.abs(q_ref[...])
    acc = x[..., 0:128]
    for j in range(1, 32):
        acc = acc + x[..., j * 128:(j + 1) * 128]
    accT = lax.transpose(acc, (0, 2, 1))
    s = accT[:, 0:8, :]
    for v in range(1, 16):
        s = s + accT[:, 8 * v:8 * v + 8, :]
    u = s[:, 0:4, :] + s[:, 4:8, :]
    p = u[:, 0:2, :] + u[:, 2:4, :]
    tot = p[:, 0:1, :] + p[:, 1:2, :]
    inv = np.float32(1.0 / N)
    e = (tot[0:1, :, :] * inv + tot[1:2, :, :] * inv) * np.float32(0.5)
    for k in range(8):
        @pl.when(i == k)
        def _store(k=k, e=e):
            e_scr[:, k * 128:(k + 1) * 128] = e[0]

    @pl.when(i == 7)
    def _rank():
        _rank_math(e_scr[...], rm_ref, om_ref,
                   i0_ref, i1_ref, i2_ref, i3_ref, gidx_ref)


def _sort_and_index_fused(q):
    return pl.pallas_call(
        _fused_body,
        grid=(8,),
        in_specs=[
            pl.BlockSpec((2, 128, 4096), lambda i: (0, i, 0)),
            pl.BlockSpec((2 * C, 1), lambda i: (0, 0)),
            pl.BlockSpec((2 * C, 1), lambda i: (0, 0)),
        ],
        out_specs=tuple(pl.BlockSpec((g, 1), lambda i: (0, 0))
                        for g in GROUP_SIZES)
                  + (pl.BlockSpec((2 * C, 1), lambda i: (0, 0)),),
        out_shape=tuple(jax.ShapeDtypeStruct((g, 1), jnp.int32)
                        for g in GROUP_SIZES)
                  + (jax.ShapeDtypeStruct((2 * C, 1), jnp.int32),),
        scratch_shapes=[pltpu.VMEM((1, C), jnp.float32)],
    )(q, jnp.asarray(_RM).reshape(2 * C, 1), jnp.asarray(_OM).reshape(2 * C, 1))


def _rank_math(e, rm_ref, om_ref, i0_ref, i1_ref, i2_ref, i3_ref,
               gidx_ref):
    e_lanes = jnp.broadcast_to(e, (C, C))
    e_rows = lax.broadcast_in_dim(e.reshape(C), (C, C), (0,))
    ii = lax.broadcasted_iota(jnp.int32, (C, C), 0)
    jj = lax.broadcasted_iota(jnp.int32, (C, C), 1)
    before = (e_rows > e_lanes) | ((e_rows == e_lanes) & (ii < jj))
    rank = jnp.sum(before.astype(jnp.int32), axis=0)
    rank_lanes = rank.reshape(1, C)

    rr = lax.broadcasted_iota(jnp.int32, (C, C), 0)
    onehot = (jnp.broadcast_to(rank_lanes, (C, C)) == rr).astype(jnp.int32)
    sorted_idx = jnp.sum(onehot * jj, axis=1)
    for ref, g, s0 in zip((i0_ref, i1_ref, i2_ref, i3_ref),
                          GROUP_SIZES, GROUP_STARTS):
        ref[...] = lax.slice(sorted_idx, (s0,), (s0 + g,)).reshape(g, 1)

    rm = rm_ref[...]
    om = om_ref[...]
    jj2 = lax.broadcasted_iota(jnp.int32, (2 * C, C), 1)
    oh2 = (jnp.broadcast_to(rank_lanes, (2 * C, C)) == rm).astype(jnp.int32)
    gidx_ref[...] = (jnp.sum(oh2 * jj2, axis=1).reshape(2 * C, 1) + om)




def _gather_body(q_hbm, k_hbm, v_hbm, gidx_hbm, *refs):
    outs = (refs[0:4], refs[4:8], refs[8:12])
    idx_v = refs[12]
    bufs = refs[13:13 + NBUF]
    gsems = refs[13 + NBUF:13 + 2 * NBUF]
    wsems = refs[13 + 2 * NBUF:13 + 3 * NBUF]
    tables = (q_hbm, k_hbm, v_hbm)

    wid = lax.axis_index("s") * NC + lax.axis_index("c")
    pltpu.sync_copy(gidx_hbm.at[pl.ds(wid * IDX_PER_W, IDX_PER_W)], idx_v)

    sched = []
    for t in range(3):
        off = 0
        for g in range(4):
            rpw = ROWS_PER_LEAF_PER_W[g]
            for c in range(rpw // CHUNK):
                sched.append((t, g, off + c * CHUNK, c))
            off += rpw
    S = len(sched)

    def gather(s):
        t, g, ioff, c = sched[s]
        return pltpu.async_copy(
            tables[t].at[idx_v.at[pl.ds(ioff, CHUNK)]],
            bufs[s % NBUF], gsems[s % NBUF])

    def write(s):
        t, g, ioff, c = sched[s]
        row0 = wid * ROWS_PER_LEAF_PER_W[g] + c * CHUNK
        return pltpu.async_copy(
            bufs[s % NBUF], outs[t][g].at[pl.ds(row0, CHUNK)],
            wsems[s % NBUF])

    gh = [None] * S
    wh = [None] * S
    for s in range(min(2, S)):
        gh[s] = gather(s)
    for s in range(S):
        gh[s].wait()
        wh[s] = write(s)
        if s - 1 >= 0:
            wh[s - 1].wait()
        if s + 2 < S:
            gh[s + 2] = gather(s + 2)
    wh[S - 1].wait()


def kernel(q, k, v):
    i0, i1, i2, i3, gidx = _sort_and_index_fused(q)
    gidx = gidx.reshape(2 * C)
    idx_groups = [i.reshape(-1) for i in (i0, i1, i2, i3)]

    out_type = [jax.ShapeDtypeStruct((2 * g, N), jnp.float32)
                for g in GROUP_SIZES] * 3

    gather_call = functools.partial(
        pl.kernel,
        mesh=plsc.VectorSubcoreMesh(core_axis_name="c", subcore_axis_name="s"),
        out_type=out_type,
        scratch_types=(
            [pltpu.VMEM((IDX_PER_W,), jnp.int32)]
            + [pltpu.VMEM((CHUNK, N), jnp.float32)] * NBUF
            + [pltpu.SemaphoreType.DMA] * (2 * NBUF)
        ),
    )(_gather_body)

    flat = gather_call(q.reshape(B * C, N), k.reshape(B * C, N),
                       v.reshape(B * C, N), gidx)
    q_groups = [flat[i].reshape(B, g, N) for i, g in enumerate(GROUP_SIZES)]
    k_groups = [flat[4 + i].reshape(B, g, N) for i, g in enumerate(GROUP_SIZES)]
    v_groups = [flat[8 + i].reshape(B, g, N) for i, g in enumerate(GROUP_SIZES)]
    return tuple(q_groups) + tuple(k_groups) + tuple(v_groups) + tuple(idx_groups)

# --- scband reference (transcript-rebuilt; emitter-appended) ---
"""Pipeline reference for scband-re-group-contiguous-2018634629350 (READ-ONLY COPY).

The authoritative reference and input builder live on the scoring server;
editing this copy changes nothing except your own understanding.
"""

import jax, jax.numpy as jnp
import numpy as np

GROUPS = [1, 1, 2, 4]
SORT_BY_ENERGY = True


def _group_sizes(C):
    total = sum(GROUPS)
    group_sizes = [int(r * C / total) for r in GROUPS]
    s = sum(group_sizes)
    if s < C:
        group_sizes[-1] += C - s
    elif s > C:
        group_sizes[-1] -= s - C
    return group_sizes


def setup_inputs(seed: int = 0) -> dict:
    key = jax.random.key(seed)
    k1, k2, k3 = jax.random.split(key, 3)
    B, C, N = 2, 1024, 4096
    q = jax.random.normal(k1, (B, C, N), dtype=jnp.float32)
    k = jax.random.normal(k2, (B, C, N), dtype=jnp.float32)
    v = jax.random.normal(k3, (B, C, N), dtype=jnp.float32)
    return {"q": q, "k": k, "v": v}


def reference(q, k, v):
    B, C, N = q.shape
    if SORT_BY_ENERGY and N > 1:
        energy = jnp.mean(jnp.mean(jnp.abs(q), axis=-1), axis=0)
        sorted_idx = jnp.argsort(-energy)  # descending sort order
    else:
        sorted_idx = jnp.arange(C)
    group_sizes = _group_sizes(C)
    q_sorted = jnp.take(q, sorted_idx, axis=1)
    k_sorted = jnp.take(k, sorted_idx, axis=1)
    v_sorted = jnp.take(v, sorted_idx, axis=1)
    q_groups, k_groups, v_groups, idx_groups = [], [], [], []
    start = 0
    for g in group_sizes:
        end = start + g
        idx_groups.append(sorted_idx[start:end])
        q_groups.append(q_sorted[:, start:end, :])
        k_groups.append(k_sorted[:, start:end, :])
        v_groups.append(v_sorted[:, start:end, :])
        start = end
    return tuple(q_groups) + tuple(k_groups) + tuple(v_groups) + tuple(idx_groups)

if __name__ == "__main__":
    import jax
    _d = setup_inputs()
    print(jax.jit(kernel)(*tuple(_d.values())))

</pallas_src>

<mosaic_0001>
#map = affine_map<(d0, d1) -> (0, 0)>
#map1 = affine_map<(d0, d1) -> (0)>
module attributes {stable_mosaic.version = 14 : i64} {
  func.func @_gather_body(%arg0: i32, %arg1: i32, %arg2: memref<2048x4096xf32, #tpu.memory_space<hbm>>, %arg3: memref<2048x4096xf32, #tpu.memory_space<hbm>>, %arg4: memref<2048x4096xf32, #tpu.memory_space<hbm>>, %arg5: memref<2048xi32, #tpu.memory_space<hbm>>, %arg6: memref<256x4096xf32, #tpu.memory_space<hbm>>, %arg7: memref<256x4096xf32, #tpu.memory_space<hbm>>, %arg8: memref<512x4096xf32, #tpu.memory_space<hbm>>, %arg9: memref<1024x4096xf32, #tpu.memory_space<hbm>>, %arg10: memref<256x4096xf32, #tpu.memory_space<hbm>>, %arg11: memref<256x4096xf32, #tpu.memory_space<hbm>>, %arg12: memref<512x4096xf32, #tpu.memory_space<hbm>>, %arg13: memref<1024x4096xf32, #tpu.memory_space<hbm>>, %arg14: memref<256x4096xf32, #tpu.memory_space<hbm>>, %arg15: memref<256x4096xf32, #tpu.memory_space<hbm>>, %arg16: memref<512x4096xf32, #tpu.memory_space<hbm>>, %arg17: memref<1024x4096xf32, #tpu.memory_space<hbm>>, %arg18: memref<64xi32, #tpu.memory_space<vmem>>, %arg19: memref<8x4096xf32, #tpu.memory_space<vmem>>, %arg20: memref<8x4096xf32, #tpu.memory_space<vmem>>, %arg21: memref<8x4096xf32, #tpu.memory_space<vmem>>, %arg22: memref<!tpu.dma_semaphore, #tpu.memory_space<semaphore_mem>>, %arg23: memref<!tpu.dma_semaphore, #tpu.memory_space<semaphore_mem>>, %arg24: memref<!tpu.dma_semaphore, #tpu.memory_space<semaphore_mem>>, %arg25: memref<!tpu.dma_semaphore, #tpu.memory_space<semaphore_mem>>, %arg26: memref<!tpu.dma_semaphore, #tpu.memory_space<semaphore_mem>>, %arg27: memref<!tpu.dma_semaphore, #tpu.memory_space<semaphore_mem>>) attributes {dimension_semantics = [#tpu.dimension_semantics<core_parallel>, #tpu.dimension_semantics<subcore_parallel>], iteration_bounds = array<i64: 2, 16>, scalar_prefetch = 0 : i64, scratch_operands = 10 : i64, tpu.core_type = #tpu.core_type<sc_vector_subcore>, window_params = [{transform_indices = #map}, {transform_indices = #map}, {transform_indices = #map}, {transform_indices = #map1}, {transform_indices = #map}, {transform_indices = #map}, {transform_indices = #map}, {transform_indices = #map}, {transform_indices = #map}, {transform_indices = #map}, {transform_indices = #map}, {transform_indices = #map}, {transform_indices = #map}, {transform_indices = #map}, {transform_indices = #map}, {transform_indices = #map}]} {
    %mul3A = arith.constant 2 : i32
    %mul3A_0 = arith.muli %arg1, %mul3A : i32
    %add3A = arith.addi %mul3A_0, %arg0 : i32
    %mul3A_1 = arith.constant 64 : i32
    %mul3A_2 = arith.muli %add3A, %mul3A_1 : i32
    "tpu.region"() ({
      %run_scoped3A = tpu.sem_alloc : memref<!tpu.dma_semaphore, #tpu.memory_space<semaphore_mem>>
      %dma_start3A_529 = tpu.memref_slice %arg5[%mul3A_2] : memref<2048xi32, #tpu.memory_space<hbm>> -> memref<64xi32, #tpu.memory_space<hbm>>
      %dma_start3A_530 = tpu.memref_slice %arg5[%mul3A_2] : memref<2048xi32, #tpu.memory_space<hbm>> -> memref<64xi32, #tpu.memory_space<hbm>>
      tpu.enqueue_dma source(%dma_start3A_530 : memref<64xi32, #tpu.memory_space<hbm>>) target(%arg18 : memref<64xi32, #tpu.memory_space<vmem>>) target_semaphore(%run_scoped3A : memref<!tpu.dma_semaphore, #tpu.memory_space<semaphore_mem>>)
      %dma_wait3A_531 = tpu.memref_slice %arg5[%mul3A_2] : memref<2048xi32, #tpu.memory_space<hbm>> -> memref<64xi32, #tpu.memory_space<hbm>>
      %dma_wait3A_532 = tpu.memref_slice %arg5[%mul3A_2] : memref<2048xi32, #tpu.memory_space<hbm>> -> memref<64xi32, #tpu.memory_space<hbm>>
      tpu.wait_dma2 semaphore(%run_scoped3A : memref<!tpu.dma_semaphore, #tpu.memory_space<semaphore_mem>>) src(%dma_wait3A_532 : memref<64xi32, #tpu.memory_space<hbm>>) dst(%arg18 : memref<64xi32, #tpu.memory_space<vmem>>)
      tpu.yield
    }) : () -> ()
    %dma_start3A = arith.constant 0 : i32
    %dma_start3A_3 = tpu.memref_slice %arg18[%dma_start3A] : memref<64xi32, #tpu.memory_space<vmem>> -> memref<8xi32, #tpu.memory_space<vmem>>
    %dma_start3A_4 = arith.constant 0 : i32
    %dma_start3A_5 = arith.constant 0 : i32
    %dma_start3A_6 = tpu.memref_slice %arg2[%dma_start3A_4, %dma_start3A_5] : memref<2048x4096xf32, #tpu.memory_space<hbm>> -> memref<2048x4096xf32, #tpu.memory_space<hbm>>
    tpu.enqueue_indirect_dma source(%dma_start3A_6 : memref<2048x4096xf32, #tpu.memory_space<hbm>>) target(%arg19 : memref<8x4096xf32, #tpu.memory_space<vmem>>) offsets(%dma_start3A_3 : memref<8xi32, #tpu.memory_space<vmem>>) semaphore(%arg22 : memref<!tpu.dma_semaphore, #tpu.memory_space<semaphore_mem>>)
    %dma_start3A_7 = arith.constant 8 : i32
    %dma_start3A_8 = tpu.memref_slice %arg18[%dma_start3A_7] : memref<64xi32, #tpu.memory_space<vmem>> -> memref<8xi32, #tpu.memory_space<vmem>>
    %dma_start3A_9 = arith.constant 0 : i32
    %dma_start3A_10 = arith.constant 0 : i32
    %dma_start3A_11 = tpu.memref_slice %arg2[%dma_start3A_9, %dma_start3A_10] : memref<2048x4096xf32, #tpu.memory_space<hbm>> -> memref<2048x4096xf32, #tpu.memory_space<hbm>>
    tpu.enqueue_indirect_dma source(%dma_start3A_11 : memref<2048x4096xf32, #tpu.memory_space<hbm>>) target(%arg20 : memref<8x4096xf32, #tpu.memory_space<vmem>>) offsets(%dma_start3A_8 : memref<8xi32, #tpu.memory_space<vmem>>) semaphore(%arg23 : memref<!tpu.dma_semaphore, #tpu.memory_space<semaphore_mem>>)
    %dma_wait3A = arith.constant 0 : i32
    %dma_wait3A_12 = tpu.memref_slice %arg18[%dma_wait3A] : memref<64xi32, #tpu.memory_space<vmem>> -> memref<8xi32, #tpu.memory_space<vmem>>
    %dma_wait3A_13 = arith.constant 0 : i32
    %dma_wait3A_14 = arith.constant 0 : i32
    %dma_wait3A_15 = tpu.memref_slice %arg2[%dma_wait3A_13, %dma_wait3A_14] : memref<2048x4096xf32, #tpu.memory_space<hbm>> -> memref<2048x4096xf32, #tpu.memory_space<hbm>>
    tpu.wait_indirect_dma semaphore(%arg22 : memref<!tpu.dma_semaphore, #tpu.memory_space<semaphore_mem>>) src(%dma_wait3A_15 : memref<2048x4096xf32, #tpu.memory_space<hbm>>) dst(%arg19 : memref<8x4096xf32, #tpu.memory_space<vmem>>)
    %mul3A_16 = arith.constant 8 : i32
    %mul3A_17 = arith.muli %add3A, %mul3A_16 : i32
    %add3A_18 = arith.constant 0 : i32
    %add3A_19 = arith.addi %mul3A_17, %add3A_18 : i32
    %dma_start3A_20 = arith.constant 0 : i32
    %dma_start3A_21 = tpu.memref_slice %arg6[%add3A_19, %dma_start3A_20] : memref<256x4096xf32, #tpu.memory_space<hbm>> -> memref<8x4096xf32, #tpu.memory_space<hbm>>
    %dma_start3A_22 = arith.constant 0 : i32
    %dma_start3A_23 = tpu.memref_slice %arg6[%add3A_19, %dma_start3A_22] : memref<256x4096xf32, #tpu.memory_space<hbm>> -> memref<8x4096xf32, #tpu.memory_space<hbm>>
    tpu.enqueue_dma source(%arg19 : memref<8x4096xf32, #tpu.memory_space<vmem>>) target(%dma_start3A_23 : memref<8x4096xf32, #tpu.memory_space<hbm>>) target_semaphore(%arg25 : memref<!tpu.dma_semaphore, #tpu.memory_space<semaphore_mem>>)
    %dma_start3A_24 = arith.constant 16 : i32
    %dma_start3A_25 = tpu.memref_slice %arg18[%dma_start3A_24] : memref<64xi32, #tpu.memory_space<vmem>> -> memref<8xi32, #tpu.memory_space<vmem>>
    %dma_start3A_26 = arith.constant 0 : i32
    %dma_start3A_27 = arith.constant 0 : i32
    %dma_start3A_28 = tpu.memref_slice %arg2[%dma_start3A_26, %dma_start3A_27] : memref<2048x4096xf32, #tpu.memory_space<hbm>> -> memref<2048x4096xf32, #tpu.memory_space<hbm>>
    tpu.enqueue_indirect_dma source(%dma_start3A_28 : memref<2048x4096xf32, #tpu.memory_space<hbm>>) target(%arg21 : memref<8x4096xf32, #tpu.memory_space<vmem>>) offsets(%dma_start3A_25 : memref<8xi32, #tpu.memory_space<vmem>>) semaphore(%arg24 : memref<!tpu.dma_semaphore, #tpu.memory_space<semaphore_mem>>)
    %dma_wait3A_29 = arith.constant 8 : i32
    %dma_wait3A_30 = tpu.memref_slice %arg18[%dma_wait3A_29] : memref<64xi32, #tpu.memory_space<vmem>> -> memref<8xi32, #tpu.memory_space<vmem>>
    %dma_wait3A_31 = arith.constant 0 : i32
    %dma_wait3A_32 = arith.constant 0 : i32
    %dma_wait3A_33 = tpu.memref_slice %arg2[%dma_wait3A_31, %dma_wait3A_32] : memref<2048x4096xf32, #tpu.memory_space<hbm>> -> memref<2048x4096xf32, #tpu.memory_space<hbm>>
    tpu.wait_indirect_dma semaphore(%arg23 : memref<!tpu.dma_semaphore, #tpu.memory_space<semaphore_mem>>) src(%dma_wait3A_33 : memref<2048x4096xf32, #tpu.memory_space<hbm>>) dst(%arg20 : memref<8x4096xf32, #tpu.memory_space<vmem>>)
    %mul3A_34 = arith.constant 8 : i32
    %mul3A_35 = arith.muli %add3A, %mul3A_34 : i32
    %add3A_36 = arith.constant 0 : i32
    %add3A_37 = arith.addi %mul3A_35, %add3A_36 : i32
    %dma_start3A_38 = arith.constant 0 : i32
    %dma_start3A_39 = tpu.memref_slice %arg7[%add3A_37, %dma_start3A_38] : memref<256x4096xf32, #tpu.memory_space<hbm>> -> memref<8x4096xf32, #tpu.memory_space<hbm>>
    %dma_start3A_40 = arith.constant 0 : i32
    %dma_start3A_41 = tpu.memref_slice %arg7[%add3A_37, %dma_start3A_40] : memref<256x4096xf32, #tpu.memory_space<hbm>> -> memref<8x4096xf32, #tpu.memory_space<hbm>>
    tpu.enqueue_dma source(%arg20 : memref<8x4096xf32, #tpu.memory_space<vmem>>) target(%dma_start3A_41 : memref<8x4096xf32, #tpu.memory_space<hbm>>) target_semaphore(%arg26 : memref<!tpu.dma_semaphore, #tpu.memory_space<semaphore_mem>>)
    %dma_wait3A_42 = arith.constant 0 : i32
    %dma_wait3A_43 = tpu.memref_slice %arg6[%add3A_19, %dma_wait3A_42] : memref<256x4096xf32, #tpu.memory_space<hbm>> -> memref<8x4096xf32, #tpu.memory_space<hbm>>
    %dma_wait3A_44 = arith.constant 0 : i32
    %dma_wait3A_45 = tpu.memref_slice %arg6[%add3A_19, %dma_wait3A_44] : memref<256x4096xf32, #tpu.memory_space<hbm>> -> memref<8x4096xf32, #tpu.memory_space<hbm>>
    tpu.wait_dma2 semaphore(%arg25 : memref<!tpu.dma_semaphore, #tpu.memory_space<semaphore_mem>>) src(%arg19 : memref<8x4096xf32, #tpu.memory_space<vmem>>) dst(%dma_wait3A_45 : memref<8x4096xf32, #tpu.memory_space<hbm>>)
    %dma_start3A_46 = arith.constant 24 : i32
    %dma_start3A_47 = tpu.memref_slice %arg18[%dma_start3A_46] : memref<64xi32, #tpu.memory_space<vmem>> -> memref<8xi32, #tpu.memory_space<vmem>>
    %dma_start3A_48 = arith.constant 0 : i32
    %dma_start3A_49 = arith.constant 0 : i32
    %dma_start3A_50 = tpu.memref_slice %arg2[%dma_start3A_48, %dma_start3A_49] : memref<2048x4096xf32, #tpu.memory_space<hbm>> -> memref<2048x4096xf32, #tpu.memory_space<hbm>>
    tpu.enqueue_indirect_dma source(%dma_start3A_50 : memref<2048x4096xf32, #tpu.memory_space<hbm>>) target(%arg19 : memref<8x4096xf32, #tpu.memory_space<vmem>>) offsets(%dma_start3A_47 : memref<8xi32, #tpu.memory_space<vmem>>) semaphore(%arg22 : memref<!tpu.dma_semaphore, #tpu.memory_space<semaphore_mem>>)
    %dma_wait3A_51 = arith.constant 16 : i32
    %dma_wait3A_52 = tpu.memref_slice %arg18[%dma_wait3A_51] : memref<64xi32, #tpu.memory_space<vmem>> -> memref<8xi32, #tpu.memory_space<vmem>>
    %dma_wait3A_53 = arith.constant 0 : i32
    %dma_wait3A_54 = arith.constant 0 : i32
    %dma_wait3A_55 = tpu.memref_slice %arg2[%dma_wait3A_53, %dma_wait3A_54] : memref<2048x4096xf32, #tpu.memory_space<hbm>> -> memref<2048x4096xf32, #tpu.memory_space<hbm>>
    tpu.wait_indirect_dma semaphore(%arg24 : memref<!tpu.dma_semaphore, #tpu.memory_space<semaphore_mem>>) src(%dma_wait3A_55 : memref<2048x4096xf32, #tpu.memory_space<hbm>>) dst(%arg21 : memref<8x4096xf32, #tpu.memory_space<vmem>>)
    %mul3A_56 = arith.constant 16 : i32
    %mul3A_57 = arith.muli %add3A, %mul3A_56 : i32
    %add3A_58 = arith.constant 0 : i32
    %add3A_59 = arith.addi %mul3A_57, %add3A_58 : i32
    %dma_start3A_60 = arith.constant 0 : i32
    %dma_start3A_61 = tpu.memref_slice %arg8[%add3A_59, %dma_start3A_60] : memref<512x4096xf32, #tpu.memory_space<hbm>> -> memref<8x4096xf32, #tpu.memory_space<hbm>>
    %dma_start3A_62 = arith.constant 0 : i32
    %dma_start3A_63 = tpu.memref_slice %arg8[%add3A_59, %dma_start3A_62] : memref<512x4096xf32, #tpu.memory_space<hbm>> -> memref<8x4096xf32, #tpu.memory_space<hbm>>
    tpu.enqueue_dma source(%arg21 : memref<8x4096xf32, #tpu.memory_space<vmem>>) target(%dma_start3A_63 : memref<8x4096xf32, #tpu.memory_space<hbm>>) target_semaphore(%arg27 : memref<!tpu.dma_semaphore, #tpu.memory_space<semaphore_mem>>)
    %dma_wait3A_64 = arith.constant 0 : i32
    %dma_wait3A_65 = tpu.memref_slice %arg7[%add3A_37, %dma_wait3A_64] : memref<256x4096xf32, #tpu.memory_space<hbm>> -> memref<8x4096xf32, #tpu.memory_space<hbm>>
    %dma_wait3A_66 = arith.constant 0 : i32
    %dma_wait3A_67 = tpu.memref_slice %arg7[%add3A_37, %dma_wait3A_66] : memref<256x4096xf32, #tpu.memory_space<hbm>> -> memref<8x4096xf32, #tpu.memory_space<hbm>>
    tpu.wait_dma2 semaphore(%arg26 : memref<!tpu.dma_semaphore, #tpu.memory_space<semaphore_mem>>) src(%arg20 : memref<8x4096xf32, #tpu.memory_space<vmem>>) dst(%dma_wait3A_67 : memref<8x4096xf32, #tpu.memory_space<hbm>>)
    %dma_start3A_68 = arith.constant 32 : i32
    %dma_start3A_69 = tpu.memref_slice %arg18[%dma_start3A_68] : memref<64xi32, #tpu.memory_space<vmem>> -> memref<8xi32, #tpu.memory_space<vmem>>
    %dma_start3A_70 = arith.constant 0 : i32
    %dma_start3A_71 = arith.constant 0 : i32
    %dma_start3A_72 = tpu.memref_slice %arg2[%dma_start3A_70, %dma_start3A_71] : memref<2048x4096xf32, #tpu.memory_space<hbm>> -> memref<2048x4096xf32, #tpu.memory_space<hbm>>
    tpu.enqueue_indirect_dma source(%dma_start3A_72 : memref<2048x4096xf32, #tpu.memory_space<hbm>>) target(%arg20 : memref<8x4096xf32, #tpu.memory_space<vmem>>) offsets(%dma_start3A_69 : memref<8xi32, #tpu.memory_space<vmem>>) semaphore(%arg23 : memref<!tpu.dma_semaphore, #tpu.memory_space<semaphore_mem>>)
    %dma_wait3A_73 = arith.constant 24 : i32
    %dma_wait3A_74 = tpu.memref_slice %arg18[%dma_wait3A_73] : memref<64xi32, #tpu.memory_space<vmem>> -> memref<8xi32, #tpu.memory_space<vmem>>
    %dma_wait3A_75 = arith.constant 0 : i32
    %dma_wait3A_76 = arith.constant 0 : i32
    %dma_wait3A_77 = tpu.memref_slice %arg2[%dma_wait3A_75, %dma_wait3A_76] : memref<2048x4096xf32, #tpu.memory_space<hbm>> -> memref<2048x4096xf32, #tpu.memory_space<hbm>>
    tpu.wait_indirect_dma semaphore(%arg22 : memref<!tpu.dma_semaphore, #tpu.memory_space<semaphore_mem>>) src(%dma_wait3A_77 : memref<2048x4096xf32, #tpu.memory_space<hbm>>) dst(%arg19 : memref<8x4096xf32, #tpu.memory_space<vmem>>)
    %mul3A_78 = arith.constant 16 : i32
    %mul3A_79 = arith.muli %add3A, %mul3A_78 : i32
    %add3A_80 = arith.constant 8 : i32
    %add3A_81 = arith.addi %mul3A_79, %add3A_80 : i32
    %dma_start3A_82 = arith.constant 0 : i32
    %dma_start3A_83 = tpu.memref_slice %arg8[%add3A_81, %dma_start3A_82] : memref<512x4096xf32, #tpu.memory_space<hbm>> -> memref<8x4096xf32, #tpu.memory_space<hbm>>
    %dma_start3A_84 = arith.constant 0 : i32
    %dma_start3A_85 = tpu.memref_slice %arg8[%add3A_81, %dma_start3A_84] : memref<512x4096xf32, #tpu.memory_space<hbm>> -> memref<8x4096xf32, #tpu.memory_space<hbm>>
    tpu.enqueue_dma source(%arg19 : memref<8x4096xf32, #tpu.memory_space<vmem>>) target(%dma_start3A_85 : memref<8x4096xf32, #tpu.memory_space<hbm>>) target_semaphore(%arg25 : memref<!tpu.dma_semaphore, #tpu.memory_space<semaphore_mem>>)
    %dma_wait3A_86 = arith.constant 0 : i32
    %dma_wait3A_87 = tpu.memref_slice %arg8[%add3A_59, %dma_wait3A_86] : memref<512x4096xf32, #tpu.memory_space<hbm>> -> memref<8x4096xf32, #tpu.memory_space<hbm>>
    %dma_wait3A_88 = arith.constant 0 : i32
    %dma_wait3A_89 = tpu.memref_slice %arg8[%add3A_59, %dma_wait3A_88] : memref<512x4096xf32, #tpu.memory_space<hbm>> -> memref<8x4096xf32, #tpu.memory_space<hbm>>
    tpu.wait_dma2 semaphore(%arg27 : memref<!tpu.dma_semaphore, #tpu.memory_space<semaphore_mem>>) src(%arg21 : memref<8x4096xf32, #tpu.memory_space<vmem>>) dst(%dma_wait3A_89 : memref<8x4096xf32, #tpu.memory_space<hbm>>)
    %dma_start3A_90 = arith.constant 40 : i32
    %dma_start3A_91 = tpu.memref_slice %arg18[%dma_start3A_90] : memref<64xi32, #tpu.memory_space<vmem>> -> memref<8xi32, #tpu.memory_space<vmem>>
    %dma_start3A_92 = arith.constant 0 : i32
    %dma_start3A_93 = arith.constant 0 : i32
    %dma_start3A_94 = tpu.memref_slice %arg2[%dma_start3A_92, %dma_start3A_93] : memref<2048x4096xf32, #tpu.memory_space<hbm>> -> memref<2048x4096xf32, #tpu.memory_space<hbm>>
    tpu.enqueue_indirect_dma source(%dma_start3A_94 : memref<2048x4096xf32, #tpu.memory_space<hbm>>) target(%arg21 : memref<8x4096xf32, #tpu.memory_space<vmem>>) offsets(%dma_start3A_91 : memref<8xi32, #tpu.memory_space<vmem>>) semaphore(%arg24 : memref<!tpu.dma_semaphore, #tpu.memory_space<semaphore_mem>>)
    %dma_wait3A_95 = arith.constant 32 : i32
    %dma_wait3A_96 = tpu.memref_slice %arg18[%dma_wait3A_95] : memref<64xi32, #tpu.memory_space<vmem>> -> memref<8xi32, #tpu.memory_space<vmem>>
    %dma_wait3A_97 = arith.constant 0 : i32
    %dma_wait3A_98 = arith.constant 0 : i32
    %dma_wait3A_99 = tpu.memref_slice %arg2[%dma_wait3A_97, %dma_wait3A_98] : memref<2048x4096xf32, #tpu.memory_space<hbm>> -> memref<2048x4096xf32, #tpu.memory_space<hbm>>
    tpu.wait_indirect_dma semaphore(%arg23 : memref<!tpu.dma_semaphore, #tpu.memory_space<semaphore_mem>>) src(%dma_wait3A_99 : memref<2048x4096xf32, #tpu.memory_space<hbm>>) dst(%arg20 : memref<8x4096xf32, #tpu.memory_space<vmem>>)
    %mul3A_100 = arith.constant 32 : i32
    %mul3A_101 = arith.muli %add3A, %mul3A_100 : i32
    %add3A_102 = arith.constant 0 : i32
    %add3A_103 = arith.addi %mul3A_101, %add3A_102 : i32
    %dma_start3A_104 = arith.constant 0 : i32
    %dma_start3A_105 = tpu.memref_slice %arg9[%add3A_103, %dma_start3A_104] : memref<1024x4096xf32, #tpu.memory_space<hbm>> -> memref<8x4096xf32, #tpu.memory_space<hbm>>
    %dma_start3A_106 = arith.constant 0 : i32
    %dma_start3A_107 = tpu.memref_slice %arg9[%add3A_103, %dma_start3A_106] : memref<1024x4096xf32, #tpu.memory_space<hbm>> -> memref<8x4096xf32, #tpu.memory_space<hbm>>
    tpu.enqueue_dma source(%arg20 : memref<8x4096xf32, #tpu.memory_space<vmem>>) target(%dma_start3A_107 : memref<8x4096xf32, #tpu.memory_space<hbm>>) target_semaphore(%arg26 : memref<!tpu.dma_semaphore, #tpu.memory_space<semaphore_mem>>)
    %dma_wait3A_108 = arith.constant 0 : i32
    %dma_wait3A_109 = tpu.memref_slice %arg8[%add3A_81, %dma_wait3A_108] : memref<512x4096xf32, #tpu.memory_space<hbm>> -> memref<8x4096xf32, #tpu.memory_space<hbm>>
    %dma_wait3A_110 = arith.constant 0 : i32
    %dma_wait3A_111 = tpu.memref_slice %arg8[%add3A_81, %dma_wait3A_110] : memref<512x4096xf32, #tpu.memory_space<hbm>> -> memref<8x4096xf32, #tpu.memory_space<hbm>>
    tpu.wait_dma2 semaphore(%arg25 : memref<!tpu.dma_semaphore, #tpu.memory_space<semaphore_mem>>) src(%arg19 : memref<8x4096xf32, #tpu.memory_space<vmem>>) dst(%dma_wait3A_111 : memref<8x4096xf32, #tpu.memory_space<hbm>>)
    %dma_start3A_112 = arith.constant 48 : i32
    %dma_start3A_113 = tpu.memref_slice %arg18[%dma_start3A_112] : memref<64xi32, #tpu.memory_space<vmem>> -> memref<8xi32, #tpu.memory_space<vmem>>
    %dma_start3A_114 = arith.constant 0 : i32
    %dma_start3A_115 = arith.constant 0 : i32
    %dma_start3A_116 = tpu.memref_slice %arg2[%dma_start3A_114, %dma_start3A_115] : memref<2048x4096xf32, #tpu.memory_space<hbm>> -> memref<2048x4096xf32, #tpu.memory_space<hbm>>
    tpu.enqueue_indirect_dma source(%dma_start3A_116 : memref<2048x4096xf32, #tpu.memory_space<hbm>>) target(%arg19 : memref<8x4096xf32, #tpu.memory_space<vmem>>) offsets(%dma_start3A_113 : memref<8xi32, #tpu.memory_space<vmem>>) semaphore(%arg22 : memref<!tpu.dma_semaphore, #tpu.memory_space<semaphore_mem>>)
    %dma_wait3A_117 = arith.constant 40 : i32
    %dma_wait3A_118 = tpu.memref_slice %arg18[%dma_wait3A_117] : memref<64xi32, #tpu.memory_space<vmem>> -> memref<8xi32, #tpu.memory_space<vmem>>
    %dma_wait3A_119 = arith.constant 0 : i32
    %dma_wait3A_120 = arith.constant 0 : i32
    %dma_wait3A_121 = tpu.memref_slice %arg2[%dma_wait3A_119, %dma_wait3A_120] : memref<2048x4096xf32, #tpu.memory_space<hbm>> -> memref<2048x4096xf32, #tpu.memory_space<hbm>>
    tpu.wait_indirect_dma semaphore(%arg24 : memref<!tpu.dma_semaphore, #tpu.memory_space<semaphore_mem>>) src(%dma_wait3A_121 : memref<2048x4096xf32, #tpu.memory_space<hbm>>) dst(%arg21 : memref<8x4096xf32, #tpu.memory_space<vmem>>)
    %mul3A_122 = arith.constant 32 : i32
    %mul3A_123 = arith.muli %add3A, %mul3A_122 : i32
    %add3A_124 = arith.constant 8 : i32
    %add3A_125 = arith.addi %mul3A_123, %add3A_124 : i32
    %dma_start3A_126 = arith.constant 0 : i32
    %dma_start3A_127 = tpu.memref_slice %arg9[%add3A_125, %dma_start3A_126] : memref<1024x4096xf32, #tpu.memory_space<hbm>> -> memref<8x4096xf32, #tpu.memory_space<hbm>>
    %dma_start3A_128 = arith.constant 0 : i32
    %dma_start3A_129 = tpu.memref_slice %arg9[%add3A_125, %dma_start3A_128] : memref<1024x4096xf32, #tpu.memory_space<hbm>> -> memref<8x4096xf32, #tpu.memory_space<hbm>>
    tpu.enqueue_dma source(%arg21 : memref<8x4096xf32, #tpu.memory_space<vmem>>) target(%dma_start3A_129 : memref<8x4096xf32, #tpu.memory_space<hbm>>) target_semaphore(%arg27 : memref<!tpu.dma_semaphore, #tpu.memory_space<semaphore_mem>>)
    %dma_wait3A_130 = arith.constant 0 : i32
    %dma_wait3A_131 = tpu.memref_slice %arg9[%add3A_103, %dma_wait3A_130] : memref<1024x4096xf32, #tpu.memory_space<hbm>> -> memref<8x4096xf32, #tpu.memory_space<hbm>>
    %dma_wait3A_132 = arith.constant 0 : i32
    %dma_wait3A_133 = tpu.memref_slice %arg9[%add3A_103, %dma_wait3A_132] : memref<1024x4096xf32, #tpu.memory_space<hbm>> -> memref<8x4096xf32, #tpu.memory_space<hbm>>
    tpu.wait_dma2 semaphore(%arg26 : memref<!tpu.dma_semaphore, #tpu.memory_space<semaphore_mem>>) src(%arg20 : memref<8x4096xf32, #tpu.memory_space<vmem>>) dst(%dma_wait3A_133 : memref<8x4096xf32, #tpu.memory_space<hbm>>)
    %dma_start3A_134 = arith.constant 56 : i32
    %dma_start3A_135 = tpu.memref_slice %arg18[%dma_start3A_134] : memref<64xi32, #tpu.memory_space<vmem>> -> memref<8xi32, #tpu.memory_space<vmem>>
    %dma_start3A_136 = arith.constant 0 : i32
    %dma_start3A_137 = arith.constant 0 : i32
    %dma_start3A_138 = tpu.memref_slice %arg2[%dma_start3A_136, %dma_start3A_137] : memref<2048x4096xf32, #tpu.memory_space<hbm>> -> memref<2048x4096xf32, #tpu.memory_space<hbm>>
    tpu.enqueue_indirect_dma source(%dma_start3A_138 : memref<2048x4096xf32, #tpu.memory_space<hbm>>) target(%arg20 : memref<8x4096xf32, #tpu.memory_space<vmem>>) offsets(%dma_start3A_135 : memref<8xi32, #tpu.memory_space<vmem>>) semaphore(%arg23 : memref<!tpu.dma_semaphore, #tpu.memory_space<semaphore_mem>>)
    %dma_wait3A_139 = arith.constant 48 : i32
    %dma_wait3A_140 = tpu.memref_slice %arg18[%dma_wait3A_139] : memref<64xi32, #tpu.memory_space<vmem>> -> memref<8xi32, #tpu.memory_space<vmem>>
    %dma_wait3A_141 = arith.constant 0 : i32
    %dma_wait3A_142 = arith.constant 0 : i32
    %dma_wait3A_143 = tpu.memref_slice %arg2[%dma_wait3A_141, %dma_wait3A_142] : memref<2048x4096xf32, #tpu.memory_space<hbm>> -> memref<2048x4096xf32, #tpu.memory_space<hbm>>
    tpu.wait_indirect_dma semaphore(%arg22 : memref<!tpu.dma_semaphore, #tpu.memory_space<semaphore_mem>>) src(%dma_wait3A_143 : memref<2048x4096xf32, #tpu.memory_space<hbm>>) dst(%arg19 : memref<8x4096xf32, #tpu.memory_space<vmem>>)
    %mul3A_144 = arith.constant 32 : i32
    %mul3A_145 = arith.muli %add3A, %mul3A_144 : i32
    %add3A_146 = arith.constant 16 : i32
    %add3A_147 = arith.addi %mul3A_145, %add3A_146 : i32
    %dma_start3A_148 = arith.constant 0 : i32
    %dma_start3A_149 = tpu.memref_slice %arg9[%add3A_147, %dma_start3A_148] : memref<1024x4096xf32, #tpu.memory_space<hbm>> -> memref<8x4096xf32, #tpu.memory_space<hbm>>
    %dma_start3A_150 = arith.constant 0 : i32
    %dma_start3A_151 = tpu.memref_slice %arg9[%add3A_147, %dma_start3A_150] : memref<1024x4096xf32, #tpu.memory_space<hbm>> -> memref<8x4096xf32, #tpu.memory_space<hbm>>
    tpu.enqueue_dma source(%arg19 : memref<8x4096xf32, #tpu.memory_space<vmem>>) target(%dma_start3A_151 : memref<8x4096xf32, #tpu.memory_space<hbm>>) target_semaphore(%arg25 : memref<!tpu.dma_semaphore, #tpu.memory_space<semaphore_mem>>)
    %dma_wait3A_152 = arith.constant 0 : i32
    %dma_wait3A_153 = tpu.memref_slice %arg9[%add3A_125, %dma_wait3A_152] : memref<1024x4096xf32, #tpu.memory_space<hbm>> -> memref<8x4096xf32, #tpu.memory_space<hbm>>
    %dma_wait3A_154 = arith.constant 0 : i32
    %dma_wait3A_155 = tpu.memref_slice %arg9[%add3A_125, %dma_wait3A_154] : memref<1024x4096xf32, #tpu.memory_space<hbm>> -> memref<8x4096xf32, #tpu.memory_space<hbm>>
    tpu.wait_dma2 semaphore(%arg27 : memref<!tpu.dma_semaphore, #tpu.memory_space<semaphore_mem>>) src(%arg21 : memref<8x4096xf32, #tpu.memory_space<vmem>>) dst(%dma_wait3A_155 : memref<8x4096xf32, #tpu.memory_space<hbm>>)
    %dma_start3A_156 = arith.constant 0 : i32
    %dma_start3A_157 = tpu.memref_slice %arg18[%dma_start3A_156] : memref<64xi32, #tpu.memory_space<vmem>> -> memref<8xi32, #tpu.memory_space<vmem>>
    %dma_start3A_158 = arith.constant 0 : i32
    %dma_start3A_159 = arith.constant 0 : i32
    %dma_start3A_160 = tpu.memref_slice %arg3[%dma_start3A_158, %dma_start3A_159] : memref<2048x4096xf32, #tpu.memory_space<hbm>> -> memref<2048x4096xf32, #tpu.memory_space<hbm>>
    tpu.enqueue_indirect_dma source(%dma_start3A_160 : memref<2048x4096xf32, #tpu.memory_space<hbm>>) target(%arg21 : memref<8x4096xf32, #tpu.memory_space<vmem>>) offsets(%dma_start3A_157 : memref<8xi32, #tpu.memory_space<vmem>>) semaphore(%arg24 : memref<!tpu.dma_semaphore, #tpu.memory_space<semaphore_mem>>)
    %dma_wait3A_161 = arith.constant 56 : i32
    %dma_wait3A_162 = tpu.memref_slice %arg18[%dma_wait3A_161] : memref<64xi32, #tpu.memory_space<vmem>> -> memref<8xi32, #tpu.memory_space<vmem>>
    %dma_wait3A_163 = arith.constant 0 : i32
    %dma_wait3A_164 = arith.constant 0 : i32
    %dma_wait3A_165 = tpu.memref_slice %arg2[%dma_wait3A_163, %dma_wait3A_164] : memref<2048x4096xf32, #tpu.memory_space<hbm>> -> memref<2048x4096xf32, #tpu.memory_space<hbm>>
    tpu.wait_indirect_dma semaphore(%arg23 : memref<!tpu.dma_semaphore, #tpu.memory_space<semaphore_mem>>) src(%dma_wait3A_165 : memref<2048x4096xf32, #tpu.memory_space<hbm>>) dst(%arg20 : memref<8x4096xf32, #tpu.memory_space<vmem>>)
    %mul3A_166 = arith.constant 32 : i32
    %mul3A_167 = arith.muli %add3A, %mul3A_166 : i32
    %add3A_168 = arith.constant 24 : i32
    %add3A_169 = arith.addi %mul3A_167, %add3A_168 : i32
    %dma_start3A_170 = arith.constant 0 : i32
    %dma_start3A_171 = tpu.memref_slice %arg9[%add3A_169, %dma_start3A_170] : memref<1024x4096xf32, #tpu.memory_space<hbm>> -> memref<8x4096xf32, #tpu.memory_space<hbm>>
    %dma_start3A_172 = arith.constant 0 : i32
    %dma_start3A_173 = tpu.memref_slice %arg9[%add3A_169, %dma_start3A_172] : memref<1024x4096xf32, #tpu.memory_space<hbm>> -> memref<8x4096xf32, #tpu.memory_space<hbm>>
    tpu.enqueue_dma source(%arg20 : memref<8x4096xf32, #tpu.memory_space<vmem>>) target(%dma_start3A_173 : memref<8x4096xf32, #tpu.memory_space<hbm>>) target_semaphore(%arg26 : memref<!tpu.dma_semaphore, #tpu.memory_space<semaphore_mem>>)
    %dma_wait3A_174 = arith.constant 0 : i32
    %dma_wait3A_175 = tpu.memref_slice %arg9[%add3A_147, %dma_wait3A_174] : memref<1024x4096xf32, #tpu.memory_space<hbm>> -> memref<8x4096xf32, #tpu.memory_space<hbm>>
    %dma_wait3A_176 = arith.constant 0 : i32
    %dma_wait3A_177 = tpu.memref_slice %arg9[%add3A_147, %dma_wait3A_176] : memref<1024x4096xf32, #tpu.memory_space<hbm>> -> memref<8x4096xf32, #tpu.memory_space<hbm>>
    tpu.wait_dma2 semaphore(%arg25 : memref<!tpu.dma_semaphore, #tpu.memory_space<semaphore_mem>>) src(%arg19 : memref<8x4096xf32, #tpu.memory_space<vmem>>) dst(%dma_wait3A_177 : memref<8x4096xf32, #tpu.memory_space<hbm>>)
    %dma_start3A_178 = arith.constant 8 : i32
    %dma_start3A_179 = tpu.memref_slice %arg18[%dma_start3A_178] : memref<64xi32, #tpu.memory_space<vmem>> -> memref<8xi32, #tpu.memory_space<vmem>>
    %dma_start3A_180 = arith.constant 0 : i32
    %dma_start3A_181 = arith.constant 0 : i32
    %dma_start3A_182 = tpu.memref_slice %arg3[%dma_start3A_180, %dma_start3A_181] : memref<2048x4096xf32, #tpu.memory_space<hbm>> -> memref<2048x4096xf32, #tpu.memory_space<hbm>>
    tpu.enqueue_indirect_dma source(%dma_start3A_182 : memref<2048x4096xf32, #tpu.memory_space<hbm>>) target(%arg19 : memref<8x4096xf32, #tpu.memory_space<vmem>>) offsets(%dma_start3A_179 : memref<8xi32, #tpu.memory_space<vmem>>) semaphore(%arg22 : memref<!tpu.dma_semaphore, #tpu.memory_space<semaphore_mem>>)
    %dma_wait3A_183 = arith.constant 0 : i32
    %dma_wait3A_184 = tpu.memref_slice %arg18[%dma_wait3A_183] : memref<64xi32, #tpu.memory_space<vmem>> -> memref<8xi32, #tpu.memory_space<vmem>>
    %dma_wait3A_185 = arith.constant 0 : i32
    %dma_wait3A_186 = arith.constant 0 : i32
    %dma_wait3A_187 = tpu.memref_slice %arg3[%dma_wait3A_185, %dma_wait3A_186] : memref<2048x4096xf32, #tpu.memory_space<hbm>> -> memref<2048x4096xf32, #tpu.memory_space<hbm>>
    tpu.wait_indirect_dma semaphore(%arg24 : memref<!tpu.dma_semaphore, #tpu.memory_space<semaphore_mem>>) src(%dma_wait3A_187 : memref<2048x4096xf32, #tpu.memory_space<hbm>>) dst(%arg21 : memref<8x4096xf32, #tpu.memory_space<vmem>>)
    %mul3A_188 = arith.constant 8 : i32
    %mul3A_189 = arith.muli %add3A, %mul3A_188 : i32
    %add3A_190 = arith.constant 0 : i32
    %add3A_191 = arith.addi %mul3A_189, %add3A_190 : i32
    %dma_start3A_192 = arith.constant 0 : i32
    %dma_start3A_193 = tpu.memref_slice %arg10[%add3A_191, %dma_start3A_192] : memref<256x4096xf32, #tpu.memory_space<hbm>> -> memref<8x4096xf32, #tpu.memory_space<hbm>>
    %dma_start3A_194 = arith.constant 0 : i32
    %dma_start3A_195 = tpu.memref_slice %arg10[%add3A_191, %dma_start3A_194] : memref<256x4096xf32, #tpu.memory_space<hbm>> -> memref<8x4096xf32, #tpu.memory_space<hbm>>
    tpu.enqueue_dma source(%arg21 : memref<8x4096xf32, #tpu.memory_space<vmem>>) target(%dma_start3A_195 : memref<8x4096xf32, #tpu.memory_space<hbm>>) target_semaphore(%arg27 : memref<!tpu.dma_semaphore, #tpu.memory_space<semaphore_mem>>)
    %dma_wait3A_196 = arith.constant 0 : i32
    %dma_wait3A_197 = tpu.memref_slice %arg9[%add3A_169, %dma_wait3A_196] : memref<1024x4096xf32, #tpu.memory_space<hbm>> -> memref<8x4096xf32, #tpu.memory_space<hbm>>
    %dma_wait3A_198 = arith.constant 0 : i32
    %dma_wait3A_199 = tpu.memref_slice %arg9[%add3A_169, %dma_wait3A_198] : memref<1024x4096xf32, #tpu.memory_space<hbm>> -> memref<8x4096xf32, #tpu.memory_space<hbm>>
    tpu.wait_dma2 semaphore(%arg26 : memref<!tpu.dma_semaphore, #tpu.memory_space<semaphore_mem>>) src(%arg20 : memref<8x4096xf32, #tpu.memory_space<vmem>>) dst(%dma_wait3A_199 : memref<8x4096xf32, #tpu.memory_space<hbm>>)
    %dma_start3A_200 = arith.constant 16 : i32
    %dma_start3A_201 = tpu.memref_slice %arg18[%dma_start3A_200] : memref<64xi32, #tpu.memory_space<vmem>> -> memref<8xi32, #tpu.memory_space<vmem>>
    %dma_start3A_202 = arith.constant 0 : i32
    %dma_start3A_203 = arith.constant 0 : i32
    %dma_start3A_204 = tpu.memref_slice %arg3[%dma_start3A_202, %dma_start3A_203] : memref<2048x4096xf32, #tpu.memory_space<hbm>> -> memref<2048x4096xf32, #tpu.memory_space<hbm>>
    tpu.enqueue_indirect_dma source(%dma_start3A_204 : memref<2048x4096xf32, #tpu.memory_space<hbm>>) target(%arg20 : memref<8x4096xf32, #tpu.memory_space<vmem>>) offsets(%dma_start3A_201 : memref<8xi32, #tpu.memory_space<vmem>>) semaphore(%arg23 : memref<!tpu.dma_semaphore, #tpu.memory_space<semaphore_mem>>)
    %dma_wait3A_205 = arith.constant 8 : i32
    %dma_wait3A_206 = tpu.memref_slice %arg18[%dma_wait3A_205] : memref<64xi32, #tpu.memory_space<vmem>> -> memref<8xi32, #tpu.memory_space<vmem>>
    %dma_wait3A_207 = arith.constant 0 : i32
    %dma_wait3A_208 = arith.constant 0 : i32
    %dma_wait3A_209 = tpu.memref_slice %arg3[%dma_wait3A_207, %dma_wait3A_208] : memref<2048x4096xf32, #tpu.memory_space<hbm>> -> memref<2048x4096xf32, #tpu.memory_space<hbm>>
    tpu.wait_indirect_dma semaphore(%arg22 : memref<!tpu.dma_semaphore, #tpu.memory_space<semaphore_mem>>) src(%dma_wait3A_209 : memref<2048x4096xf32, #tpu.memory_space<hbm>>) dst(%arg19 : memref<8x4096xf32, #tpu.memory_space<vmem>>)
    %mul3A_210 = arith.constant 8 : i32
    %mul3A_211 = arith.muli %add3A, %mul3A_210 : i32
    %add3A_212 = arith.constant 0 : i32
    %add3A_213 = arith.addi %mul3A_211, %add3A_212 : i32
    %dma_start3A_214 = arith.constant 0 : i32
    %dma_start3A_215 = tpu.memref_slice %arg11[%add3A_213, %dma_start3A_214] : memref<256x4096xf32, #tpu.memory_space<hbm>> -> memref<8x4096xf32, #tpu.memory_space<hbm>>
    %dma_start3A_216 = arith.constant 0 : i32
    %dma_start3A_217 = tpu.memref_slice %arg11[%add3A_213, %dma_start3A_216] : memref<256x4096xf32, #tpu.memory_space<hbm>> -> memref<8x4096xf32, #tpu.memory_space<hbm>>
    tpu.enqueue_dma source(%arg19 : memref<8x4096xf32, #tpu.memory_space<vmem>>) target(%dma_start3A_217 : memref<8x4096xf32, #tpu.memory_space<hbm>>) target_semaphore(%arg25 : memref<!tpu.dma_semaphore, #tpu.memory_space<semaphore_mem>>)
    %dma_wait3A_218 = arith.constant 0 : i32
    %dma_wait3A_219 = tpu.memref_slice %arg10[%add3A_191, %dma_wait3A_218] : memref<256x4096xf32, #tpu.memory_space<hbm>> -> memref<8x4096xf32, #tpu.memory_space<hbm>>
    %dma_wait3A_220 = arith.constant 0 : i32
    %dma_wait3A_221 = tpu.memref_slice %arg10[%add3A_191, %dma_wait3A_220] : memref<256x4096xf32, #tpu.memory_space<hbm>> -> memref<8x4096xf32, #tpu.memory_space<hbm>>
    tpu.wait_dma2 semaphore(%arg27 : memref<!tpu.dma_semaphore, #tpu.memory_space<semaphore_mem>>) src(%arg21 : memref<8x4096xf32, #tpu.memory_space<vmem>>) dst(%dma_wait3A_221 : memref<8x4096xf32, #tpu.memory_space<hbm>>)
    %dma_start3A_222 = arith.constant 24 : i32
    %dma_start3A_223 = tpu.memref_slice %arg18[%dma_start3A_222] : memref<64xi32, #tpu.memory_space<vmem>> -> memref<8xi32, #tpu.memory_space<vmem>>
    %dma_start3A_224 = arith.constant 0 : i32
    %dma_start3A_225 = arith.constant 0 : i32
    %dma_start3A_226 = tpu.memref_slice %arg3[%dma_start3A_224, %dma_start3A_225] : memref<2048x4096xf32, #tpu.memory_space<hbm>> -> memref<2048x4096xf32, #tpu.memory_space<hbm>>
    tpu.enqueue_indirect_dma source(%dma_start3A_226 : memref<2048x4096xf32, #tpu.memory_space<hbm>>) target(%arg21 : memref<8x4096xf32, #tpu.memory_space<vmem>>) offsets(%dma_start3A_223 : memref<8xi32, #tpu.memory_space<vmem>>) semaphore(%arg24 : memref<!tpu.dma_semaphore, #tpu.memory_space<semaphore_mem>>)
    %dma_wait3A_227 = arith.constant 16 : i32
    %dma_wait3A_228 = tpu.memref_slice %arg18[%dma_wait3A_227] : memref<64xi32, #tpu.memory_space<vmem>> -> memref<8xi32, #tpu.memory_space<vmem>>
    %dma_wait3A_229 = arith.constant 0 : i32
    %dma_wait3A_230 = arith.constant 0 : i32
    %dma_wait3A_231 = tpu.memref_slice %arg3[%dma_wait3A_229, %dma_wait3A_230] : memref<2048x4096xf32, #tpu.memory_space<hbm>> -> memref<2048x4096xf32, #tpu.memory_space<hbm>>
    tpu.wait_indirect_dma semaphore(%arg23 : memref<!tpu.dma_semaphore, #tpu.memory_space<semaphore_mem>>) src(%dma_wait3A_231 : memref<2048x4096xf32, #tpu.memory_space<hbm>>) dst(%arg20 : memref<8x4096xf32, #tpu.memory_space<vmem>>)
    %mul3A_232 = arith.constant 16 : i32
    %mul3A_233 = arith.muli %add3A, %mul3A_232 : i32
    %add3A_234 = arith.constant 0 : i32
    %add3A_235 = arith.addi %mul3A_233, %add3A_234 : i32
    %dma_start3A_236 = arith.constant 0 : i32
    %dma_start3A_237 = tpu.memref_slice %arg12[%add3A_235, %dma_start3A_236] : memref<512x4096xf32, #tpu.memory_space<hbm>> -> memref<8x4096xf32, #tpu.memory_space<hbm>>
    %dma_start3A_238 = arith.constant 0 : i32
    %dma_start3A_239 = tpu.memref_slice %arg12[%add3A_235, %dma_start3A_238] : memref<512x4096xf32, #tpu.memory_space<hbm>> -> memref<8x4096xf32, #tpu.memory_space<hbm>>
    tpu.enqueue_dma source(%arg20 : memref<8x4096xf32, #tpu.memory_space<vmem>>) target(%dma_start3A_239 : memref<8x4096xf32, #tpu.memory_space<hbm>>) target_semaphore(%arg26 : memref<!tpu.dma_semaphore, #tpu.memory_space<semaphore_mem>>)
    %dma_wait3A_240 = arith.constant 0 : i32
    %dma_wait3A_241 = tpu.memref_slice %arg11[%add3A_213, %dma_wait3A_240] : memref<256x4096xf32, #tpu.memory_space<hbm>> -> memref<8x4096xf32, #tpu.memory_space<hbm>>
    %dma_wait3A_242 = arith.constant 0 : i32
    %dma_wait3A_243 = tpu.memref_slice %arg11[%add3A_213, %dma_wait3A_242] : memref<256x4096xf32, #tpu.memory_space<hbm>> -> memref<8x4096xf32, #tpu.memory_space<hbm>>
    tpu.wait_dma2 semaphore(%arg25 : memref<!tpu.dma_semaphore, #tpu.memory_space<semaphore_mem>>) src(%arg19 : memref<8x4096xf32, #tpu.memory_space<vmem>>) dst(%dma_wait3A_243 : memref<8x4096xf32, #tpu.memory_space<hbm>>)
    %dma_start3A_244 = arith.constant 32 : i32
    %dma_start3A_245 = tpu.memref_slice %arg18[%dma_start3A_244] : memref<64xi32, #tpu.memory_space<vmem>> -> memref<8xi32, #tpu.memory_space<vmem>>
    %dma_start3A_246 = arith.constant 0 : i32
    %dma_start3A_247 = arith.constant 0 : i32
    %dma_start3A_248 = tpu.memref_slice %arg3[%dma_start3A_246, %dma_start3A_247] : memref<2048x4096xf32, #tpu.memory_space<hbm>> -> memref<2048x4096xf32, #tpu.memory_space<hbm>>
    tpu.enqueue_indirect_dma source(%dma_start3A_248 : memref<2048x4096xf32, #tpu.memory_space<hbm>>) target(%arg19 : memref<8x4096xf32, #tpu.memory_space<vmem>>) offsets(%dma_start3A_245 : memref<8xi32, #tpu.memory_space<vmem>>) semaphore(%arg22 : memref<!tpu.dma_semaphore, #tpu.memory_space<semaphore_mem>>)
    %dma_wait3A_249 = arith.constant 24 : i32
    %dma_wait3A_250 = tpu.memref_slice %arg18[%dma_wait3A_249] : memref<64xi32, #tpu.memory_space<vmem>> -> memref<8xi32, #tpu.memory_space<vmem>>
    %dma_wait3A_251 = arith.constant 0 : i32
    %dma_wait3A_252 = arith.constant 0 : i32
    %dma_wait3A_253 = tpu.memref_slice %arg3[%dma_wait3A_251, %dma_wait3A_252] : memref<2048x4096xf32, #tpu.memory_space<hbm>> -> memref<2048x4096xf32, #tpu.memory_space<hbm>>
    tpu.wait_indirect_dma semaphore(%arg24 : memref<!tpu.dma_semaphore, #tpu.memory_space<semaphore_mem>>) src(%dma_wait3A_253 : memref<2048x4096xf32, #tpu.memory_space<hbm>>) dst(%arg21 : memref<8x4096xf32, #tpu.memory_space<vmem>>)
    %mul3A_254 = arith.constant 16 : i32
    %mul3A_255 = arith.muli %add3A, %mul3A_254 : i32
    %add3A_256 = arith.constant 8 : i32
    %add3A_257 = arith.addi %mul3A_255, %add3A_256 : i32
    %dma_start3A_258 = arith.constant 0 : i32
    %dma_start3A_259 = tpu.memref_slice %arg12[%add3A_257, %dma_start3A_258] : memref<512x4096xf32, #tpu.memory_space<hbm>> -> memref<8x4096xf32, #tpu.memory_space<hbm>>
    %dma_start3A_260 = arith.constant 0 : i32
    %dma_start3A_261 = tpu.memref_slice %arg12[%add3A_257, %dma_start3A_260] : memref<512x4096xf32, #tpu.memory_space<hbm>> -> memref<8x4096xf32, #tpu.memory_space<hbm>>
    tpu.enqueue_dma source(%arg21 : memref<8x4096xf32, #tpu.memory_space<vmem>>) target(%dma_start3A_261 : memref<8x4096xf32, #tpu.memory_space<hbm>>) target_semaphore(%arg27 : memref<!tpu.dma_semaphore, #tpu.memory_space<semaphore_mem>>)
    %dma_wait3A_262 = arith.constant 0 : i32
    %dma_wait3A_263 = tpu.memref_slice %arg12[%add3A_235, %dma_wait3A_262] : memref<512x4096xf32, #tpu.memory_space<hbm>> -> memref<8x4096xf32, #tpu.memory_space<hbm>>
    %dma_wait3A_264 = arith.constant 0 : i32
    %dma_wait3A_265 = tpu.memref_slice %arg12[%add3A_235, %dma_wait3A_264] : memref<512x4096xf32, #tpu.memory_space<hbm>> -> memref<8x4096xf32, #tpu.memory_space<hbm>>
    tpu.wait_dma2 semaphore(%arg26 : memref<!tpu.dma_semaphore, #tpu.memory_space<semaphore_mem>>) src(%arg20 : memref<8x4096xf32, #tpu.memory_space<vmem>>) dst(%dma_wait3A_265 : memref<8x4096xf32, #tpu.memory_space<hbm>>)
    %dma_start3A_266 = arith.constant 40 : i32
    %dma_start3A_267 = tpu.memref_slice %arg18[%dma_start3A_266] : memref<64xi32, #tpu.memory_space<vmem>> -> memref<8xi32, #tpu.memory_space<vmem>>
    %dma_start3A_268 = arith.constant 0 : i32
    %dma_start3A_269 = arith.constant 0 : i32
    %dma_start3A_270 = tpu.memref_slice %arg3[%dma_start3A_268, %dma_start3A_269] : memref<2048x4096xf32, #tpu.memory_space<hbm>> -> memref<2048x4096xf32, #tpu.memory_space<hbm>>
    tpu.enqueue_indirect_dma source(%dma_start3A_270 : memref<2048x4096xf32, #tpu.memory_space<hbm>>) target(%arg20 : memref<8x4096xf32, #tpu.memory_space<vmem>>) offsets(%dma_start3A_267 : memref<8xi32, #tpu.memory_space<vmem>>) semaphore(%arg23 : memref<!tpu.dma_semaphore, #tpu.memory_space<semaphore_mem>>)
    %dma_wait3A_271 = arith.constant 32 : i32
    %dma_wait3A_272 = tpu.memref_slice %arg18[%dma_wait3A_271] : memref<64xi32, #tpu.memory_space<vmem>> -> memref<8xi32, #tpu.memory_space<vmem>>
    %dma_wait3A_273 = arith.constant 0 : i32
    %dma_wait3A_274 = arith.constant 0 : i32
    %dma_wait3A_275 = tpu.memref_slice %arg3[%dma_wait3A_273, %dma_wait3A_274] : memref<2048x4096xf32, #tpu.memory_space<hbm>> -> memref<2048x4096xf32, #tpu.memory_space<hbm>>
    tpu.wait_indirect_dma semaphore(%arg22 : memref<!tpu.dma_semaphore, #tpu.memory_space<semaphore_mem>>) src(%dma_wait3A_275 : memref<2048x4096xf32, #tpu.memory_space<hbm>>) dst(%arg19 : memref<8x4096xf32, #tpu.memory_space<vmem>>)
    %mul3A_276 = arith.constant 32 : i32
    %mul3A_277 = arith.muli %add3A, %mul3A_276 : i32
    %add3A_278 = arith.constant 0 : i32
    %add3A_279 = arith.addi %mul3A_277, %add3A_278 : i32
    %dma_start3A_280 = arith.constant 0 : i32
    %dma_start3A_281 = tpu.memref_slice %arg13[%add3A_279, %dma_start3A_280] : memref<1024x4096xf32, #tpu.memory_space<hbm>> -> memref<8x4096xf32, #tpu.memory_space<hbm>>
    %dma_start3A_282 = arith.constant 0 : i32
    %dma_start3A_283 = tpu.memref_slice %arg13[%add3A_279, %dma_start3A_282] : memref<1024x4096xf32, #tpu.memory_space<hbm>> -> memref<8x4096xf32, #tpu.memory_space<hbm>>
    tpu.enqueue_dma source(%arg19 : memref<8x4096xf32, #tpu.memory_space<vmem>>) target(%dma_start3A_283 : memref<8x4096xf32, #tpu.memory_space<hbm>>) target_semaphore(%arg25 : memref<!tpu.dma_semaphore, #tpu.memory_space<semaphore_mem>>)
    %dma_wait3A_284 = arith.constant 0 : i32
    %dma_wait3A_285 = tpu.memref_slice %arg12[%add3A_257, %dma_wait3A_284] : memref<512x4096xf32, #tpu.memory_space<hbm>> -> memref<8x4096xf32, #tpu.memory_space<hbm>>
    %dma_wait3A_286 = arith.constant 0 : i32
    %dma_wait3A_287 = tpu.memref_slice %arg12[%add3A_257, %dma_wait3A_286] : memref<512x4096xf32, #tpu.memory_space<hbm>> -> memref<8x4096xf32, #tpu.memory_space<hbm>>
    tpu.wait_dma2 semaphore(%arg27 : memref<!tpu.dma_semaphore, #tpu.memory_space<semaphore_mem>>) src(%arg21 : memref<8x4096xf32, #tpu.memory_space<vmem>>) dst(%dma_wait3A_287 : memref<8x4096xf32, #tpu.memory_space<hbm>>)
    %dma_start3A_288 = arith.constant 48 : i32
    %dma_start3A_289 = tpu.memref_slice %arg18[%dma_start3A_288] : memref<64xi32, #tpu.memory_space<vmem>> -> memref<8xi32, #tpu.memory_space<vmem>>
    %dma_start3A_290 = arith.constant 0 : i32
    %dma_start3A_291 = arith.constant 0 : i32
    %dma_start3A_292 = tpu.memref_slice %arg3[%dma_start3A_290, %dma_start3A_291] : memref<2048x4096xf32, #tpu.memory_space<hbm>> -> memref<2048x4096xf32, #tpu.memory_space<hbm>>
    tpu.enqueue_indirect_dma source(%dma_start3A_292 : memref<2048x4096xf32, #tpu.memory_space<hbm>>) target(%arg21 : memref<8x4096xf32, #tpu.memory_space<vmem>>) offsets(%dma_start3A_289 : memref<8xi32, #tpu.memory_space<vmem>>) semaphore(%arg24 : memref<!tpu.dma_semaphore, #tpu.memory_space<semaphore_mem>>)
    %dma_wait3A_293 = arith.constant 40 : i32
    %dma_wait3A_294 = tpu.memref_slice %arg18[%dma_wait3A_293] : memref<64xi32, #tpu.memory_space<vmem>> -> memref<8xi32, #tpu.memory_space<vmem>>
    %dma_wait3A_295 = arith.constant 0 : i32
    %dma_wait3A_296 = arith.constant 0 : i32
    %dma_wait3A_297 = tpu.memref_slice %arg3[%dma_wait3A_295, %dma_wait3A_296] : memref<2048x4096xf32, #tpu.memory_space<hbm>> -> memref<2048x4096xf32, #tpu.memory_space<hbm>>
    tpu.wait_indirect_dma semaphore(%arg23 : memref<!tpu.dma_semaphore, #tpu.memory_space<semaphore_mem>>) src(%dma_wait3A_297 : memref<2048x4096xf32, #tpu.memory_space<hbm>>) dst(%arg20 : memref<8x4096xf32, #tpu.memory_space<vmem>>)
    %mul3A_298 = arith.constant 32 : i32
    %mul3A_299 = arith.muli %add3A, %mul3A_298 : i32
    %add3A_300 = arith.constant 8 : i32
    %add3A_301 = arith.addi %mul3A_299, %add3A_300 : i32
    %dma_start3A_302 = arith.constant 0 : i32
    %dma_start3A_303 = tpu.memref_slice %arg13[%add3A_301, %dma_start3A_302] : memref<1024x4096xf32, #tpu.memory_space<hbm>> -> memref<8x4096xf32, #tpu.memory_space<hbm>>
    %dma_start3A_304 = arith.constant 0 : i32
    %dma_start3A_305 = tpu.memref_slice %arg13[%add3A_301, %dma_start3A_304] : memref<1024x4096xf32, #tpu.memory_space<hbm>> -> memref<8x4096xf32, #tpu.memory_space<hbm>>
    tpu.enqueue_dma source(%arg20 : memref<8x4096xf32, #tpu.memory_space<vmem>>) target(%dma_start3A_305 : memref<8x4096xf32, #tpu.memory_space<hbm>>) target_semaphore(%arg26 : memref<!tpu.dma_semaphore, #tpu.memory_space<semaphore_mem>>)
    %dma_wait3A_306 = arith.constant 0 : i32
    %dma_wait3A_307 = tpu.memref_slice %arg13[%add3A_279, %dma_wait3A_306] : memref<1024x4096xf32, #tpu.memory_space<hbm>> -> memref<8x4096xf32, #tpu.memory_space<hbm>>
    %dma_wait3A_308 = arith.constant 0 : i32
    %dma_wait3A_309 = tpu.memref_slice %arg13[%add3A_279, %dma_wait3A_308] : memref<1024x4096xf32, #tpu.memory_space<hbm>> -> memref<8x4096xf32, #tpu.memory_space<hbm>>
    tpu.wait_dma2 semaphore(%arg25 : memref<!tpu.dma_semaphore, #tpu.memory_space<semaphore_mem>>) src(%arg19 : memref<8x4096xf32, #tpu.memory_space<vmem>>) dst(%dma_wait3A_309 : memref<8x4096xf32, #tpu.memory_space<hbm>>)
    %dma_start3A_310 = arith.constant 56 : i32
    %dma_start3A_311 = tpu.memref_slice %arg18[%dma_start3A_310] : memref<64xi32, #tpu.memory_space<vmem>> -> memref<8xi32, #tpu.memory_space<vmem>>
    %dma_start3A_312 = arith.constant 0 : i32
    %dma_start3A_313 = arith.constant 0 : i32
    %dma_start3A_314 = tpu.memref_slice %arg3[%dma_start3A_312, %dma_start3A_313] : memref<2048x4096xf32, #tpu.memory_space<hbm>> -> memref<2048x4096xf32, #tpu.memory_space<hbm>>
    tpu.enqueue_indirect_dma source(%dma_start3A_314 : memref<2048x4096xf32, #tpu.memory_space<hbm>>) target(%arg19 : memref<8x4096xf32, #tpu.memory_space<vmem>>) offsets(%dma_start3A_311 : memref<8xi32, #tpu.memory_space<vmem>>) semaphore(%arg22 : memref<!tpu.dma_semaphore, #tpu.memory_space<semaphore_mem>>)
    %dma_wait3A_315 = arith.constant 48 : i32
    %dma_wait3A_316 = tpu.memref_slice %arg18[%dma_wait3A_315] : memref<64xi32, #tpu.memory_space<vmem>> -> memref<8xi32, #tpu.memory_space<vmem>>
    %dma_wait3A_317 = arith.constant 0 : i32
    %dma_wait3A_318 = arith.constant 0 : i32
    %dma_wait3A_319 = tpu.memref_slice %arg3[%dma_wait3A_317, %dma_wait3A_318] : memref<2048x4096xf32, #tpu.memory_space<hbm>> -> memref<2048x4096xf32, #tpu.memory_space<hbm>>
    tpu.wait_indirect_dma semaphore(%arg24 : memref<!tpu.dma_semaphore, #tpu.memory_space<semaphore_mem>>) src(%dma_wait3A_319 : memref<2048x4096xf32, #tpu.memory_space<hbm>>) dst(%arg21 : memref<8x4096xf32, #tpu.memory_space<vmem>>)
    %mul3A_320 = arith.constant 32 : i32
    %mul3A_321 = arith.muli %add3A, %mul3A_320 : i32
    %add3A_322 = arith.constant 16 : i32
    %add3A_323 = arith.addi %mul3A_321, %add3A_322 : i32
    %dma_start3A_324 = arith.constant 0 : i32
    %dma_start3A_325 = tpu.memref_slice %arg13[%add3A_323, %dma_start3A_324] : memref<1024x4096xf32, #tpu.memory_space<hbm>> -> memref<8x4096xf32, #tpu.memory_space<hbm>>
    %dma_start3A_326 = arith.constant 0 : i32
    %dma_start3A_327 = tpu.memref_slice %arg13[%add3A_323, %dma_start3A_326] : memref<1024x4096xf32, #tpu.memory_space<hbm>> -> memref<8x4096xf32, #tpu.memory_space<hbm>>
    tpu.enqueue_dma source(%arg21 : memref<8x4096xf32, #tpu.memory_space<vmem>>) target(%dma_start3A_327 : memref<8x4096xf32, #tpu.memory_space<hbm>>) target_semaphore(%arg27 : memref<!tpu.dma_semaphore, #tpu.memory_space<semaphore_mem>>)
    %dma_wait3A_328 = arith.constant 0 : i32
    %dma_wait3A_329 = tpu.memref_slice %arg13[%add3A_301, %dma_wait3A_328] : memref<1024x4096xf32, #tpu.memory_space<hbm>> -> memref<8x4096xf32, #tpu.memory_space<hbm>>
    %dma_wait3A_330 = arith.constant 0 : i32
    %dma_wait3A_331 = tpu.memref_slice %arg13[%add3A_301, %dma_wait3A_330] : memref<1024x4096xf32, #tpu.memory_space<hbm>> -> memref<8x4096xf32, #tpu.memory_space<hbm>>
    tpu.wait_dma2 semaphore(%arg26 : memref<!tpu.dma_semaphore, #tpu.memory_space<semaphore_mem>>) src(%arg20 : memref<8x4096xf32, #tpu.memory_space<vmem>>) dst(%dma_wait3A_331 : memref<8x4096xf32, #tpu.memory_space<hbm>>)
    %dma_start3A_332 = arith.constant 0 : i32
    %dma_start3A_333 = tpu.memref_slice %arg18[%dma_start3A_332] : memref<64xi32, #tpu.memory_space<vmem>> -> memref<8xi32, #tpu.memory_space<vmem>>
    %dma_start3A_334 = arith.constant 0 : i32
    %dma_start3A_335 = arith.constant 0 : i32
    %dma_start3A_336 = tpu.memref_slice %arg4[%dma_start3A_334, %dma_start3A_335] : memref<2048x4096xf32, #tpu.memory_space<hbm>> -> memref<2048x4096xf32, #tpu.memory_space<hbm>>
    tpu.enqueue_indirect_dma source(%dma_start3A_336 : memref<2048x4096xf32, #tpu.memory_space<hbm>>) target(%arg20 : memref<8x4096xf32, #tpu.memory_space<vmem>>) offsets(%dma_start3A_333 : memref<8xi32, #tpu.memory_space<vmem>>) semaphore(%arg23 : memref<!tpu.dma_semaphore, #tpu.memory_space<semaphore_mem>>)
    %dma_wait3A_337 = arith.constant 56 : i32
    %dma_wait3A_338 = tpu.memref_slice %arg18[%dma_wait3A_337] : memref<64xi32, #tpu.memory_space<vmem>> -> memref<8xi32, #tpu.memory_space<vmem>>
    %dma_wait3A_339 = arith.constant 0 : i32
    %dma_wait3A_340 = arith.constant 0 : i32
    %dma_wait3A_341 = tpu.memref_slice %arg3[%dma_wait3A_339, %dma_wait3A_340] : memref<2048x4096xf32, #tpu.memory_space<hbm>> -> memref<2048x4096xf32, #tpu.memory_space<hbm>>
    tpu.wait_indirect_dma semaphore(%arg22 : memref<!tpu.dma_semaphore, #tpu.memory_space<semaphore_mem>>) src(%dma_wait3A_341 : memref<2048x4096xf32, #tpu.memory_space<hbm>>) dst(%arg19 : memref<8x4096xf32, #tpu.memory_space<vmem>>)
    %mul3A_342 = arith.constant 32 : i32
    %mul3A_343 = arith.muli %add3A, %mul3A_342 : i32
    %add3A_344 = arith.constant 24 : i32
    %add3A_345 = arith.addi %mul3A_343, %add3A_344 : i32
    %dma_start3A_346 = arith.constant 0 : i32
    %dma_start3A_347 = tpu.memref_slice %arg13[%add3A_345, %dma_start3A_346] : memref<1024x4096xf32, #tpu.memory_space<hbm>> -> memref<8x4096xf32, #tpu.memory_space<hbm>>
    %dma_start3A_348 = arith.constant 0 : i32
    %dma_start3A_349 = tpu.memref_slice %arg13[%add3A_345, %dma_start3A_348] : memref<1024x4096xf32, #tpu.memory_space<hbm>> -> memref<8x4096xf32, #tpu.memory_space<hbm>>
    tpu.enqueue_dma source(%arg19 : memref<8x4096xf32, #tpu.memory_space<vmem>>) target(%dma_start3A_349 : memref<8x4096xf32, #tpu.memory_space<hbm>>) target_semaphore(%arg25 : memref<!tpu.dma_semaphore, #tpu.memory_space<semaphore_mem>>)
    %dma_wait3A_350 = arith.constant 0 : i32
    %dma_wait3A_351 = tpu.memref_slice %arg13[%add3A_323, %dma_wait3A_350] : memref<1024x4096xf32, #tpu.memory_space<hbm>> -> memref<8x4096xf32, #tpu.memory_space<hbm>>
    %dma_wait3A_352 = arith.constant 0 : i32
    %dma_wait3A_353 = tpu.memref_slice %arg13[%add3A_323, %dma_wait3A_352] : memref<1024x4096xf32, #tpu.memory_space<hbm>> -> memref<8x4096xf32, #tpu.memory_space<hbm>>
    tpu.wait_dma2 semaphore(%arg27 : memref<!tpu.dma_semaphore, #tpu.memory_space<semaphore_mem>>) src(%arg21 : memref<8x4096xf32, #tpu.memory_space<vmem>>) dst(%dma_wait3A_353 : memref<8x4096xf32, #tpu.memory_space<hbm>>)
    %dma_start3A_354 = arith.constant 8 : i32
    %dma_start3A_355 = tpu.memref_slice %arg18[%dma_start3A_354] : memref<64xi32, #tpu.memory_space<vmem>> -> memref<8xi32, #tpu.memory_space<vmem>>
    %dma_start3A_356 = arith.constant 0 : i32
    %dma_start3A_357 = arith.constant 0 : i32
    %dma_start3A_358 = tpu.memref_slice %arg4[%dma_start3A_356, %dma_start3A_357] : memref<2048x4096xf32, #tpu.memory_space<hbm>> -> memref<2048x4096xf32, #tpu.memory_space<hbm>>
    tpu.enqueue_indirect_dma source(%dma_start3A_358 : memref<2048x4096xf32, #tpu.memory_space<hbm>>) target(%arg21 : memref<8x4096xf32, #tpu.memory_space<vmem>>) offsets(%dma_start3A_355 : memref<8xi32, #tpu.memory_space<vmem>>) semaphore(%arg24 : memref<!tpu.dma_semaphore, #tpu.memory_space<semaphore_mem>>)
    %dma_wait3A_359 = arith.constant 0 : i32
    %dma_wait3A_360 = tpu.memref_slice %arg18[%dma_wait3A_359] : memref<64xi32, #tpu.memory_space<vmem>> -> memref<8xi32, #tpu.memory_space<vmem>>
    %dma_wait3A_361 = arith.constant 0 : i32
    %dma_wait3A_362 = arith.constant 0 : i32
    %dma_wait3A_363 = tpu.memref_slice %arg4[%dma_wait3A_361, %dma_wait3A_362] : memref<2048x4096xf32, #tpu.memory_space<hbm>> -> memref<2048x4096xf32, #tpu.memory_space<hbm>>
    tpu.wait_indirect_dma semaphore(%arg23 : memref<!tpu.dma_semaphore, #tpu.memory_space<semaphore_mem>>) src(%dma_wait3A_363 : memref<2048x4096xf32, #tpu.memory_space<hbm>>) dst(%arg20 : memref<8x4096xf32, #tpu.memory_space<vmem>>)
    %mul3A_364 = arith.constant 8 : i32
    %mul3A_365 = arith.muli %add3A, %mul3A_364 : i32
    %add3A_366 = arith.constant 0 : i32
    %add3A_367 = arith.addi %mul3A_365, %add3A_366 : i32
    %dma_start3A_368 = arith.constant 0 : i32
    %dma_start3A_369 = tpu.memref_slice %arg14[%add3A_367, %dma_start3A_368] : memref<256x4096xf32, #tpu.memory_space<hbm>> -> memref<8x4096xf32, #tpu.memory_space<hbm>>
    %dma_start3A_370 = arith.constant 0 : i32
    %dma_start3A_371 = tpu.memref_slice %arg14[%add3A_367, %dma_start3A_370] : memref<256x4096xf32, #tpu.memory_space<hbm>> -> memref<8x4096xf32, #tpu.memory_space<hbm>>
    tpu.enqueue_dma source(%arg20 : memref<8x4096xf32, #tpu.memory_space<vmem>>) target(%dma_start3A_371 : memref<8x4096xf32, #tpu.memory_space<hbm>>) target_semaphore(%arg26 : memref<!tpu.dma_semaphore, #tpu.memory_space<semaphore_mem>>)
    %dma_wait3A_372 = arith.constant 0 : i32
    %dma_wait3A_373 = tpu.memref_slice %arg13[%add3A_345, %dma_wait3A_372] : memref<1024x4096xf32, #tpu.memory_space<hbm>> -> memref<8x4096xf32, #tpu.memory_space<hbm>>
    %dma_wait3A_374 = arith.constant 0 : i32
    %dma_wait3A_375 = tpu.memref_slice %arg13[%add3A_345, %dma_wait3A_374] : memref<1024x4096xf32, #tpu.memory_space<hbm>> -> memref<8x4096xf32, #tpu.memory_space<hbm>>
    tpu.wait_dma2 semaphore(%arg25 : memref<!tpu.dma_semaphore, #tpu.memory_space<semaphore_mem>>) src(%arg19 : memref<8x4096xf32, #tpu.memory_space<vmem>>) dst(%dma_wait3A_375 : memref<8x4096xf32, #tpu.memory_space<hbm>>)
    %dma_start3A_376 = arith.constant 16 : i32
    %dma_start3A_377 = tpu.memref_slice %arg18[%dma_start3A_376] : memref<64xi32, #tpu.memory_space<vmem>> -> memref<8xi32, #tpu.memory_space<vmem>>
    %dma_start3A_378 = arith.constant 0 : i32
    %dma_start3A_379 = arith.constant 0 : i32
    %dma_start3A_380 = tpu.memref_slice %arg4[%dma_start3A_378, %dma_start3A_379] : memref<2048x4096xf32, #tpu.memory_space<hbm>> -> memref<2048x4096xf32, #tpu.memory_space<hbm>>
    tpu.enqueue_indirect_dma source(%dma_start3A_380 : memref<2048x4096xf32, #tpu.memory_space<hbm>>) target(%arg19 : memref<8x4096xf32, #tpu.memory_space<vmem>>) offsets(%dma_start3A_377 : memref<8xi32, #tpu.memory_space<vmem>>) semaphore(%arg22 : memref<!tpu.dma_semaphore, #tpu.memory_space<semaphore_mem>>)
    %dma_wait3A_381 = arith.constant 8 : i32
    %dma_wait3A_382 = tpu.memref_slice %arg18[%dma_wait3A_381] : memref<64xi32, #tpu.memory_space<vmem>> -> memref<8xi32, #tpu.memory_space<vmem>>
    %dma_wait3A_383 = arith.constant 0 : i32
    %dma_wait3A_384 = arith.constant 0 : i32
    %dma_wait3A_385 = tpu.memref_slice %arg4[%dma_wait3A_383, %dma_wait3A_384] : memref<2048x4096xf32, #tpu.memory_space<hbm>> -> memref<2048x4096xf32, #tpu.memory_space<hbm>>
    tpu.wait_indirect_dma semaphore(%arg24 : memref<!tpu.dma_semaphore, #tpu.memory_space<semaphore_mem>>) src(%dma_wait3A_385 : memref<2048x4096xf32, #tpu.memory_space<hbm>>) dst(%arg21 : memref<8x4096xf32, #tpu.memory_space<vmem>>)
    %mul3A_386 = arith.constant 8 : i32
    %mul3A_387 = arith.muli %add3A, %mul3A_386 : i32
    %add3A_388 = arith.constant 0 : i32
    %add3A_389 = arith.addi %mul3A_387, %add3A_388 : i32
    %dma_start3A_390 = arith.constant 0 : i32
    %dma_start3A_391 = tpu.memref_slice %arg15[%add3A_389, %dma_start3A_390] : memref<256x4096xf32, #tpu.memory_space<hbm>> -> memref<8x4096xf32, #tpu.memory_space<hbm>>
    %dma_start3A_392 = arith.constant 0 : i32
    %dma_start3A_393 = tpu.memref_slice %arg15[%add3A_389, %dma_start3A_392] : memref<256x4096xf32, #tpu.memory_space<hbm>> -> memref<8x4096xf32, #tpu.memory_space<hbm>>
    tpu.enqueue_dma source(%arg21 : memref<8x4096xf32, #tpu.memory_space<vmem>>) target(%dma_start3A_393 : memref<8x4096xf32, #tpu.memory_space<hbm>>) target_semaphore(%arg27 : memref<!tpu.dma_semaphore, #tpu.memory_space<semaphore_mem>>)
    %dma_wait3A_394 = arith.constant 0 : i32
    %dma_wait3A_395 = tpu.memref_slice %arg14[%add3A_367, %dma_wait3A_394] : memref<256x4096xf32, #tpu.memory_space<hbm>> -> memref<8x4096xf32, #tpu.memory_space<hbm>>
    %dma_wait3A_396 = arith.constant 0 : i32
    %dma_wait3A_397 = tpu.memref_slice %arg14[%add3A_367, %dma_wait3A_396] : memref<256x4096xf32, #tpu.memory_space<hbm>> -> memref<8x4096xf32, #tpu.memory_space<hbm>>
    tpu.wait_dma2 semaphore(%arg26 : memref<!tpu.dma_semaphore, #tpu.memory_space<semaphore_mem>>) src(%arg20 : memref<8x4096xf32, #tpu.memory_space<vmem>>) dst(%dma_wait3A_397 : memref<8x4096xf32, #tpu.memory_space<hbm>>)
    %dma_start3A_398 = arith.constant 24 : i32
    %dma_start3A_399 = tpu.memref_slice %arg18[%dma_start3A_398] : memref<64xi32, #tpu.memory_space<vmem>> -> memref<8xi32, #tpu.memory_space<vmem>>
    %dma_start3A_400 = arith.constant 0 : i32
    %dma_start3A_401 = arith.constant 0 : i32
    %dma_start3A_402 = tpu.memref_slice %arg4[%dma_start3A_400, %dma_start3A_401] : memref<2048x4096xf32, #tpu.memory_space<hbm>> -> memref<2048x4096xf32, #tpu.memory_space<hbm>>
    tpu.enqueue_indirect_dma source(%dma_start3A_402 : memref<2048x4096xf32, #tpu.memory_space<hbm>>) target(%arg20 : memref<8x4096xf32, #tpu.memory_space<vmem>>) offsets(%dma_start3A_399 : memref<8xi32, #tpu.memory_space<vmem>>) semaphore(%arg23 : memref<!tpu.dma_semaphore, #tpu.memory_space<semaphore_mem>>)
    %dma_wait3A_403 = arith.constant 16 : i32
    %dma_wait3A_404 = tpu.memref_slice %arg18[%dma_wait3A_403] : memref<64xi32, #tpu.memory_space<vmem>> -> memref<8xi32, #tpu.memory_space<vmem>>
    %dma_wait3A_405 = arith.constant 0 : i32
    %dma_wait3A_406 = arith.constant 0 : i32
    %dma_wait3A_407 = tpu.memref_slice %arg4[%dma_wait3A_405, %dma_wait3A_406] : memref<2048x4096xf32, #tpu.memory_space<hbm>> -> memref<2048x4096xf32, #tpu.memory_space<hbm>>
    tpu.wait_indirect_dma semaphore(%arg22 : memref<!tpu.dma_semaphore, #tpu.memory_space<semaphore_mem>>) src(%dma_wait3A_407 : memref<2048x4096xf32, #tpu.memory_space<hbm>>) dst(%arg19 : memref<8x4096xf32, #tpu.memory_space<vmem>>)
    %mul3A_408 = arith.constant 16 : i32
    %mul3A_409 = arith.muli %add3A, %mul3A_408 : i32
    %add3A_410 = arith.constant 0 : i32
    %add3A_411 = arith.addi %mul3A_409, %add3A_410 : i32
    %dma_start3A_412 = arith.constant 0 : i32
    %dma_start3A_413 = tpu.memref_slice %arg16[%add3A_411, %dma_start3A_412] : memref<512x4096xf32, #tpu.memory_space<hbm>> -> memref<8x4096xf32, #tpu.memory_space<hbm>>
    %dma_start3A_414 = arith.constant 0 : i32
    %dma_start3A_415 = tpu.memref_slice %arg16[%add3A_411, %dma_start3A_414] : memref<512x4096xf32, #tpu.memory_space<hbm>> -> memref<8x4096xf32, #tpu.memory_space<hbm>>
    tpu.enqueue_dma source(%arg19 : memref<8x4096xf32, #tpu.memory_space<vmem>>) target(%dma_start3A_415 : memref<8x4096xf32, #tpu.memory_space<hbm>>) target_semaphore(%arg25 : memref<!tpu.dma_semaphore, #tpu.memory_space<semaphore_mem>>)
    %dma_wait3A_416 = arith.constant 0 : i32
    %dma_wait3A_417 = tpu.memref_slice %arg15[%add3A_389, %dma_wait3A_416] : memref<256x4096xf32, #tpu.memory_space<hbm>> -> memref<8x4096xf32, #tpu.memory_space<hbm>>
    %dma_wait3A_418 = arith.constant 0 : i32
    %dma_wait3A_419 = tpu.memref_slice %arg15[%add3A_389, %dma_wait3A_418] : memref<256x4096xf32, #tpu.memory_space<hbm>> -> memref<8x4096xf32, #tpu.memory_space<hbm>>
    tpu.wait_dma2 semaphore(%arg27 : memref<!tpu.dma_semaphore, #tpu.memory_space<semaphore_mem>>) src(%arg21 : memref<8x4096xf32, #tpu.memory_space<vmem>>) dst(%dma_wait3A_419 : memref<8x4096xf32, #tpu.memory_space<hbm>>)
    %dma_start3A_420 = arith.constant 32 : i32
    %dma_start3A_421 = tpu.memref_slice %arg18[%dma_start3A_420] : memref<64xi32, #tpu.memory_space<vmem>> -> memref<8xi32, #tpu.memory_space<vmem>>
    %dma_start3A_422 = arith.constant 0 : i32
    %dma_start3A_423 = arith.constant 0 : i32
    %dma_start3A_424 = tpu.memref_slice %arg4[%dma_start3A_422, %dma_start3A_423] : memref<2048x4096xf32, #tpu.memory_space<hbm>> -> memref<2048x4096xf32, #tpu.memory_space<hbm>>
    tpu.enqueue_indirect_dma source(%dma_start3A_424 : memref<2048x4096xf32, #tpu.memory_space<hbm>>) target(%arg21 : memref<8x4096xf32, #tpu.memory_space<vmem>>) offsets(%dma_start3A_421 : memref<8xi32, #tpu.memory_space<vmem>>) semaphore(%arg24 : memref<!tpu.dma_semaphore, #tpu.memory_space<semaphore_mem>>)
    %dma_wait3A_425 = arith.constant 24 : i32
    %dma_wait3A_426 = tpu.memref_slice %arg18[%dma_wait3A_425] : memref<64xi32, #tpu.memory_space<vmem>> -> memref<8xi32, #tpu.memory_space<vmem>>
    %dma_wait3A_427 = arith.constant 0 : i32
    %dma_wait3A_428 = arith.constant 0 : i32
    %dma_wait3A_429 = tpu.memref_slice %arg4[%dma_wait3A_427, %dma_wait3A_428] : memref<2048x4096xf32, #tpu.memory_space<hbm>> -> memref<2048x4096xf32, #tpu.memory_space<hbm>>
    tpu.wait_indirect_dma semaphore(%arg23 : memref<!tpu.dma_semaphore, #tpu.memory_space<semaphore_mem>>) src(%dma_wait3A_429 : memref<2048x4096xf32, #tpu.memory_space<hbm>>) dst(%arg20 : memref<8x4096xf32, #tpu.memory_space<vmem>>)
    %mul3A_430 = arith.constant 16 : i32
    %mul3A_431 = arith.muli %add3A, %mul3A_430 : i32
    %add3A_432 = arith.constant 8 : i32
    %add3A_433 = arith.addi %mul3A_431, %add3A_432 : i32
    %dma_start3A_434 = arith.constant 0 : i32
    %dma_start3A_435 = tpu.memref_slice %arg16[%add3A_433, %dma_start3A_434] : memref<512x4096xf32, #tpu.memory_space<hbm>> -> memref<8x4096xf32, #tpu.memory_space<hbm>>
    %dma_start3A_436 = arith.constant 0 : i32
    %dma_start3A_437 = tpu.memref_slice %arg16[%add3A_433, %dma_start3A_436] : memref<512x4096xf32, #tpu.memory_space<hbm>> -> memref<8x4096xf32, #tpu.memory_space<hbm>>
    tpu.enqueue_dma source(%arg20 : memref<8x4096xf32, #tpu.memory_space<vmem>>) target(%dma_start3A_437 : memref<8x4096xf32, #tpu.memory_space<hbm>>) target_semaphore(%arg26 : memref<!tpu.dma_semaphore, #tpu.memory_space<semaphore_mem>>)
    %dma_wait3A_438 = arith.constant 0 : i32
    %dma_wait3A_439 = tpu.memref_slice %arg16[%add3A_411, %dma_wait3A_438] : memref<512x4096xf32, #tpu.memory_space<hbm>> -> memref<8x4096xf32, #tpu.memory_space<hbm>>
    %dma_wait3A_440 = arith.constant 0 : i32
    %dma_wait3A_441 = tpu.memref_slice %arg16[%add3A_411, %dma_wait3A_440] : memref<512x4096xf32, #tpu.memory_space<hbm>> -> memref<8x4096xf32, #tpu.memory_space<hbm>>
    tpu.wait_dma2 semaphore(%arg25 : memref<!tpu.dma_semaphore, #tpu.memory_space<semaphore_mem>>) src(%arg19 : memref<8x4096xf32, #tpu.memory_space<vmem>>) dst(%dma_wait3A_441 : memref<8x4096xf32, #tpu.memory_space<hbm>>)
    %dma_start3A_442 = arith.constant 40 : i32
    %dma_start3A_443 = tpu.memref_slice %arg18[%dma_start3A_442] : memref<64xi32, #tpu.memory_space<vmem>> -> memref<8xi32, #tpu.memory_space<vmem>>
    %dma_start3A_444 = arith.constant 0 : i32
    %dma_start3A_445 = arith.constant 0 : i32
    %dma_start3A_446 = tpu.memref_slice %arg4[%dma_start3A_444, %dma_start3A_445] : memref<2048x4096xf32, #tpu.memory_space<hbm>> -> memref<2048x4096xf32, #tpu.memory_space<hbm>>
    tpu.enqueue_indirect_dma source(%dma_start3A_446 : memref<2048x4096xf32, #tpu.memory_space<hbm>>) target(%arg19 : memref<8x4096xf32, #tpu.memory_space<vmem>>) offsets(%dma_start3A_443 : memref<8xi32, #tpu.memory_space<vmem>>) semaphore(%arg22 : memref<!tpu.dma_semaphore, #tpu.memory_space<semaphore_mem>>)
    %dma_wait3A_447 = arith.constant 32 : i32
    %dma_wait3A_448 = tpu.memref_slice %arg18[%dma_wait3A_447] : memref<64xi32, #tpu.memory_space<vmem>> -> memref<8xi32, #tpu.memory_space<vmem>>
    %dma_wait3A_449 = arith.constant 0 : i32
    %dma_wait3A_450 = arith.constant 0 : i32
    %dma_wait3A_451 = tpu.memref_slice %arg4[%dma_wait3A_449, %dma_wait3A_450] : memref<2048x4096xf32, #tpu.memory_space<hbm>> -> memref<2048x4096xf32, #tpu.memory_space<hbm>>
    tpu.wait_indirect_dma semaphore(%arg24 : memref<!tpu.dma_semaphore, #tpu.memory_space<semaphore_mem>>) src(%dma_wait3A_451 : memref<2048x4096xf32, #tpu.memory_space<hbm>>) dst(%arg21 : memref<8x4096xf32, #tpu.memory_space<vmem>>)
    %mul3A_452 = arith.constant 32 : i32
    %mul3A_453 = arith.muli %add3A, %mul3A_452 : i32
    %add3A_454 = arith.constant 0 : i32
    %add3A_455 = arith.addi %mul3A_453, %add3A_454 : i32
    %dma_start3A_456 = arith.constant 0 : i32
    %dma_start3A_457 = tpu.memref_slice %arg17[%add3A_455, %dma_start3A_456] : memref<1024x4096xf32, #tpu.memory_space<hbm>> -> memref<8x4096xf32, #tpu.memory_space<hbm>>
    %dma_start3A_458 = arith.constant 0 : i32
    %dma_start3A_459 = tpu.memref_slice %arg17[%add3A_455, %dma_start3A_458] : memref<1024x4096xf32, #tpu.memory_space<hbm>> -> memref<8x4096xf32, #tpu.memory_space<hbm>>
    tpu.enqueue_dma source(%arg21 : memref<8x4096xf32, #tpu.memory_space<vmem>>) target(%dma_start3A_459 : memref<8x4096xf32, #tpu.memory_space<hbm>>) target_semaphore(%arg27 : memref<!tpu.dma_semaphore, #tpu.memory_space<semaphore_mem>>)
    %dma_wait3A_460 = arith.constant 0 : i32
    %dma_wait3A_461 = tpu.memref_slice %arg16[%add3A_433, %dma_wait3A_460] : memref<512x4096xf32, #tpu.memory_space<hbm>> -> memref<8x4096xf32, #tpu.memory_space<hbm>>
    %dma_wait3A_462 = arith.constant 0 : i32
    %dma_wait3A_463 = tpu.memref_slice %arg16[%add3A_433, %dma_wait3A_462] : memref<512x4096xf32, #tpu.memory_space<hbm>> -> memref<8x4096xf32, #tpu.memory_space<hbm>>
    tpu.wait_dma2 semaphore(%arg26 : memref<!tpu.dma_semaphore, #tpu.memory_space<semaphore_mem>>) src(%arg20 : memref<8x4096xf32, #tpu.memory_space<vmem>>) dst(%dma_wait3A_463 : memref<8x4096xf32, #tpu.memory_space<hbm>>)
    %dma_start3A_464 = arith.constant 48 : i32
    %dma_start3A_465 = tpu.memref_slice %arg18[%dma_start3A_464] : memref<64xi32, #tpu.memory_space<vmem>> -> memref<8xi32, #tpu.memory_space<vmem>>
    %dma_start3A_466 = arith.constant 0 : i32
    %dma_start3A_467 = arith.constant 0 : i32
    %dma_start3A_468 = tpu.memref_slice %arg4[%dma_start3A_466, %dma_start3A_467] : memref<2048x4096xf32, #tpu.memory_space<hbm>> -> memref<2048x4096xf32, #tpu.memory_space<hbm>>
    tpu.enqueue_indirect_dma source(%dma_start3A_468 : memref<2048x4096xf32, #tpu.memory_space<hbm>>) target(%arg20 : memref<8x4096xf32, #tpu.memory_space<vmem>>) offsets(%dma_start3A_465 : memref<8xi32, #tpu.memory_space<vmem>>) semaphore(%arg23 : memref<!tpu.dma_semaphore, #tpu.memory_space<semaphore_mem>>)
    %dma_wait3A_469 = arith.constant 40 : i32
    %dma_wait3A_470 = tpu.memref_slice %arg18[%dma_wait3A_469] : memref<64xi32, #tpu.memory_space<vmem>> -> memref<8xi32, #tpu.memory_space<vmem>>
    %dma_wait3A_471 = arith.constant 0 : i32
    %dma_wait3A_472 = arith.constant 0 : i32
    %dma_wait3A_473 = tpu.memref_slice %arg4[%dma_wait3A_471, %dma_wait3A_472] : memref<2048x4096xf32, #tpu.memory_space<hbm>> -> memref<2048x4096xf32, #tpu.memory_space<hbm>>
    tpu.wait_indirect_dma semaphore(%arg22 : memref<!tpu.dma_semaphore, #tpu.memory_space<semaphore_mem>>) src(%dma_wait3A_473 : memref<2048x4096xf32, #tpu.memory_space<hbm>>) dst(%arg19 : memref<8x4096xf32, #tpu.memory_space<vmem>>)
    %mul3A_474 = arith.constant 32 : i32
    %mul3A_475 = arith.muli %add3A, %mul3A_474 : i32
    %add3A_476 = arith.constant 8 : i32
    %add3A_477 = arith.addi %mul3A_475, %add3A_476 : i32
    %dma_start3A_478 = arith.constant 0 : i32
    %dma_start3A_479 = tpu.memref_slice %arg17[%add3A_477, %dma_start3A_478] : memref<1024x4096xf32, #tpu.memory_space<hbm>> -> memref<8x4096xf32, #tpu.memory_space<hbm>>
    %dma_start3A_480 = arith.constant 0 : i32
    %dma_start3A_481 = tpu.memref_slice %arg17[%add3A_477, %dma_start3A_480] : memref<1024x4096xf32, #tpu.memory_space<hbm>> -> memref<8x4096xf32, #tpu.memory_space<hbm>>
    tpu.enqueue_dma source(%arg19 : memref<8x4096xf32, #tpu.memory_space<vmem>>) target(%dma_start3A_481 : memref<8x4096xf32, #tpu.memory_space<hbm>>) target_semaphore(%arg25 : memref<!tpu.dma_semaphore, #tpu.memory_space<semaphore_mem>>)
    %dma_wait3A_482 = arith.constant 0 : i32
    %dma_wait3A_483 = tpu.memref_slice %arg17[%add3A_455, %dma_wait3A_482] : memref<1024x4096xf32, #tpu.memory_space<hbm>> -> memref<8x4096xf32, #tpu.memory_space<hbm>>
    %dma_wait3A_484 = arith.constant 0 : i32
    %dma_wait3A_485 = tpu.memref_slice %arg17[%add3A_455, %dma_wait3A_484] : memref<1024x4096xf32, #tpu.memory_space<hbm>> -> memref<8x4096xf32, #tpu.memory_space<hbm>>
    tpu.wait_dma2 semaphore(%arg27 : memref<!tpu.dma_semaphore, #tpu.memory_space<semaphore_mem>>) src(%arg21 : memref<8x4096xf32, #tpu.memory_space<vmem>>) dst(%dma_wait3A_485 : memref<8x4096xf32, #tpu.memory_space<hbm>>)
    %dma_start3A_486 = arith.constant 56 : i32
    %dma_start3A_487 = tpu.memref_slice %arg18[%dma_start3A_486] : memref<64xi32, #tpu.memory_space<vmem>> -> memref<8xi32, #tpu.memory_space<vmem>>
    %dma_start3A_488 = arith.constant 0 : i32
    %dma_start3A_489 = arith.constant 0 : i32
    %dma_start3A_490 = tpu.memref_slice %arg4[%dma_start3A_488, %dma_start3A_489] : memref<2048x4096xf32, #tpu.memory_space<hbm>> -> memref<2048x4096xf32, #tpu.memory_space<hbm>>
    tpu.enqueue_indirect_dma source(%dma_start3A_490 : memref<2048x4096xf32, #tpu.memory_space<hbm>>) target(%arg21 : memref<8x4096xf32, #tpu.memory_space<vmem>>) offsets(%dma_start3A_487 : memref<8xi32, #tpu.memory_space<vmem>>) semaphore(%arg24 : memref<!tpu.dma_semaphore, #tpu.memory_space<semaphore_mem>>)
    %dma_wait3A_491 = arith.constant 48 : i32
    %dma_wait3A_492 = tpu.memref_slice %arg18[%dma_wait3A_491] : memref<64xi32, #tpu.memory_space<vmem>> -> memref<8xi32, #tpu.memory_space<vmem>>
    %dma_wait3A_493 = arith.constant 0 : i32
    %dma_wait3A_494 = arith.constant 0 : i32
    %dma_wait3A_495 = tpu.memref_slice %arg4[%dma_wait3A_493, %dma_wait3A_494] : memref<2048x4096xf32, #tpu.memory_space<hbm>> -> memref<2048x4096xf32, #tpu.memory_space<hbm>>
    tpu.wait_indirect_dma semaphore(%arg23 : memref<!tpu.dma_semaphore, #tpu.memory_space<semaphore_mem>>) src(%dma_wait3A_495 : memref<2048x4096xf32, #tpu.memory_space<hbm>>) dst(%arg20 : memref<8x4096xf32, #tpu.memory_space<vmem>>)
    %mul3A_496 = arith.constant 32 : i32
    %mul3A_497 = arith.muli %add3A, %mul3A_496 : i32
    %add3A_498 = arith.constant 16 : i32
    %add3A_499 = arith.addi %mul3A_497, %add3A_498 : i32
    %dma_start3A_500 = arith.constant 0 : i32
    %dma_start3A_501 = tpu.memref_slice %arg17[%add3A_499, %dma_start3A_500] : memref<1024x4096xf32, #tpu.memory_space<hbm>> -> memref<8x4096xf32, #tpu.memory_space<hbm>>
    %dma_start3A_502 = arith.constant 0 : i32
    %dma_start3A_503 = tpu.memref_slice %arg17[%add3A_499, %dma_start3A_502] : memref<1024x4096xf32, #tpu.memory_space<hbm>> -> memref<8x4096xf32, #tpu.memory_space<hbm>>
    tpu.enqueue_dma source(%arg20 : memref<8x4096xf32, #tpu.memory_space<vmem>>) target(%dma_start3A_503 : memref<8x4096xf32, #tpu.memory_space<hbm>>) target_semaphore(%arg26 : memref<!tpu.dma_semaphore, #tpu.memory_space<semaphore_mem>>)
    %dma_wait3A_504 = arith.constant 0 : i32
    %dma_wait3A_505 = tpu.memref_slice %arg17[%add3A_477, %dma_wait3A_504] : memref<1024x4096xf32, #tpu.memory_space<hbm>> -> memref<8x4096xf32, #tpu.memory_space<hbm>>
    %dma_wait3A_506 = arith.constant 0 : i32
    %dma_wait3A_507 = tpu.memref_slice %arg17[%add3A_477, %dma_wait3A_506] : memref<1024x4096xf32, #tpu.memory_space<hbm>> -> memref<8x4096xf32, #tpu.memory_space<hbm>>
    tpu.wait_dma2 semaphore(%arg25 : memref<!tpu.dma_semaphore, #tpu.memory_space<semaphore_mem>>) src(%arg19 : memref<8x4096xf32, #tpu.memory_space<vmem>>) dst(%dma_wait3A_507 : memref<8x4096xf32, #tpu.memory_space<hbm>>)
    %dma_wait3A_508 = arith.constant 56 : i32
    %dma_wait3A_509 = tpu.memref_slice %arg18[%dma_wait3A_508] : memref<64xi32, #tpu.memory_space<vmem>> -> memref<8xi32, #tpu.memory_space<vmem>>
    %dma_wait3A_510 = arith.constant 0 : i32
    %dma_wait3A_511 = arith.constant 0 : i32
    %dma_wait3A_512 = tpu.memref_slice %arg4[%dma_wait3A_510, %dma_wait3A_511] : memref<2048x4096xf32, #tpu.memory_space<hbm>> -> memref<2048x4096xf32, #tpu.memory_space<hbm>>
    tpu.wait_indirect_dma semaphore(%arg24 : memref<!tpu.dma_semaphore, #tpu.memory_space<semaphore_mem>>) src(%dma_wait3A_512 : memref<2048x4096xf32, #tpu.memory_space<hbm>>) dst(%arg21 : memref<8x4096xf32, #tpu.memory_space<vmem>>)
    %mul3A_513 = arith.constant 32 : i32
    %mul3A_514 = arith.muli %add3A, %mul3A_513 : i32
    %add3A_515 = arith.constant 24 : i32
    %add3A_516 = arith.addi %mul3A_514, %add3A_515 : i32
    %dma_start3A_517 = arith.constant 0 : i32
    %dma_start3A_518 = tpu.memref_slice %arg17[%add3A_516, %dma_start3A_517] : memref<1024x4096xf32, #tpu.memory_space<hbm>> -> memref<8x4096xf32, #tpu.memory_space<hbm>>
    %dma_start3A_519 = arith.constant 0 : i32
    %dma_start3A_520 = tpu.memref_slice %arg17[%add3A_516, %dma_start3A_519] : memref<1024x4096xf32, #tpu.memory_space<hbm>> -> memref<8x4096xf32, #tpu.memory_space<hbm>>
    tpu.enqueue_dma source(%arg21 : memref<8x4096xf32, #tpu.memory_space<vmem>>) target(%dma_start3A_520 : memref<8x4096xf32, #tpu.memory_space<hbm>>) target_semaphore(%arg27 : memref<!tpu.dma_semaphore, #tpu.memory_space<semaphore_mem>>)
    %dma_wait3A_521 = arith.constant 0 : i32
    %dma_wait3A_522 = tpu.memref_slice %arg17[%add3A_499, %dma_wait3A_521] : memref<1024x4096xf32, #tpu.memory_space<hbm>> -> memref<8x4096xf32, #tpu.memory_space<hbm>>
    %dma_wait3A_523 = arith.constant 0 : i32
    %dma_wait3A_524 = tpu.memref_slice %arg17[%add3A_499, %dma_wait3A_523] : memref<1024x4096xf32, #tpu.memory_space<hbm>> -> memref<8x4096xf32, #tpu.memory_space<hbm>>
    tpu.wait_dma2 semaphore(%arg26 : memref<!tpu.dma_semaphore, #tpu.memory_space<semaphore_mem>>) src(%arg20 : memref<8x4096xf32, #tpu.memory_space<vmem>>) dst(%dma_wait3A_524 : memref<8x4096xf32, #tpu.memory_space<hbm>>)
    %dma_wait3A_525 = arith.constant 0 : i32
    %dma_wait3A_526 = tpu.memref_slice %arg17[%add3A_516, %dma_wait3A_525] : memref<1024x4096xf32, #tpu.memory_space<hbm>> -> memref<8x4096xf32, #tpu.memory_space<hbm>>
    %dma_wait3A_527 = arith.constant 0 : i32
    %dma_wait3A_528 = tpu.memref_slice %arg17[%add3A_516, %dma_wait3A_527] : memref<1024x4096xf32, #tpu.memory_space<hbm>> -> memref<8x4096xf32, #tpu.memory_space<hbm>>
    tpu.wait_dma2 semaphore(%arg27 : memref<!tpu.dma_semaphore, #tpu.memory_space<semaphore_mem>>) src(%arg21 : memref<8x4096xf32, #tpu.memory_space<vmem>>) dst(%dma_wait3A_528 : memref<8x4096xf32, #tpu.memory_space<hbm>>)
    return
  }
}

module attributes {stable_mosaic.version = 14 : i64} {
  func.func @_fused_body(%arg0: i32, %arg1: memref<2x128x4096xf32, #tpu.memory_space<vmem>>, %arg2: memref<2048x1xi32, #tpu.memory_space<vmem>>, %arg3: memref<2048x1xi32, #tpu.memory_space<vmem>>, %arg4: memref<128x1xi32, #tpu.memory_space<vmem>>, %arg5: memref<128x1xi32, #tpu.memory_space<vmem>>, %arg6: memref<256x1xi32, #tpu.memory_space<vmem>>, %arg7: memref<512x1xi32, #tpu.memory_space<vmem>>, %arg8: memref<2048x1xi32, #tpu.memory_space<vmem>>, %arg9: memref<1x1024xf32, #tpu.memory_space<vmem>>) attributes {dimension_semantics = [#tpu.dimension_semantics<arbitrary>], iteration_bounds = array<i64: 8>, scalar_prefetch = 0 : i64, scratch_operands = 1 : i64, tpu.core_type = #tpu.core_type<tc>, window_params = [{transform_indices = @transform_0, window_bounds = array<i64: 2, 128, 4096>}, {pipeline_mode = #tpu.pipeline_mode<synchronous>, transform_indices = @transform_1, window_bounds = array<i64: 2048, 1>}, {pipeline_mode = #tpu.pipeline_mode<synchronous>, transform_indices = @transform_2, window_bounds = array<i64: 2048, 1>}, {pipeline_mode = #tpu.pipeline_mode<synchronous>, transform_indices = @transform_3, window_bounds = array<i64: 128, 1>}, {pipeline_mode = #tpu.pipeline_mode<synchronous>, transform_indices = @transform_4, window_bounds = array<i64: 128, 1>}, {pipeline_mode = #tpu.pipeline_mode<synchronous>, transform_indices = @transform_5, window_bounds = array<i64: 256, 1>}, {pipeline_mode = #tpu.pipeline_mode<synchronous>, transform_indices = @transform_6, window_bounds = array<i64: 512, 1>}, {pipeline_mode = #tpu.pipeline_mode<synchronous>, transform_indices = @transform_7, window_bounds = array<i64: 2048, 1>}]} {
    %get3A = arith.constant 0 : index
    %get3A_0 = arith.constant 0 : index
    %get3A_1 = arith.constant 0 : index
    %get3A_2 = vector.load %arg1[%get3A, %get3A_0, %get3A_1] : memref<2x128x4096xf32, #tpu.memory_space<vmem>>, vector<2x128x4096xf32>
    %abs3A = math.absf %get3A_2 : vector<2x128x4096xf32>
    %slice3A = vector.extract_strided_slice %abs3A {offsets = [0, 0, 0], sizes = [2, 128, 128], strides = [1, 1, 1]} : vector<2x128x4096xf32> to vector<2x128x128xf32>
    %slice3A_3 = vector.extract_strided_slice %abs3A {offsets = [0, 0, 128], sizes = [2, 128, 128], strides = [1, 1, 1]} : vector<2x128x4096xf32> to vector<2x128x128xf32>
    %add3A = arith.addf %slice3A, %slice3A_3 : vector<2x128x128xf32>
    %slice3A_4 = vector.extract_strided_slice %abs3A {offsets = [0, 0, 256], sizes = [2, 128, 128], strides = [1, 1, 1]} : vector<2x128x4096xf32> to vector<2x128x128xf32>
    %add3A_5 = arith.addf %add3A, %slice3A_4 : vector<2x128x128xf32>
    %slice3A_6 = vector.extract_strided_slice %abs3A {offsets = [0, 0, 384], sizes = [2, 128, 128], strides = [1, 1, 1]} : vector<2x128x4096xf32> to vector<2x128x128xf32>
    %add3A_7 = arith.addf %add3A_5, %slice3A_6 : vector<2x128x128xf32>
    %slice3A_8 = vector.extract_strided_slice %abs3A {offsets = [0, 0, 512], sizes = [2, 128, 128], strides = [1, 1, 1]} : vector<2x128x4096xf32> to vector<2x128x128xf32>
    %add3A_9 = arith.addf %add3A_7, %slice3A_8 : vector<2x128x128xf32>
    %slice3A_10 = vector.extract_strided_slice %abs3A {offsets = [0, 0, 640], sizes = [2, 128, 128], strides = [1, 1, 1]} : vector<2x128x4096xf32> to vector<2x128x128xf32>
    %add3A_11 = arith.addf %add3A_9, %slice3A_10 : vector<2x128x128xf32>
    %slice3A_12 = vector.extract_strided_slice %abs3A {offsets = [0, 0, 768], sizes = [2, 128, 128], strides = [1, 1, 1]} : vector<2x128x4096xf32> to vector<2x128x128xf32>
    %add3A_13 = arith.addf %add3A_11, %slice3A_12 : vector<2x128x128xf32>
    %slice3A_14 = vector.extract_strided_slice %abs3A {offsets = [0, 0, 896], sizes = [2, 128, 128], strides = [1, 1, 1]} : vector<2x128x4096xf32> to vector<2x128x128xf32>
    %add3A_15 = arith.addf %add3A_13, %slice3A_14 : vector<2x128x128xf32>
    %slice3A_16 = vector.extract_strided_slice %abs3A {offsets = [0, 0, 1024], sizes = [2, 128, 128], strides = [1, 1, 1]} : vector<2x128x4096xf32> to vector<2x128x128xf32>
    %add3A_17 = arith.addf %add3A_15, %slice3A_16 : vector<2x128x128xf32>
    %slice3A_18 = vector.extract_strided_slice %abs3A {offsets = [0, 0, 1152], sizes = [2, 128, 128], strides = [1, 1, 1]} : vector<2x128x4096xf32> to vector<2x128x128xf32>
    %add3A_19 = arith.addf %add3A_17, %slice3A_18 : vector<2x128x128xf32>
    %slice3A_20 = vector.extract_strided_slice %abs3A {offsets = [0, 0, 1280], sizes = [2, 128, 128], strides = [1, 1, 1]} : vector<2x128x4096xf32> to vector<2x128x128xf32>
    %add3A_21 = arith.addf %add3A_19, %slice3A_20 : vector<2x128x128xf32>
    %slice3A_22 = vector.extract_strided_slice %abs3A {offsets = [0, 0, 1408], sizes = [2, 128, 128], strides = [1, 1, 1]} : vector<2x128x4096xf32> to vector<2x128x128xf32>
    %add3A_23 = arith.addf %add3A_21, %slice3A_22 : vector<2x128x128xf32>
    %slice3A_24 = vector.extract_strided_slice %abs3A {offsets = [0, 0, 1536], sizes = [2, 128, 128], strides = [1, 1, 1]} : vector<2x128x4096xf32> to vector<2x128x128xf32>
    %add3A_25 = arith.addf %add3A_23, %slice3A_24 : vector<2x128x128xf32>
    %slice3A_26 = vector.extract_strided_slice %abs3A {offsets = [0, 0, 1664], sizes = [2, 128, 128], strides = [1, 1, 1]} : vector<2x128x4096xf32> to vector<2x128x128xf32>
    %add3A_27 = arith.addf %add3A_25, %slice3A_26 : vector<2x128x128xf32>
    %slice3A_28 = vector.extract_strided_slice %abs3A {offsets = [0, 0, 1792], sizes = [2, 128, 128], strides = [1, 1, 1]} : vector<2x128x4096xf32> to vector<2x128x128xf32>
    %add3A_29 = arith.addf %add3A_27, %slice3A_28 : vector<2x128x128xf32>
    %slice3A_30 = vector.extract_strided_slice %abs3A {offsets = [0, 0, 1920], sizes = [2, 128, 128], strides = [1, 1, 1]} : vector<2x128x4096xf32> to vector<2x128x128xf32>
    %add3A_31 = arith.addf %add3A_29, %slice3A_30 : vector<2x128x128xf32>
    %slice3A_32 = vector.extract_strided_slice %abs3A {offsets = [0, 0, 2048], sizes = [2, 128, 128], strides = [1, 1, 1]} : vector<2x128x4096xf32> to vector<2x128x128xf32>
    %add3A_33 = arith.addf %add3A_31, %slice3A_32 : vector<2x128x128xf32>
    %slice3A_34 = vector.extract_strided_slice %abs3A {offsets = [0, 0, 2176], sizes = [2, 128, 128], strides = [1, 1, 1]} : vector<2x128x4096xf32> to vector<2x128x128xf32>
    %add3A_35 = arith.addf %add3A_33, %slice3A_34 : vector<2x128x128xf32>
    %slice3A_36 = vector.extract_strided_slice %abs3A {offsets = [0, 0, 2304], sizes = [2, 128, 128], strides = [1, 1, 1]} : vector<2x128x4096xf32> to vector<2x128x128xf32>
    %add3A_37 = arith.addf %add3A_35, %slice3A_36 : vector<2x128x128xf32>
    %slice3A_38 = vector.extract_strided_slice %abs3A {offsets = [0, 0, 2432], sizes = [2, 128, 128], strides = [1, 1, 1]} : vector<2x128x4096xf32> to vector<2x128x128xf32>
    %add3A_39 = arith.addf %add3A_37, %slice3A_38 : vector<2x128x128xf32>
    %slice3A_40 = vector.extract_strided_slice %abs3A {offsets = [0, 0, 2560], sizes = [2, 128, 128], strides = [1, 1, 1]} : vector<2x128x4096xf32> to vector<2x128x128xf32>
    %add3A_41 = arith.addf %add3A_39, %slice3A_40 : vector<2x128x128xf32>
    %slice3A_42 = vector.extract_strided_slice %abs3A {offsets = [0, 0, 2688], sizes = [2, 128, 128], strides = [1, 1, 1]} : vector<2x128x4096xf32> to vector<2x128x128xf32>
    %add3A_43 = arith.addf %add3A_41, %slice3A_42 : vector<2x128x128xf32>
    %slice3A_44 = vector.extract_strided_slice %abs3A {offsets = [0, 0, 2816], sizes = [2, 128, 128], strides = [1, 1, 1]} : vector<2x128x4096xf32> to vector<2x128x128xf32>
    %add3A_45 = arith.addf %add3A_43, %slice3A_44 : vector<2x128x128xf32>
    %slice3A_46 = vector.extract_strided_slice %abs3A {offsets = [0, 0, 2944], sizes = [2, 128, 128], strides = [1, 1, 1]} : vector<2x128x4096xf32> to vector<2x128x128xf32>
    %add3A_47 = arith.addf %add3A_45, %slice3A_46 : vector<2x128x128xf32>
    %slice3A_48 = vector.extract_strided_slice %abs3A {offsets = [0, 0, 3072], sizes = [2, 128, 128], strides = [1, 1, 1]} : vector<2x128x4096xf32> to vector<2x128x128xf32>
    %add3A_49 = arith.addf %add3A_47, %slice3A_48 : vector<2x128x128xf32>
    %slice3A_50 = vector.extract_strided_slice %abs3A {offsets = [0, 0, 3200], sizes = [2, 128, 128], strides = [1, 1, 1]} : vector<2x128x4096xf32> to vector<2x128x128xf32>
    %add3A_51 = arith.addf %add3A_49, %slice3A_50 : vector<2x128x128xf32>
    %slice3A_52 = vector.extract_strided_slice %abs3A {offsets = [0, 0, 3328], sizes = [2, 128, 128], strides = [1, 1, 1]} : vector<2x128x4096xf32> to vector<2x128x128xf32>
    %add3A_53 = arith.addf %add3A_51, %slice3A_52 : vector<2x128x128xf32>
    %slice3A_54 = vector.extract_strided_slice %abs3A {offsets = [0, 0, 3456], sizes = [2, 128, 128], strides = [1, 1, 1]} : vector<2x128x4096xf32> to vector<2x128x128xf32>
    %add3A_55 = arith.addf %add3A_53, %slice3A_54 : vector<2x128x128xf32>
    %slice3A_56 = vector.extract_strided_slice %abs3A {offsets = [0, 0, 3584], sizes = [2, 128, 128], strides = [1, 1, 1]} : vector<2x128x4096xf32> to vector<2x128x128xf32>
    %add3A_57 = arith.addf %add3A_55, %slice3A_56 : vector<2x128x128xf32>
    %slice3A_58 = vector.extract_strided_slice %abs3A {offsets = [0, 0, 3712], sizes = [2, 128, 128], strides = [1, 1, 1]} : vector<2x128x4096xf32> to vector<2x128x128xf32>
    %add3A_59 = arith.addf %add3A_57, %slice3A_58 : vector<2x128x128xf32>
    %slice3A_60 = vector.extract_strided_slice %abs3A {offsets = [0, 0, 3840], sizes = [2, 128, 128], strides = [1, 1, 1]} : vector<2x128x4096xf32> to vector<2x128x128xf32>
    %add3A_61 = arith.addf %add3A_59, %slice3A_60 : vector<2x128x128xf32>
    %slice3A_62 = vector.extract_strided_slice %abs3A {offsets = [0, 0, 3968], sizes = [2, 128, 128], strides = [1, 1, 1]} : vector<2x128x4096xf32> to vector<2x128x128xf32>
    %add3A_63 = arith.addf %add3A_61, %slice3A_62 : vector<2x128x128xf32>
    %transpose3A = tpu.transpose %add3A_63, [0, 2, 1] : vector<2x128x128xf32> -> vector<2x128x128xf32>
    %slice3A_64 = vector.extract_strided_slice %transpose3A {offsets = [0, 0, 0], sizes = [2, 8, 128], strides = [1, 1, 1]} : vector<2x128x128xf32> to vector<2x8x128xf32>
    %slice3A_65 = vector.extract_strided_slice %transpose3A {offsets = [0, 8, 0], sizes = [2, 8, 128], strides = [1, 1, 1]} : vector<2x128x128xf32> to vector<2x8x128xf32>
    %add3A_66 = arith.addf %slice3A_64, %slice3A_65 : vector<2x8x128xf32>
    %slice3A_67 = vector.extract_strided_slice %transpose3A {offsets = [0, 16, 0], sizes = [2, 8, 128], strides = [1, 1, 1]} : vector<2x128x128xf32> to vector<2x8x128xf32>
    %add3A_68 = arith.addf %add3A_66, %slice3A_67 : vector<2x8x128xf32>
    %slice3A_69 = vector.extract_strided_slice %transpose3A {offsets = [0, 24, 0], sizes = [2, 8, 128], strides = [1, 1, 1]} : vector<2x128x128xf32> to vector<2x8x128xf32>
    %add3A_70 = arith.addf %add3A_68, %slice3A_69 : vector<2x8x128xf32>
    %slice3A_71 = vector.extract_strided_slice %transpose3A {offsets = [0, 32, 0], sizes = [2, 8, 128], strides = [1, 1, 1]} : vector<2x128x128xf32> to vector<2x8x128xf32>
    %add3A_72 = arith.addf %add3A_70, %slice3A_71 : vector<2x8x128xf32>
    %slice3A_73 = vector.extract_strided_slice %transpose3A {offsets = [0, 40, 0], sizes = [2, 8, 128], strides = [1, 1, 1]} : vector<2x128x128xf32> to vector<2x8x128xf32>
    %add3A_74 = arith.addf %add3A_72, %slice3A_73 : vector<2x8x128xf32>
    %slice3A_75 = vector.extract_strided_slice %transpose3A {offsets = [0, 48, 0], sizes = [2, 8, 128], strides = [1, 1, 1]} : vector<2x128x128xf32> to vector<2x8x128xf32>
    %add3A_76 = arith.addf %add3A_74, %slice3A_75 : vector<2x8x128xf32>
    %slice3A_77 = vector.extract_strided_slice %transpose3A {offsets = [0, 56, 0], sizes = [2, 8, 128], strides = [1, 1, 1]} : vector<2x128x128xf32> to vector<2x8x128xf32>
    %add3A_78 = arith.addf %add3A_76, %slice3A_77 : vector<2x8x128xf32>
    %slice3A_79 = vector.extract_strided_slice %transpose3A {offsets = [0, 64, 0], sizes = [2, 8, 128], strides = [1, 1, 1]} : vector<2x128x128xf32> to vector<2x8x128xf32>
    %add3A_80 = arith.addf %add3A_78, %slice3A_79 : vector<2x8x128xf32>
    %slice3A_81 = vector.extract_strided_slice %transpose3A {offsets = [0, 72, 0], sizes = [2, 8, 128], strides = [1, 1, 1]} : vector<2x128x128xf32> to vector<2x8x128xf32>
    %add3A_82 = arith.addf %add3A_80, %slice3A_81 : vector<2x8x128xf32>
    %slice3A_83 = vector.extract_strided_slice %transpose3A {offsets = [0, 80, 0], sizes = [2, 8, 128], strides = [1, 1, 1]} : vector<2x128x128xf32> to vector<2x8x128xf32>
    %add3A_84 = arith.addf %add3A_82, %slice3A_83 : vector<2x8x128xf32>
    %slice3A_85 = vector.extract_strided_slice %transpose3A {offsets = [0, 88, 0], sizes = [2, 8, 128], strides = [1, 1, 1]} : vector<2x128x128xf32> to vector<2x8x128xf32>
    %add3A_86 = arith.addf %add3A_84, %slice3A_85 : vector<2x8x128xf32>
    %slice3A_87 = vector.extract_strided_slice %transpose3A {offsets = [0, 96, 0], sizes = [2, 8, 128], strides = [1, 1, 1]} : vector<2x128x128xf32> to vector<2x8x128xf32>
    %add3A_88 = arith.addf %add3A_86, %slice3A_87 : vector<2x8x128xf32>
    %slice3A_89 = vector.extract_strided_slice %transpose3A {offsets = [0, 104, 0], sizes = [2, 8, 128], strides = [1, 1, 1]} : vector<2x128x128xf32> to vector<2x8x128xf32>
    %add3A_90 = arith.addf %add3A_88, %slice3A_89 : vector<2x8x128xf32>
    %slice3A_91 = vector.extract_strided_slice %transpose3A {offsets = [0, 112, 0], sizes = [2, 8, 128], strides = [1, 1, 1]} : vector<2x128x128xf32> to vector<2x8x128xf32>
    %add3A_92 = arith.addf %add3A_90, %slice3A_91 : vector<2x8x128xf32>
    %slice3A_93 = vector.extract_strided_slice %transpose3A {offsets = [0, 120, 0], sizes = [2, 8, 128], strides = [1, 1, 1]} : vector<2x128x128xf32> to vector<2x8x128xf32>
    %add3A_94 = arith.addf %add3A_92, %slice3A_93 : vector<2x8x128xf32>
    %slice3A_95 = vector.extract_strided_slice %add3A_94 {offsets = [0, 0, 0], sizes = [2, 4, 128], strides = [1, 1, 1]} : vector<2x8x128xf32> to vector<2x4x128xf32>
    %slice3A_96 = vector.extract_strided_slice %add3A_94 {offsets = [0, 4, 0], sizes = [2, 4, 128], strides = [1, 1, 1]} : vector<2x8x128xf32> to vector<2x4x128xf32>
    %add3A_97 = arith.addf %slice3A_95, %slice3A_96 : vector<2x4x128xf32>
    %slice3A_98 = vector.extract_strided_slice %add3A_97 {offsets = [0, 0, 0], sizes = [2, 2, 128], strides = [1, 1, 1]} : vector<2x4x128xf32> to vector<2x2x128xf32>
    %slice3A_99 = vector.extract_strided_slice %add3A_97 {offsets = [0, 2, 0], sizes = [2, 2, 128], strides = [1, 1, 1]} : vector<2x4x128xf32> to vector<2x2x128xf32>
    %add3A_100 = arith.addf %slice3A_98, %slice3A_99 : vector<2x2x128xf32>
    %slice3A_101 = vector.extract_strided_slice %add3A_100 {offsets = [0, 0, 0], sizes = [2, 1, 128], strides = [1, 1, 1]} : vector<2x2x128xf32> to vector<2x1x128xf32>
    %slice3A_102 = vector.extract_strided_slice %add3A_100 {offsets = [0, 1, 0], sizes = [2, 1, 128], strides = [1, 1, 1]} : vector<2x2x128xf32> to vector<2x1x128xf32>
    %add3A_103 = arith.addf %slice3A_101, %slice3A_102 : vector<2x1x128xf32>
    %slice3A_104 = vector.extract_strided_slice %add3A_103 {offsets = [0, 0, 0], sizes = [1, 1, 128], strides = [1, 1, 1]} : vector<2x1x128xf32> to vector<1x1x128xf32>
    %mul3A = arith.constant 2.44140625E-4 : f32
    %mul3A_105 = vector.broadcast %mul3A : f32 to vector<1x1x128xf32>
    %mul3A_106 = arith.mulf %slice3A_104, %mul3A_105 : vector<1x1x128xf32>
    %slice3A_107 = vector.extract_strided_slice %add3A_103 {offsets = [1, 0, 0], sizes = [1, 1, 128], strides = [1, 1, 1]} : vector<2x1x128xf32> to vector<1x1x128xf32>
    %mul3A_108 = arith.constant 2.44140625E-4 : f32
    %mul3A_109 = vector.broadcast %mul3A_108 : f32 to vector<1x1x128xf32>
    %mul3A_110 = arith.mulf %slice3A_107, %mul3A_109 : vector<1x1x128xf32>
    %add3A_111 = arith.addf %mul3A_106, %mul3A_110 : vector<1x1x128xf32>
    %mul3A_112 = arith.constant 5.000000e-01 : f32
    %mul3A_113 = vector.broadcast %mul3A_112 : f32 to vector<1x1x128xf32>
    %mul3A_114 = arith.mulf %add3A_111, %mul3A_113 : vector<1x1x128xf32>
    %eq3A = arith.constant 0 : i32
    %eq3A_115 = arith.cmpi eq, %arg0, %eq3A : i32
    %convert_element_type3A = arith.extui %eq3A_115 : i1 to i32
    %cond3A = arith.constant 0 : i32
    %cond3A_116 = arith.cmpi ne, %convert_element_type3A, %cond3A : i32
    scf.if %cond3A_116 {
      %squeeze3A = vector.shape_cast %mul3A_114 : vector<1x1x128xf32> to vector<1x128xf32>
      %swap3A = arith.constant 0 : index
      %swap3A_157 = arith.constant 0 : index
      %swap3A_158 = vector.load %arg9[%swap3A, %swap3A_157] : memref<1x1024xf32, #tpu.memory_space<vmem>>, vector<1x128xf32>
      tpu.vector_store %arg9[%swap3A, %swap3A_157], %squeeze3A {strides = array<i32>} : memref<1x1024xf32, #tpu.memory_space<vmem>>, vector<1x128xf32>,
    } else {
    }
    %eq3A_117 = arith.constant 1 : i32
    %eq3A_118 = arith.cmpi eq, %arg0, %eq3A_117 : i32
    %convert_element_type3A_119 = arith.extui %eq3A_118 : i1 to i32
    %cond3A_120 = arith.constant 0 : i32
    %cond3A_121 = arith.cmpi ne, %convert_element_type3A_119, %cond3A_120 : i32
    scf.if %cond3A_121 {
      %squeeze3A = vector.shape_cast %mul3A_114 : vector<1x1x128xf32> to vector<1x128xf32>
      %swap3A = arith.constant 0 : index
      %swap3A_157 = arith.constant 128 : index
      %swap3A_158 = vector.load %arg9[%swap3A, %swap3A_157] : memref<1x1024xf32, #tpu.memory_space<vmem>>, vector<1x128xf32>
      tpu.vector_store %arg9[%swap3A, %swap3A_157], %squeeze3A {strides = array<i32>} : memref<1x1024xf32, #tpu.memory_space<vmem>>, vector<1x128xf32>,
    } else {
    }
    %eq3A_122 = arith.constant 2 : i32
    %eq3A_123 = arith.cmpi eq, %arg0, %eq3A_122 : i32
    %convert_element_type3A_124 = arith.extui %eq3A_123 : i1 to i32
    %cond3A_125 = arith.constant 0 : i32
    %cond3A_126 = arith.cmpi ne, %convert_element_type3A_124, %cond3A_125 : i32
    scf.if %cond3A_126 {
      %squeeze3A = vector.shape_cast %mul3A_114 : vector<1x1x128xf32> to vector<1x128xf32>
      %swap3A = arith.constant 0 : index
      %swap3A_157 = arith.constant 256 : index
      %swap3A_158 = vector.load %arg9[%swap3A, %swap3A_157] : memref<1x1024xf32, #tpu.memory_space<vmem>>, vector<1x128xf32>
      tpu.vector_store %arg9[%swap3A, %swap3A_157], %squeeze3A {strides = array<i32>} : memref<1x1024xf32, #tpu.memory_space<vmem>>, vector<1x128xf32>,
    } else {
    }
    %eq3A_127 = arith.constant 3 : i32
    %eq3A_128 = arith.cmpi eq, %arg0, %eq3A_127 : i32
    %convert_element_type3A_129 = arith.extui %eq3A_128 : i1 to i32
    %cond3A_130 = arith.constant 0 : i32
    %cond3A_131 = arith.cmpi ne, %convert_element_type3A_129, %cond3A_130 : i32
    scf.if %cond3A_131 {
      %squeeze3A = vector.shape_cast %mul3A_114 : vector<1x1x128xf32> to vector<1x128xf32>
      %swap3A = arith.constant 0 : index
      %swap3A_157 = arith.constant 384 : index
      %swap3A_158 = vector.load %arg9[%swap3A, %swap3A_157] : memref<1x1024xf32, #tpu.memory_space<vmem>>, vector<1x128xf32>
      tpu.vector_store %arg9[%swap3A, %swap3A_157], %squeeze3A {strides = array<i32>} : memref<1x1024xf32, #tpu.memory_space<vmem>>, vector<1x128xf32>,
    } else {
    }
    %eq3A_132 = arith.constant 4 : i32
    %eq3A_133 = arith.cmpi eq, %arg0, %eq3A_132 : i32
    %convert_element_type3A_134 = arith.extui %eq3A_133 : i1 to i32
    %cond3A_135 = arith.constant 0 : i32
    %cond3A_136 = arith.cmpi ne, %convert_element_type3A_134, %cond3A_135 : i32
    scf.if %cond3A_136 {
      %squeeze3A = vector.shape_cast %mul3A_114 : vector<1x1x128xf32> to vector<1x128xf32>
      %swap3A = arith.constant 0 : index
      %swap3A_157 = arith.constant 512 : index
      %swap3A_158 = vector.load %arg9[%swap3A, %swap3A_157] : memref<1x1024xf32, #tpu.memory_space<vmem>>, vector<1x128xf32>
      tpu.vector_store %arg9[%swap3A, %swap3A_157], %squeeze3A {strides = array<i32>} : memref<1x1024xf32, #tpu.memory_space<vmem>>, vector<1x128xf32>,
    } else {
    }
    %eq3A_137 = arith.constant 5 : i32
    %eq3A_138 = arith.cmpi eq, %arg0, %eq3A_137 : i32
    %convert_element_type3A_139 = arith.extui %eq3A_138 : i1 to i32
    %cond3A_140 = arith.constant 0 : i32
    %cond3A_141 = arith.cmpi ne, %convert_element_type3A_139, %cond3A_140 : i32
    scf.if %cond3A_141 {
      %squeeze3A = vector.shape_cast %mul3A_114 : vector<1x1x128xf32> to vector<1x128xf32>
      %swap3A = arith.constant 0 : index
      %swap3A_157 = arith.constant 640 : index
      %swap3A_158 = vector.load %arg9[%swap3A, %swap3A_157] : memref<1x1024xf32, #tpu.memory_space<vmem>>, vector<1x128xf32>
      tpu.vector_store %arg9[%swap3A, %swap3A_157], %squeeze3A {strides = array<i32>} : memref<1x1024xf32, #tpu.memory_space<vmem>>, vector<1x128xf32>,
    } else {
    }
    %eq3A_142 = arith.constant 6 : i32
    %eq3A_143 = arith.cmpi eq, %arg0, %eq3A_142 : i32
    %convert_element_type3A_144 = arith.extui %eq3A_143 : i1 to i32
    %cond3A_145 = arith.constant 0 : i32
    %cond3A_146 = arith.cmpi ne, %convert_element_type3A_144, %cond3A_145 : i32
    scf.if %cond3A_146 {
      %squeeze3A = vector.shape_cast %mul3A_114 : vector<1x1x128xf32> to vector<1x128xf32>
      %swap3A = arith.constant 0 : index
      %swap3A_157 = arith.constant 768 : index
      %swap3A_158 = vector.load %arg9[%swap3A, %swap3A_157] : memref<1x1024xf32, #tpu.memory_space<vmem>>, vector<1x128xf32>
      tpu.vector_store %arg9[%swap3A, %swap3A_157], %squeeze3A {strides = array<i32>} : memref<1x1024xf32, #tpu.memory_space<vmem>>, vector<1x128xf32>,
    } else {
    }
    %eq3A_147 = arith.constant 7 : i32
    %eq3A_148 = arith.cmpi eq, %arg0, %eq3A_147 : i32
    %convert_element_type3A_149 = arith.extui %eq3A_148 : i1 to i32
    %cond3A_150 = arith.constant 0 : i32
    %cond3A_151 = arith.cmpi ne, %convert_element_type3A_149, %cond3A_150 : i32
    scf.if %cond3A_151 {
      %squeeze3A = vector.shape_cast %mul3A_114 : vector<1x1x128xf32> to vector<1x128xf32>
      %swap3A = arith.constant 0 : index
      %swap3A_157 = arith.constant 896 : index
      %swap3A_158 = vector.load %arg9[%swap3A, %swap3A_157] : memref<1x1024xf32, #tpu.memory_space<vmem>>, vector<1x128xf32>
      tpu.vector_store %arg9[%swap3A, %swap3A_157], %squeeze3A {strides = array<i32>} : memref<1x1024xf32, #tpu.memory_space<vmem>>, vector<1x128xf32>,
    } else {
    }
    %eq3A_152 = arith.constant 7 : i32
    %eq3A_153 = arith.cmpi eq, %arg0, %eq3A_152 : i32
    %convert_element_type3A_154 = arith.extui %eq3A_153 : i1 to i32
    %cond3A_155 = arith.constant 0 : i32
    %cond3A_156 = arith.cmpi ne, %convert_element_type3A_154, %cond3A_155 : i32
    scf.if %cond3A_156 {
      %get3A_157 = arith.constant 0 : index
      %get3A_158 = arith.constant 0 : index
      %get3A_159 = vector.load %arg9[%get3A_157, %get3A_158] : memref<1x1024xf32, #tpu.memory_space<vmem>>, vector<1x1024xf32>
      %broadcast_in_dim3A = vector.shape_cast %get3A_159 : vector<1x1024xf32> to vector<1x1024xf32>
      %broadcast_in_dim3A_160 = vector.broadcast %broadcast_in_dim3A : vector<1x1024xf32> to vector<1024x1024xf32>
      %reshape3A = vector.shape_cast %get3A_159 : vector<1x1024xf32> to vector<1024xf32>
      %broadcast_in_dim3A_161 = vector.shape_cast %reshape3A : vector<1024xf32> to vector<1024x1xf32>
      %broadcast_in_dim3A_162 = vector.broadcast %broadcast_in_dim3A_161 : vector<1024x1xf32> to vector<1024x1024xf32>
      %iota3A = tpu.iota {dimensions = array<i32: 0>} : vector<1024x1024xi32>
      %iota3A_163 = tpu.iota {dimensions = array<i32: 1>} : vector<1024x1024xi32>
      %gt3A = arith.cmpf ogt, %broadcast_in_dim3A_162, %broadcast_in_dim3A_160 : vector<1024x1024xf32>
      %eq3A_164 = arith.cmpf oeq, %broadcast_in_dim3A_162, %broadcast_in_dim3A_160 : vector<1024x1024xf32>
      %lt3A = arith.cmpi slt, %iota3A, %iota3A_163 : vector<1024x1024xi32>
      %and3A = arith.andi %eq3A_164, %lt3A : vector<1024x1024xi1>
      %or3A = arith.ori %gt3A, %and3A : vector<1024x1024xi1>
      %convert_element_type3A_165 = arith.extui %or3A : vector<1024x1024xi1> to vector<1024x1024xi32>
      %reduce_sum3A = arith.constant dense<0> : vector<1024xi32>
      %reduce_sum3A_166 = vector.multi_reduction <add>, %convert_element_type3A_165, %reduce_sum3A [0] : vector<1024x1024xi32> to vector<1024xi32>
      %reshape3A_167 = vector.shape_cast %reduce_sum3A_166 : vector<1024xi32> to vector<1x1024xi32>
      %iota3A_168 = tpu.iota {dimensions = array<i32: 0>} : vector<1024x1024xi32>
      %broadcast_in_dim3A_169 = vector.shape_cast %reshape3A_167 : vector<1x1024xi32> to vector<1x1024xi32>
      %broadcast_in_dim3A_170 = vector.broadcast %broadcast_in_dim3A_169 : vector<1x1024xi32> to vector<1024x1024xi32>
      %eq3A_171 = arith.cmpi eq, %broadcast_in_dim3A_170, %iota3A_168 : vector<1024x1024xi32>
      %convert_element_type3A_172 = arith.extui %eq3A_171 : vector<1024x1024xi1> to vector<1024x1024xi32>
      %mul3A_173 = arith.muli %convert_element_type3A_172, %iota3A_163 : vector<1024x1024xi32>
      %reduce_sum3A_174 = arith.constant dense<0> : vector<1024xi32>
      %reduce_sum3A_175 = vector.multi_reduction <add>, %mul3A_173, %reduce_sum3A_174 [1] : vector<1024x1024xi32> to vector<1024xi32>
      %slice3A_176 = vector.extract_strided_slice %reduce_sum3A_175 {offsets = [0], sizes = [128], strides = [1]} : vector<1024xi32> to vector<128xi32>
      %reshape3A_177 = vector.shape_cast %slice3A_176 : vector<128xi32> to vector<128x1xi32>
      %swap3A = arith.constant 0 : index
      %swap3A_178 = arith.constant 0 : index
      %swap3A_179 = vector.load %arg4[%swap3A, %swap3A_178] : memref<128x1xi32, #tpu.memory_space<vmem>>, vector<128x1xi32>
      tpu.vector_store %arg4[%swap3A, %swap3A_178], %reshape3A_177 {strides = array<i32>} : memref<128x1xi32, #tpu.memory_space<vmem>>, vector<128x1xi32>,
      %slice3A_180 = vector.extract_strided_slice %reduce_sum3A_175 {offsets = [128], sizes = [128], strides = [1]} : vector<1024xi32> to vector<128xi32>
      %reshape3A_181 = vector.shape_cast %slice3A_180 : vector<128xi32> to vector<128x1xi32>
      %swap3A_182 = arith.constant 0 : index
      %swap3A_183 = arith.constant 0 : index
      %swap3A_184 = vector.load %arg5[%swap3A_182, %swap3A_183] : memref<128x1xi32, #tpu.memory_space<vmem>>, vector<128x1xi32>
      tpu.vector_store %arg5[%swap3A_182, %swap3A_183], %reshape3A_181 {strides = array<i32>} : memref<128x1xi32, #tpu.memory_space<vmem>>, vector<128x1xi32>,
      %slice3A_185 = vector.extract_strided_slice %reduce_sum3A_175 {offsets = [256], sizes = [256], strides = [1]} : vector<1024xi32> to vector<256xi32>
      %reshape3A_186 = vector.shape_cast %slice3A_185 : vector<256xi32> to vector<256x1xi32>
      %swap3A_187 = arith.constant 0 : index
      %swap3A_188 = arith.constant 0 : index
      %swap3A_189 = vector.load %arg6[%swap3A_187, %swap3A_188] : memref<256x1xi32, #tpu.memory_space<vmem>>, vector<256x1xi32>
      tpu.vector_store %arg6[%swap3A_187, %swap3A_188], %reshape3A_186 {strides = array<i32>} : memref<256x1xi32, #tpu.memory_space<vmem>>, vector<256x1xi32>,
      %slice3A_190 = vector.extract_strided_slice %reduce_sum3A_175 {offsets = [512], sizes = [512], strides = [1]} : vector<1024xi32> to vector<512xi32>
      %reshape3A_191 = vector.shape_cast %slice3A_190 : vector<512xi32> to vector<512x1xi32>
      %swap3A_192 = arith.constant 0 : index
      %swap3A_193 = arith.constant 0 : index
      %swap3A_194 = vector.load %arg7[%swap3A_192, %swap3A_193] : memref<512x1xi32, #tpu.memory_space<vmem>>, vector<512x1xi32>
      tpu.vector_store %arg7[%swap3A_192, %swap3A_193], %reshape3A_191 {strides = array<i32>} : memref<512x1xi32, #tpu.memory_space<vmem>>, vector<512x1xi32>,
      %get3A_195 = arith.constant 0 : index
      %get3A_196 = arith.constant 0 : index
      %get3A_197 = vector.load %arg2[%get3A_195, %get3A_196] : memref<2048x1xi32, #tpu.memory_space<vmem>>, vector<2048x1xi32>
      %get3A_198 = arith.constant 0 : index
      %get3A_199 = arith.constant 0 : index
      %get3A_200 = vector.load %arg3[%get3A_198, %get3A_199] : memref<2048x1xi32, #tpu.memory_space<vmem>>, vector<2048x1xi32>
      %iota3A_201 = tpu.iota {dimensions = array<i32: 1>} : vector<2048x1024xi32>
      %broadcast_in_dim3A_202 = vector.shape_cast %reshape3A_167 : vector<1x1024xi32> to vector<1x1024xi32>
      %broadcast_in_dim3A_203 = vector.broadcast %broadcast_in_dim3A_202 : vector<1x1024xi32> to vector<2048x1024xi32>
      %eq3A_204 = vector.broadcast %get3A_197 : vector<2048x1xi32> to vector<2048x1024xi32>
      %eq3A_205 = arith.cmpi eq, %broadcast_in_dim3A_203, %eq3A_204 : vector<2048x1024xi32>
      %convert_element_type3A_206 = arith.extui %eq3A_205 : vector<2048x1024xi1> to vector<2048x1024xi32>
      %mul3A_207 = arith.muli %convert_element_type3A_206, %iota3A_201 : vector<2048x1024xi32>
      %reduce_sum3A_208 = arith.constant dense<0> : vector<2048xi32>
      %reduce_sum3A_209 = vector.multi_reduction <add>, %mul3A_207, %reduce_sum3A_208 [1] : vector<2048x1024xi32> to vector<2048xi32>
      %reshape3A_210 = vector.shape_cast %reduce_sum3A_209 : vector<2048xi32> to vector<2048x1xi32>
      %add3A_211 = arith.addi %reshape3A_210, %get3A_200 : vector<2048x1xi32>
      %swap3A_212 = arith.constant 0 : index
      %swap3A_213 = arith.constant 0 : index
      %swap3A_214 = vector.load %arg8[%swap3A_212, %swap3A_213] : memref<2048x1xi32, #tpu.memory_space<vmem>>, vector<2048x1xi32>
      tpu.vector_store %arg8[%swap3A_212, %swap3A_213], %add3A_211 {strides = array<i32>} : memref<2048x1xi32, #tpu.memory_space<vmem>>, vector<2048x1xi32>,
    } else {
    }
    return
  }
  func.func @transform_0(%arg0: i32) -> (i32, i32, i32) {
    %c0_i32 = arith.constant 0 : i32
    %c0_i32_0 = arith.constant 0 : i32
    %c0_i32_1 = arith.constant 0 : i32
    return %c0_i32, %arg0, %c0_i32_0 : i32, i32, i32
  }
  func.func @transform_1(%arg0: i32) -> (i32, i32) {
    %c0_i32 = arith.constant 0 : i32
    %c0_i32_0 = arith.constant 0 : i32
    %c0_i32_1 = arith.constant 0 : i32
    return %c0_i32, %c0_i32_0 : i32, i32
  }
  func.func @transform_2(%arg0: i32) -> (i32, i32) {
    %c0_i32 = arith.constant 0 : i32
    %c0_i32_0 = arith.constant 0 : i32
    %c0_i32_1 = arith.constant 0 : i32
    return %c0_i32, %c0_i32_0 : i32, i32
  }
  func.func @transform_3(%arg0: i32) -> (i32, i32) {
    %c0_i32 = arith.constant 0 : i32
    %c0_i32_0 = arith.constant 0 : i32
    %c0_i32_1 = arith.constant 0 : i32
    return %c0_i32, %c0_i32_0 : i32, i32
  }
  func.func @transform_4(%arg0: i32) -> (i32, i32) {
    %c0_i32 = arith.constant 0 : i32
    %c0_i32_0 = arith.constant 0 : i32
    %c0_i32_1 = arith.constant 0 : i32
    return %c0_i32, %c0_i32_0 : i32, i32
  }
  func.func @transform_5(%arg0: i32) -> (i32, i32) {
    %c0_i32 = arith.constant 0 : i32
    %c0_i32_0 = arith.constant 0 : i32
    %c0_i32_1 = arith.constant 0 : i32
    return %c0_i32, %c0_i32_0 : i32, i32
  }
  func.func @transform_6(%arg0: i32) -> (i32, i32) {
    %c0_i32 = arith.constant 0 : i32
    %c0_i32_0 = arith.constant 0 : i32
    %c0_i32_1 = arith.constant 0 : i32
    return %c0_i32, %c0_i32_0 : i32, i32
  }
  func.func @transform_7(%arg0: i32) -> (i32, i32) {
    %c0_i32 = arith.constant 0 : i32
    %c0_i32_0 = arith.constant 0 : i32
    %c0_i32_1 = arith.constant 0 : i32
    return %c0_i32, %c0_i32_0 : i32, i32
  }
}

</mosaic_0001>

<sc_bundles>
// kernel: kernel.4.cloned.1.call-start
scs
__scs_entry_jumppad:
0x0: {  	(pc) =	sbr.rel $0x88, $3  }
0x1: {  	(tag) =	ssettag $0x0;
	lr =	simm.s32 $0x1  }
0x2: {  	[smem:$0x3F9E] =	sst lr;
	_ =	strace $0xD0000000  }
0x3: {  	_ = 	snop  }
0x4: {  	_ = 	snop  }
0x5: {  	_ = 	snop  }
0x6: {  	_ = 	snop  }
0x7: {  	_ = 	snop  }
__scs_overlays_trampoline_lowered:
0x8: {  	[smem:$0x3FAD] =	sst s0  }
0x9: {  	[smem:$0x3FAE] =	sst s1  }
0xa: {  	[smem:$0x3FAF] =	sst s2  }
0xb: {  	[smem:$0x3FB0] =	sst s3  }
0xc: {  	[smem:$0x3FB1] =	sst s4  }
0xd: {  	[smem:$0x3FB2] =	sst s5  }
0xe: {  	[smem:$0x3FB3] =	sst s6  }
0xf: {  	[smem:$0x3FB4] =	sst s7  }
0x10: {  	[smem:$0x3FB5] =	sst s8  }
0x11: {  	[smem:$0x3FB6] =	sst s9;
	s0 =	simm.s32 @!p0 $0x0  }
0x12: {  	s1 =	sld [smem:$0x3F9C];
	s0 =	simm.s32 @p0 $0x1  }
0x13: {  	[smem:$0x3FB7] =	sst s0;
	s0 =	simm.s32 @!p1 $0x0  }
0x14: {  	s2 =	sld [smem:$0x3F9B];
	s0 =	simm.s32 @p1 $0x1  }
0x15: {  	[smem:$0x3FB8] =	sst s0;
	s0 =	simm.s32 @!p2 $0x0  }
0x16: {  	s3 =	sld [smem:$0x3FDB];
	s0 =	simm.s32 @p2 $0x1  }
0x17: {  	s4 =	simm.s32 $0x1BF5;
	[smem:$0x3FBA] =	sst s0  }
0x18: {  	s0 =	sld [smem:$0x3F9D];
	_ =	swait.ge [sflag:s4], $0x0  }
0x19: {  	s7 =	sld [smem:$0x3F9E]  }
0x1a: {  	s8 =	sadd.s32 $0xFFFFE003, lr  }
0x1b: {  	s9 =	sadd.s32 $0xFFFFFEF7, lr;
	s5 =	simm.s32 $0xFFFFFFFF;
	p2 =	slt.u32 s8, $0xFFFFF086  }
0x1c: {  	p1 =	slt.u32 s9, $0xF7A;
	s5 =	simm.s32 @!p2 $0x0  }
0x1d: {  	s5 =	simm.s32 @p1 $0x1;
	p0 =	seq.s32 s7, s2  }
0x1e: {  	s7 =	smul.u32 @!p0 $0xF7A, s2;
	p2 =	seq.s32 @!p0 s5, $0x0  }
0x1f: {  	s9 =	smul.u32 $0xF7A, s1;
	s8 =	simm.s32 @!p0 $0x1BF5;
	p2 =	por !p2, p0  }
0x20: {  	[sflag:s8] =	ssyncset.s32 @!p0 $0xFFFFF086;
	s6 =	sadd.s32 @!p0 s3, s7;
	s7 =	simm.s32 @!p0 $0x108  }
0x21: {  	s3 =	sadd.s32 s3, s9;
	s6 =	sadd.s32 @!p0 $0x88, s6;
	s7 =	simm.s32 @p2 $0x1082  }
0x22: {  	[simem:s7], [sflag:s8] =	dma.local @!p0 [hbm:s6], $0xF7A  }
0x23: {  	s9 =	sor.u32 $0xD0000000, s2;
	s6 =	simm.s32 $0x108;
	_ =	swait.ge @!p0 [sflag:s8], $0x0  }
0x24: {  	s3 =	sadd.s32 $0x88, s3;
	s6 =	simm.s32 @!p1 $0x1082;
	[sflag:s4] =	ssyncset.s32 $0xFFFFF086  }
0x25: {  	[simem:s6], [sflag:s4] =	dma.local [hbm:s3], $0xF7A  }
0x26: {  	[smem:$0x3F9E] =	sst s1;
	(tag) =	ssettag s2;
	_ =	strace s9  }
0x27: {  	s1 =	sld [smem:$0x3FAE]  }
0x28: {  	s2 =	sld [smem:$0x3FAF]  }
0x29: {  	s4 =	sld [smem:$0x3FB1]  }
0x2a: {  	p0 =	seq.s32 s5, $0x0;
	s5 =	sld [smem:$0x3FB2]  }
0x2b: {  	s6 =	sld [smem:$0x3FB3]  }
0x2c: {  	s7 =	sld [smem:$0x3FB4]  }
0x2d: {  	s3 =	simm.s32 $0x108;
	s8 =	sld [smem:$0x3FB5]  }
0x2e: {  	s3 =	simm.s32 @!p0 $0x1082;
	s9 =	sld [smem:$0x3FB6]  }
0x2f: {  	lr =	sadd.s32 s0, s3;
	s0 =	sld [smem:$0x3FAD]  }
0x30: {  	s3 =	sld [smem:$0x3FB0]  }
0x31: {  	[smem:$0x3FB9] =	sst s10  }
0x32: {  	s10 =	sld [smem:$0x3FB7];
	_ =	sdelay $0x3  }
0x33: {  	p0 =	seq.s32 s10, $0x1;
	s10 =	sld [smem:$0x3FB9];
	_ =	sdelay $0x3  }
0x34: {  	[smem:$0x3FB9] =	sst s10  }
0x35: {  	s10 =	sld [smem:$0x3FB8];
	_ =	sdelay $0x3  }
0x36: {  	p1 =	seq.s32 s10, $0x1;
	s10 =	sld [smem:$0x3FB9];
	_ =	sdelay $0x3  }
0x37: {  	[smem:$0x3FB9] =	sst s10  }
0x38: {  	s10 =	sld [smem:$0x3FBA]  }
0x39: {  	_ = 	snop;
	(pc) =	sbr.ind lr, $3  }
0x3a: {  	_ = 	snop  }
0x3b: {  	_ = 	snop  }
0x3c: {  	p2 =	seq.s32 s10, $0x1;
	s10 =	sld [smem:$0x3FB9]  }
0x3d: {  	_ =	shalt  }
0x3e: {  	_ =	shalt  }
0x3f: {  	_ =	shalt  }
0x40: {  	_ =	shalt  }
0x41: {  	_ =	shalt  }
0x42: {  	_ =	shalt  }
0x43: {  	_ =	shalt  }
0x44: {  	_ =	shalt  }
0x45: {  	_ =	shalt  }
0x46: {  	_ =	shalt  }
0x47: {  	_ =	shalt  }
0x48: {  	_ =	shalt  }
0x49: {  	_ =	shalt  }
0x4a: {  	_ =	shalt  }
0x4b: {  	_ =	shalt  }
0x4c: {  	_ =	shalt  }
0x4d: {  	_ =	shalt  }
0x4e: {  	_ =	shalt  }
0x4f: {  	_ =	shalt  }
0x50: {  	_ =	shalt  }
0x51: {  	_ =	shalt  }
0x52: {  	_ =	shalt  }
0x53: {  	_ =	shalt  }
0x54: {  	_ =	shalt  }
0x55: {  	_ =	shalt  }
0x56: {  	_ =	shalt  }
0x57: {  	_ =	shalt  }
0x58: {  	_ =	shalt  }
0x59: {  	_ =	shalt  }
0x5a: {  	_ =	shalt  }
0x5b: {  	_ =	shalt  }
0x5c: {  	_ =	shalt  }
0x5d: {  	_ =	shalt  }
0x5e: {  	_ =	shalt  }
0x5f: {  	_ =	shalt  }
0x60: {  	_ =	shalt  }
0x61: {  	_ =	shalt  }
0x62: {  	_ =	shalt  }
0x63: {  	_ =	shalt  }
0x64: {  	_ =	shalt  }
0x65: {  	_ =	shalt  }
0x66: {  	_ =	shalt  }
0x67: {  	_ =	shalt  }
0x68: {  	_ =	shalt  }
0x69: {  	_ =	shalt  }
0x6a: {  	_ =	shalt  }
0x6b: {  	_ =	shalt  }
0x6c: {  	_ =	shalt  }
0x6d: {  	_ =	shalt  }
0x6e: {  	_ =	shalt  }
0x6f: {  	_ =	shalt  }
0x70: {  	_ =	shalt  }
0x71: {  	_ =	shalt  }
0x72: {  	_ =	shalt  }
0x73: {  	_ =	shalt  }
0x74: {  	_ =	shalt  }
0x75: {  	_ =	shalt  }
0x76: {  	_ =	shalt  }
0x77: {  	_ =	shalt  }
0x78: {  	_ =	shalt  }
0x79: {  	_ =	shalt  }
0x7a: {  	_ =	shalt  }
0x7b: {  	_ =	shalt  }
0x7c: {  	_ =	shalt  }
0x7d: {  	_ =	shalt  }
0x7e: {  	_ =	shalt  }
0x7f: {  	_ =	shalt  }
0x80: {  	_ =	shalt  }
0x81: {  	_ =	shalt  }
0x82: {  	_ =	shalt  }
0x83: {  	_ =	shalt  }
0x84: {  	_ =	shalt  }
0x85: {  	_ =	shalt  }
0x86: {  	_ =	shalt  }
0x87: {  	_ =	shalt  }
.Lfunc_end0:
.L_simem_size_0:
called_computation_lowered:
.L_overlay_start_0:
0x88: {  	s2 =	sld [smem:$0x3FD9]  }
0x89: {  	s3 =	sld [smem:$0x3FFE];
	_ =	sdelay $0x1  }
0x8a: {  	s1 =	srdreg.scid  }
0x8b: {  	s0 =	sand.u32 $0x1, s1  }
0x8c: {  	s22 =	sshll.u32 s0, $0xA;
	s2 =	sadd.s32 s3, s2  }
0x8d: {  	s2 =	sadd.s32 s2, s22  }
0x8e: {  	[smem:$0x3FC5] =	sst s2  }
0x8f: {  	_ = 	snop  }
0x90: {  	s13 =	sld [smem:$0x3FD0]  }
0x91: {  	s2 =	sld [smem:$0x3FC9]  }
0x92: {  	s3 =	sld [smem:$0x3FC8]  }
0x93: {  	s15 =	simm.s32 $0xA;
	s14 =	simm.s32 $0x10;
	s4 =	sld [smem:$0x3FC7]  }
0x94: {  	[smem:s14], [sflag:s15] =	dma.local [hbm:s13], $0x1  }
0x95: {  	_ =	swait.eq [sflag:s15], $0x1  }
0x96: {  	s5 =	sld [smem:$0x10]  }
0x97: {  	s6 =	sld [smem:$0x11]  }
0x98: {  	s7 =	sld [smem:$0x12]  }
0x99: {  	s8 =	sld [smem:$0x13]  }
0x9a: {  	s9 =	sld [smem:$0x14]  }
0x9b: {  	s10 =	sld [smem:$0x15];
	[sflag:s15] =	ssyncset.done $0x0  }
0x9c: {  	s11 =	sld [smem:$0x16];
	[sflag:s15] =	ssyncadd.s32 $0xFFFFFFFF  }
0x9d: {  	s13 =	sadd.s32 $0x1, s13;
	s12 =	sld [smem:$0x17]  }
0x9e: {  	[smem:s14], [sflag:s15] =	dma.local [hbm:s13], $0x1  }
0x9f: {  	_ =	swait.eq [sflag:s15], $0x1  }
0xa0: {  	s13 =	sld [smem:$0x10]  }
0xa1: {  	s14 =	sld [smem:$0x11];
	[sflag:s15] =	ssyncset.done $0x0  }
0xa2: {  	s16 =	sld [smem:$0x12];
	[sflag:s15] =	ssyncadd.s32 $0xFFFFFFFF  }
0xa3: {  	s17 =	sld [smem:$0x13];
	(tm) =	ssettm $0x1  }
0xa4: {  	s23 =	sld [smem:$0x3FFB];
	_ =	sdelay $0x3  }
0xa5: {  	_ =	strace s23  }
0xa6: {  	s15 =	sld [smem:$0x3FFC];
	_ =	sdelay $0x3  }
0xa7: {  	_ =	strace s15  }
0xa8: {  	s15 =	sld [smem:$0x3FFD];
	_ =	sdelay $0x3  }
0xa9: {  	_ =	strace s15  }
0xaa: {  	_ =	strace $0x8FFFFFFF  }
0xab: {  	s24 =	sld [smem:$0x3FDB];
	_ =	sdelay $0x1  }
0xac: {  	s18 =	simm.s32 $_scs_section_size  }
0xad: {  	s19 =	simm.s32 $_size__tile_task_arg_handler_lowered;
	s20 =	simm.s32 $_tile_task_arg_handler_lowered  }
0xae: {  	s28 =	simm.s32 $0x1BFF;
	s26 =	sshll.u32 s20, $0x1;
	s18 =	sadd.s32 s18, s24  }
0xaf: {  	s21 =	simm.s32 $0x60;
	s25 =	sshll.u32 s19, $0x1;
	s19 =	sadd.s32 s26, s18  }
0xb0: {  	[timem:s21], [sflag:s28] =	dma.local [hbm:s19], s25  }
0xb1: {  	_ =	swait.ge [sflag:s28], s25  }
0xb2: {  	s29 =	simm.s32 $_tile_overlayer_lowered;
	s15 =	ssub.s32 $0x0, s25;
	[sflag:s28] =	ssyncset.done $0x0  }
0xb3: {  	s30 =	simm.s32 $_size__tile_overlayer_lowered;
	s19 =	sshll.u32 s29, $0x1;
	[sflag:s28] =	ssyncadd.s32 s15  }
0xb4: {  	s31 =	sshll.u32 s30, $0x1;
	s19 =	sadd.s32 s19, s18;
	s15 =	simm.s32 $0x0  }
0xb5: {  	[timem:s15], [sflag:s28] =	dma.local [hbm:s19], s31  }
0xb6: {  	_ =	swait.ge [sflag:s28], s31  }
0xb7: {  	s22 =	ssub.s32 $0x0, s31;
	[sflag:s28] =	ssyncset.done $0x0  }
0xb8: {  	[sflag:s28] =	ssyncadd.s32 s22;
	_ =	sdelay $0x1  }
0xb9: {  	s23 =	simm.s32 $0x1B8B  }
0xba: {  	_ =	swait.ge [sflag:s23], $0x1  }
0xbb: {  	[sflag:s23] =	ssyncset.done $0x0  }
0xbc: {  	s25 =	simm.s32 $0x1B8E;
	s24 =	sld [smem:$0x3FFE];
	[sflag:s23] =	ssyncadd.s32 $0xFFFFFFFF  }
0xbd: {  	s26 =	simm.s32 $execute0_lowered;
	[smem:$0x3FD2] =	sst s25  }
0xbe: {  	s20 =	sshll.u32 s26, $0x1;
	_ =	strace $0x80000046;
	[dreg:$0x1] =	wrdreg $0xFFFFFFFF  }
0xbf: {  	s18 =	sadd.s32 s18, s20;
	s28 =	simm.s32 $_size_execute0_lowered;
	[dreg:$0x0] =	wrdreg $0x0  }
0xc0: {  	s20 =	sshll.u32 s28, $0x1;
	[dreg:$0x2] =	wrdreg s18  }
0xc1: {  	[dreg:$0x3] =	wrdreg s20  }
0xc2: {  	[dreg:$0x4] =	wrdreg $0xC0  }
0xc3: {  	_ =	task [dreg:s15], $0x5FFFF  }
0xc4: {  	[dreg:$0x1] =	wrdreg $0xFFFFFFFF  }
0xc5: {  	[dreg:$0x0] =	wrdreg $0x30  }
0xc6: {  	[dreg:$0x2] =	wrdreg $0x0  }
0xc7: {  	[dreg:$0x3] =	wrdreg s16  }
0xc8: {  	[dreg:$0x4] =	wrdreg s17  }
0xc9: {  	[dreg:$0x5] =	wrdreg $0x9  }
0xca: {  	_ =	task [dreg:s15], $0x6FFFF  }
0xcb: {  	[dreg:$0x1] =	wrdreg $0xFFFFFFFF  }
0xcc: {  	[dreg:$0x0] =	wrdreg $0x60  }
0xcd: {  	[dreg:$0x2] =	wrdreg s2  }
0xce: {  	[dreg:$0x3] =	wrdreg s3  }
0xcf: {  	[dreg:$0x4] =	wrdreg s4  }
0xd0: {  	[dreg:$0x5] =	wrdreg s24  }
0xd1: {  	[dreg:$0x6] =	wrdreg s5  }
0xd2: {  	[dreg:$0x7] =	wrdreg s6  }
0xd3: {  	[dreg:$0x8] =	wrdreg s7  }
0xd4: {  	[dreg:$0x9] =	wrdreg s8  }
0xd5: {  	[dreg:$0xa] =	wrdreg s9  }
0xd6: {  	[dreg:$0xb] =	wrdreg s10  }
0xd7: {  	[dreg:$0xc] =	wrdreg s11  }
0xd8: {  	[dreg:$0xd] =	wrdreg s12  }
0xd9: {  	[dreg:$0xe] =	wrdreg s13  }
0xda: {  	[dreg:$0xf] =	wrdreg s14  }
0xdb: {  	_ =	task.clear_ibuf [dreg:s15], $0x10FFFF;
	_ =	strace $0x90000046  }
0xdc: {  	s29 =	simm.s32 $0x9;
	_ =	strace $0x80000048  }
0xdd: {  	_ =	swait.ge [sflag:s29], $0x1  }
0xde: {  	[sflag:s29] =	ssyncadd.s32 $0xFFFFFFFF  }
0xdf: {  	_ =	strace $0x90000048  }
0xe0: {  	_ =	sfence  }
0xe1: {  	s30 =	sld [smem:$0x0];
	_ =	sdelay $0x2  }
0xe2: {  	s31 =	sshll.u32 s1, $0xD;
	s1 =	sshrl.u32 s1, $0x2  }
0xe3: {  	s3 =	sand.u32 $0x4000, s31;
	s1 =	sadd.s32 s1, s30  }
0xe4: {  	s0 =	sor.u32 s3, s0;
	s1 =	sshll.u32 s1, $0x11  }
0xe5: {  	s0 =	sor.u32 s1, s0  }
0xe6: {  	s0 =	sadd.s32 $0x8F2B, s0  }
0xe7: {  	[sflag:s0] =	ssyncadd.remote.s32 $0x1  }
0xe8: {  	_ =	sfence.sel $0xFFFF  }
0xe9: {  	[dreg:$0x0] =	wrdreg $0xFFFFFFFF;
	(pc) =	sbr.abs _section_cstart, $3  }
0xea: {  	[dreg:$0x1] =	wrdreg $0xFFFFFFFF  }
0xeb: {  	_ =	task.clear_ibuf [dreg:s15], $0x2FFFF;
	_ =	strace $0x9FFFFFFF  }
0xec: {  	(tm) =	ssettm $0x7FFFFFFF  }
0xed: {  	_ =	shalt  }
tec
_tile_task_arg_handler_lowered:
.L_overlay_start_1:
0x0: {  	(tag) =	ssettag $0x1  }
0x1: {  	s0 =	rddreg [dreg:$0x0]  }
0x2: {  	s1 =	rddreg [dreg:$0x1]  }
0x3: {  	s2 =	rddreg [dreg:$0x2]  }
0x4: {  	s3 =	rddreg [dreg:$0x3]  }
0x5: {  	s4 =	rddreg [dreg:$0x4]  }
0x6: {  	s5 =	rddreg [dreg:$0x5]  }
0x7: {  	s6 =	rddreg [dreg:$0x6]  }
0x8: {  	s7 =	rddreg [dreg:$0x7]  }
0x9: {  	s8 =	rddreg [dreg:$0x8]  }
0xa: {  	s9 =	rddreg [dreg:$0x9]  }
0xb: {  	s10 =	rddreg [dreg:$0xa]  }
0xc: {  	s11 =	rddreg [dreg:$0xb]  }
0xd: {  	s12 =	rddreg [dreg:$0xc]  }
0xe: {  	s13 =	rddreg [dreg:$0xd]  }
0xf: {  	[smem:s0] =	sst s1  }
0x10: {  	[smem:s0+$0x1] =	sst s2  }
0x11: {  	[smem:s0+$0x2] =	sst s3  }
0x12: {  	[smem:s0+$0x3] =	sst s4  }
0x13: {  	[smem:s0+$0x4] =	sst s5  }
0x14: {  	[smem:s0+$0x5] =	sst s6  }
0x15: {  	[smem:s0+$0x6] =	sst s7  }
0x16: {  	[smem:s0+$0x7] =	sst s8  }
0x17: {  	[smem:s0+$0x8] =	sst s9  }
0x18: {  	[smem:s0+$0x9] =	sst s10  }
0x19: {  	[smem:s0+$0xA] =	sst s11  }
0x1a: {  	[smem:s0+$0xB] =	sst s12  }
0x1b: {  	[smem:s0+$0xC] =	sst s13;
	_ =	shalt  }
.Lfunc_end2:
execute0_lowered:
.L_overlay_start_2:
0x1c: {  	(tag) =	ssettag $0x2  }
0x1d: {  	s20 =	rddreg [dreg:$0x0]  }
0x1e: {  	s21 =	rddreg [dreg:$0x1]  }
0x1f: {  	s22 =	rddreg [dreg:$0x2]  }
0x20: {  	s6 =	rddreg [dreg:$0x3]  }
0x21: {  	s7 =	rddreg [dreg:$0x4]  }
0x22: {  	s8 =	rddreg [dreg:$0x5]  }
0x23: {  	s9 =	rddreg [dreg:$0x6]  }
0x24: {  	s10 =	rddreg [dreg:$0x7]  }
0x25: {  	s11 =	rddreg [dreg:$0x8]  }
0x26: {  	s12 =	rddreg [dreg:$0x9]  }
0x27: {  	s13 =	rddreg [dreg:$0xa]  }
0x28: {  	s5 =	rddreg [dreg:$0xb]  }
0x29: {  	s3 =	rddreg [dreg:$0xc]  }
0x2a: {  	s2 =	rddreg [dreg:$0xd];
	s4 =	simm.s32 $0x0;
	s0 =	srdreg.scid  }
0x2b: {  	s15 =	stileid.u32;
	[smem:$0x7FF] =	sst s4  }
0x2c: {  	s14 =	sand.u32 $0x1, s0;
	s15 =	sshll.u32 s15, $0x1;
	s16 =	sld [smem:$0x2]  }
0x2d: {  	s1 =	sld [smem:$0x0];
	s15 =	sor.u32 s14, s15  }
0x2e: {  	s0 =	sld [smem:$0x1];
	s23 =	sshll.u32 s15, $0x3  }
0x2f: {  	s6 =	sadd.s32 s6, s23;
	[smem:$0x7C9] =	sst s16;
	s16 =	sshll.u32 s15, $0xC  }
0x30: {  	_ =	strace $0x80000047;
	[dreg:$0xe] =	wrdreg s6;
	s24 =	sadd.s32 s7, s16  }
0x31: {  	s25 =	sadd.s32 s8, s16;
	[dreg:$0xf] =	wrdreg s24  }
0x32: {  	s3 =	sadd.s32 s3, s16;
	[dreg:$0x10] =	wrdreg s25  }
0x33: {  	s7 =	sshll.u32 s15, $0xD;
	s2 =	sadd.s32 s2, s16;
	[dreg:$0x1f] =	wrdreg s3  }
0x34: {  	s26 =	sadd.s32 s9, s7;
	[smem:$0x7D4] =	sst s2  }
0x35: {  	s25 =	sadd.s32 s11, s16;
	[dreg:$0x11] =	wrdreg s26  }
0x36: {  	s6 =	sadd.s32 s1, s7;
	[dreg:$0x17] =	wrdreg s25  }
0x37: {  	s2 =	sadd.s32 $0x800, s21;
	[smem:$0x7D6] =	sst s6  }
0x38: {  	s8 =	sor.u32 $0x1000, s7;
	s3 =	sadd.s32 $0x900, s21;
	[smem:$0x7E7] =	sst s2  }
0x39: {  	s17 =	sadd.s32 s9, s8;
	[smem:$0x7E8] =	sst s3  }
0x3a: {  	s26 =	sadd.s32 $0x100, s20;
	[dreg:$0x12] =	wrdreg s17  }
0x3b: {  	s25 =	sadd.s32 s13, s8;
	[smem:$0x7CA] =	sst s26  }
0x3c: {  	s1 =	sadd.s32 s1, s8;
	s8 =	sadd.s32 $0xC00, s20;
	[dreg:$0x1a] =	wrdreg s25  }
0x3d: {  	[smem:$0x7D7] =	sst s8  }
0x3e: {  	s9 =	sshll.u32 s15, $0xE;
	s6 =	sadd.s32 $0xB00, s21;
	[smem:$0x7D8] =	sst s1  }
0x3f: {  	s18 =	sadd.s32 s10, s9;
	[smem:$0x7EA] =	sst s6  }
0x40: {  	s26 =	sadd.s32 $0x400, s20;
	[dreg:$0x13] =	wrdreg s18  }
0x41: {  	s25 =	sadd.s32 $0x800, s20;
	[smem:$0x7CD] =	sst s26  }
0x42: {  	s11 =	sadd.s32 s0, s9;
	[smem:$0x7D1] =	sst s25  }
0x43: {  	s15 =	sor.u32 $0x1000, s9;
	s8 =	sadd.s32 $0xD00, s21;
	[smem:$0x7DA] =	sst s11  }
0x44: {  	s17 =	sor.u32 $0x2000, s9;
	s19 =	sadd.s32 s10, s15;
	[smem:$0x7EC] =	sst s8  }
0x45: {  	s23 =	sadd.s32 s10, s17;
	[dreg:$0x14] =	wrdreg s19  }
0x46: {  	s26 =	sadd.s32 $0x900, s20;
	[dreg:$0x15] =	wrdreg s23  }
0x47: {  	s25 =	sadd.s32 $0x600, s21;
	[smem:$0x7D2] =	sst s26  }
0x48: {  	s18 =	sor.u32 $0x3000, s9;
	s11 =	sadd.s32 $0x100, s22;
	[smem:$0x7E5] =	sst s25  }
0x49: {  	s24 =	sadd.s32 s10, s18;
	[smem:$0x7EF] =	sst s11  }
0x4a: {  	s23 =	sadd.s32 s13, s7;
	[dreg:$0x16] =	wrdreg s24  }
0x4b: {  	s13 =	sadd.s32 $0x500, s20;
	[dreg:$0x19] =	wrdreg s23  }
0x4c: {  	s7 =	sadd.s32 $0xB00, s20;
	[smem:$0x7CE] =	sst s13  }
0x4d: {  	s14 =	ssub.s32 $0x2, s14;
	s26 =	sadd.s32 $0x700, s21;
	[smem:$0x7D5] =	sst s7  }
0x4e: {  	s19 =	sshrl.u32 s14, $0x1;
	s25 =	sadd.s32 $0xE00, s22;
	[smem:$0x7E6] =	sst s26  }
0x4f: {  	s10 =	ssub.s32 s14, s19;
	s19 =	sadd.s32 $0x200, s20;
	[smem:$0x7FC] =	sst s25  }
0x50: {  	s14 =	sadd.s32 s12, s16;
	[smem:$0x7CB] =	sst s19  }
0x51: {  	s24 =	sadd.s32 $0x300, s20;
	[dreg:$0x18] =	wrdreg s14  }
0x52: {  	s12 =	sadd.s32 s5, s9;
	[smem:$0x7CC] =	sst s24  }
0x53: {  	s23 =	sadd.s32 s5, s17;
	[dreg:$0x1b] =	wrdreg s12  }
0x54: {  	s13 =	sadd.s32 s0, s15;
	[dreg:$0x1d] =	wrdreg s23  }
0x55: {  	s16 =	sadd.s32 $0xF00, s20;
	[smem:$0x7DC] =	sst s13  }
0x56: {  	s7 =	sadd.s32 $0xC00, s21;
	[smem:$0x7DD] =	sst s16  }
0x57: {  	s9 =	sadd.s32 $0xE00, s21;
	[smem:$0x7EB] =	sst s7  }
0x58: {  	s26 =	sadd.s32 $0xF00, s22;
	[smem:$0x7ED] =	sst s9  }
0x59: {  	s19 =	sadd.s32 $0x600, s20;
	[smem:$0x7FD] =	sst s26  }
0x5a: {  	s14 =	sadd.s32 s5, s15;
	[smem:$0x7CF] =	sst s19  }
0x5b: {  	s24 =	sadd.s32 $0x700, s20;
	[dreg:$0x1c] =	wrdreg s14  }
0x5c: {  	s5 =	sadd.s32 s5, s18;
	[smem:$0x7D0] =	sst s24  }
0x5d: {  	s12 =	sadd.s32 $0xD00, s20;
	[dreg:$0x1e] =	wrdreg s5  }
0x5e: {  	s15 =	sadd.s32 s0, s17;
	s17 =	sadd.s32 $0x100, s21;
	[smem:$0x7D9] =	sst s12  }
0x5f: {  	[smem:$0x7DE] =	sst s17  }
0x60: {  	s0 =	sadd.s32 s0, s18;
	[smem:$0x7DF] =	sst s15  }
0x61: {  	s23 =	sadd.s32 $0x400, s21;
	[smem:$0x7E2] =	sst s0  }
0x62: {  	s13 =	sadd.s32 $0x300, s22;
	[smem:$0x7E3] =	sst s23  }
0x63: {  	s16 =	sadd.s32 $0x600, s22;
	[smem:$0x7F1] =	sst s13  }
0x64: {  	s18 =	sadd.s32 $0x800, s22;
	[smem:$0x7F4] =	sst s16  }
0x65: {  	s5 =	sadd.s32 $0xA00, s20;
	[smem:$0x7F6] =	sst s18  }
0x66: {  	s14 =	sadd.s32 $0xE00, s20;
	[smem:$0x7D3] =	sst s5  }
0x67: {  	s19 =	sadd.s32 $0x200, s21;
	[smem:$0x7DB] =	sst s14  }
0x68: {  	s20 =	sadd.s32 $0x300, s21;
	[smem:$0x7E0] =	sst s19  }
0x69: {  	s24 =	sadd.s32 $0x500, s21;
	[smem:$0x7E1] =	sst s20  }
0x6a: {  	s0 =	smax.u32 s10, $0x1;
	s10 =	sadd.s32 $0xF00, s21;
	[smem:$0x7E4] =	sst s24  }
0x6b: {  	s12 =	sadd.s32 $0x200, s22;
	[smem:$0x7EE] =	sst s10  }
0x6c: {  	s15 =	sadd.s32 $0x500, s22;
	[smem:$0x7F0] =	sst s12  }
0x6d: {  	s17 =	sadd.s32 $0x700, s22;
	[smem:$0x7F3] =	sst s15  }
0x6e: {  	s23 =	sadd.s32 $0xC00, s22;
	[smem:$0x7F5] =	sst s17  }
0x6f: {  	s5 =	sadd.s32 $0xA00, s21;
	[smem:$0x7FA] =	sst s23  }
0x70: {  	s14 =	sadd.s32 $0x400, s22;
	[smem:$0x7E9] =	sst s5  }
0x71: {  	s19 =	sadd.s32 $0x900, s22;
	[smem:$0x7F2] =	sst s14  }
0x72: {  	s30 =	simm.s32 $0x5;
	s20 =	sadd.s32 $0xA00, s22;
	[smem:$0x7F7] =	sst s19  }
0x73: {  	v0 =	vlaneseq.u32;
	s31 =	simm.s32 $0x6;
	s21 =	sadd.s32 $0xB00, s22;
	[smem:$0x7F8] =	sst s20  }
0x74: {  	s28 =	simm.s32 $0x2;
	v1 =	vshrl.u32 v0, $0x3;
	s24 =	sadd.s32 $0xD00, s22;
	[smem:$0x7F9] =	sst s21  }
0x75: {  	vm0 =	vmmov $0xffff;
	s29 =	simm.s32 $0x4;
	v0 =	vand.u32 $0x7, v0;
	v1 =	vmul.u32 $0x8, v1;
	s26 =	simm.s32 $0x1;
	[smem:$0x7FB] =	sst s24  }
.LBB3_1:
0x76: {  	[smem:$0x7C8] =	sst s0  }
0x77: {  	s3 =	rddreg [dreg:$0xe];
	s2 =	simm.s32 $0x7  }
0x78: {  	[tilespmem:s4], [sflag:$0x7] =	stream.linear.gather [hbm4b:s3+s4], $0x40, $0x38;
	[tilespmem:$0x18080] =	vst v63  }
0x79: {  	_ =	swait.ge [sflag:s2], $0x40  }
0x7a: {  	[sflag:s2] =	ssyncset.done $0x0  }
0x7b: {  	[sflag:s2] =	ssyncadd.s32 $0xFFFFFFC0  }
0x7c: {  	v2 =	vld.msk [tilespmem:$0x0], $0xff;
	_ =	sdelay $0x4  }
0x7d: {  	v3 =	vshll.u32 v2, $0x5  }
0x7e: {  	v2 =	vand.u32 $0x7, v2;
	v3 =	vand.u32 $0xFFFFFF00, v3  }
0x7f: {  	v2 =	vor.u32 v2, v3  }
0x80: {  	v2 =	vperm.xlane v2, v0;
	_ =	sdelay $0x1  }
0x81: {  	v2 =	vadd.s32 v1, v2;
	_ =	sdelay $0x2  }
0x82: {  	s0 =	sld [smem:$0x7CA]  }
0x83: {  	s3 =	simm.s32 $0x80;
	s5 =	rddreg [dreg:$0x0]  }
0x84: {  	[tilespmem:s3], [sflag:$0x1] =	stream.indirect_vreg.gather [hbm4b:s5+s4], $0x80, v2, vm0, $0xb8;
	[tilespmem:$0x18080] =	vst v63  }
0x85: {  	s1 =	simm.s32 $0x880  }
0x86: {  	[tilespmem:s1], [sflag:$0x1] =	stream.indirect_vreg.gather [hbm4b:s0+s4], $0x80, v2, vm0, $0xb8;
	[tilespmem:$0x18080] =	vst v63  }
0x87: {  	s1 =	sld [smem:$0x7CB];
	_ =	sdelay $0x1  }
0x88: {  	s2 =	simm.s32 $0x1080  }
0x89: {  	[tilespmem:s2], [sflag:$0x1] =	stream.indirect_vreg.gather [hbm4b:s1+s4], $0x80, v2, vm0, $0xb8;
	[tilespmem:$0x18080] =	vst v63  }
0x8a: {  	s2 =	sld [smem:$0x7CC];
	_ =	sdelay $0x1  }
0x8b: {  	s6 =	simm.s32 $0x1880;
	s25 =	sld [smem:$0x7CD]  }
0x8c: {  	[tilespmem:s6], [sflag:$0x1] =	stream.indirect_vreg.gather [hbm4b:s2+s4], $0x80, v2, vm0, $0xb8;
	[tilespmem:$0x18080] =	vst v63  }
0x8d: {  	s7 =	simm.s32 $0x2080;
	s6 =	sld [smem:$0x7CE]  }
0x8e: {  	[tilespmem:s7], [sflag:$0x1] =	stream.indirect_vreg.gather [hbm4b:s25+s4], $0x80, v2, vm0, $0xb8;
	[tilespmem:$0x18080] =	vst v63  }
0x8f: {  	s8 =	simm.s32 $0x2880;
	s7 =	sld [smem:$0x7CF]  }
0x90: {  	[tilespmem:s8], [sflag:$0x1] =	stream.indirect_vreg.gather [hbm4b:s6+s4], $0x80, v2, vm0, $0xb8;
	[tilespmem:$0x18080] =	vst v63  }
0x91: {  	s9 =	simm.s32 $0x3080;
	s8 =	sld [smem:$0x7D0]  }
0x92: {  	[tilespmem:s9], [sflag:$0x1] =	stream.indirect_vreg.gather [hbm4b:s7+s4], $0x80, v2, vm0, $0xb8;
	[tilespmem:$0x18080] =	vst v63  }
0x93: {  	s10 =	simm.s32 $0x3880;
	s9 =	sld [smem:$0x7D1]  }
0x94: {  	[tilespmem:s10], [sflag:$0x1] =	stream.indirect_vreg.gather [hbm4b:s8+s4], $0x80, v2, vm0, $0xb8;
	[tilespmem:$0x18080] =	vst v63  }
0x95: {  	s11 =	simm.s32 $0x4080;
	s10 =	sld [smem:$0x7D2]  }
0x96: {  	[tilespmem:s11], [sflag:$0x1] =	stream.indirect_vreg.gather [hbm4b:s9+s4], $0x80, v2, vm0, $0xb8;
	[tilespmem:$0x18080] =	vst v63  }
0x97: {  	s12 =	simm.s32 $0x4880;
	s11 =	sld [smem:$0x7D3]  }
0x98: {  	[tilespmem:s12], [sflag:$0x1] =	stream.indirect_vreg.gather [hbm4b:s10+s4], $0x80, v2, vm0, $0xb8;
	[tilespmem:$0x18080] =	vst v63  }
0x99: {  	s13 =	simm.s32 $0x5080;
	s12 =	sld [smem:$0x7D5]  }
0x9a: {  	[tilespmem:s13], [sflag:$0x1] =	stream.indirect_vreg.gather [hbm4b:s11+s4], $0x80, v2, vm0, $0xb8;
	[tilespmem:$0x18080] =	vst v63  }
0x9b: {  	s14 =	simm.s32 $0x5880;
	s13 =	sld [smem:$0x7D7]  }
0x9c: {  	[tilespmem:s14], [sflag:$0x1] =	stream.indirect_vreg.gather [hbm4b:s12+s4], $0x80, v2, vm0, $0xb8;
	[tilespmem:$0x18080] =	vst v63  }
0x9d: {  	s15 =	simm.s32 $0x6080;
	s14 =	sld [smem:$0x7D9]  }
0x9e: {  	[tilespmem:s15], [sflag:$0x1] =	stream.indirect_vreg.gather [hbm4b:s13+s4], $0x80, v2, vm0, $0xb8;
	[tilespmem:$0x18080] =	vst v63  }
0x9f: {  	s16 =	simm.s32 $0x6880;
	s15 =	sld [smem:$0x7DB]  }
0xa0: {  	[tilespmem:s16], [sflag:$0x1] =	stream.indirect_vreg.gather [hbm4b:s14+s4], $0x80, v2, vm0, $0xb8;
	[tilespmem:$0x18080] =	vst v63  }
0xa1: {  	s17 =	simm.s32 $0x7080;
	s16 =	sld [smem:$0x7DD]  }
0xa2: {  	[tilespmem:s17], [sflag:$0x1] =	stream.indirect_vreg.gather [hbm4b:s15+s4], $0x80, v2, vm0, $0xb8;
	[tilespmem:$0x18080] =	vst v63  }
0xa3: {  	s19 =	simm.s32 $0x7880  }
0xa4: {  	[tilespmem:s19], [sflag:$0x1] =	stream.indirect_vreg.gather [hbm4b:s16+s4], $0x80, v2, vm0, $0xb8;
	[tilespmem:$0x18080] =	vst v63  }
0xa5: {  	v2 =	vld.msk [tilespmem:$0x8], $0xff;
	_ =	sdelay $0x4  }
0xa6: {  	v3 =	vshll.u32 v2, $0x5  }
0xa7: {  	v2 =	vand.u32 $0x7, v2;
	v3 =	vand.u32 $0xFFFFFF00, v3  }
0xa8: {  	v2 =	vor.u32 v2, v3  }
0xa9: {  	v2 =	vperm.xlane v2, v0;
	_ =	sdelay $0x1  }
0xaa: {  	v2 =	vadd.s32 v1, v2;
	_ =	sdelay $0x3  }
0xab: {  	s22 =	simm.s32 $0x8080  }
0xac: {  	[tilespmem:s22], [sflag:$0x2] =	stream.indirect_vreg.gather [hbm4b:s5+s4], $0x80, v2, vm0, $0xb8;
	[tilespmem:$0x18080] =	vst v63  }
0xad: {  	s23 =	simm.s32 $0x8880  }
0xae: {  	[tilespmem:s23], [sflag:$0x2] =	stream.indirect_vreg.gather [hbm4b:s0+s4], $0x80, v2, vm0, $0xb8;
	[tilespmem:$0x18080] =	vst v63  }
0xaf: {  	s24 =	simm.s32 $0x9080  }
0xb0: {  	[tilespmem:s24], [sflag:$0x2] =	stream.indirect_vreg.gather [hbm4b:s1+s4], $0x80, v2, vm0, $0xb8;
	[tilespmem:$0x18080] =	vst v63  }
0xb1: {  	s22 =	simm.s32 $0x9880  }
0xb2: {  	[tilespmem:s22], [sflag:$0x2] =	stream.indirect_vreg.gather [hbm4b:s2+s4], $0x80, v2, vm0, $0xb8;
	[tilespmem:$0x18080] =	vst v63  }
0xb3: {  	s23 =	simm.s32 $0xA080  }
0xb4: {  	[tilespmem:s23], [sflag:$0x2] =	stream.indirect_vreg.gather [hbm4b:s25+s4], $0x80, v2, vm0, $0xb8;
	[tilespmem:$0x18080] =	vst v63  }
0xb5: {  	s22 =	simm.s32 $0xA880  }
0xb6: {  	[tilespmem:s22], [sflag:$0x2] =	stream.indirect_vreg.gather [hbm4b:s6+s4], $0x80, v2, vm0, $0xb8;
	[tilespmem:$0x18080] =	vst v63  }
0xb7: {  	s23 =	simm.s32 $0xB080  }
0xb8: {  	[tilespmem:s23], [sflag:$0x2] =	stream.indirect_vreg.gather [hbm4b:s7+s4], $0x80, v2, vm0, $0xb8;
	[tilespmem:$0x18080] =	vst v63  }
0xb9: {  	s22 =	simm.s32 $0xB880  }
0xba: {  	[tilespmem:s22], [sflag:$0x2] =	stream.indirect_vreg.gather [hbm4b:s8+s4], $0x80, v2, vm0, $0xb8;
	[tilespmem:$0x18080] =	vst v63  }
0xbb: {  	s23 =	simm.s32 $0xC080  }
0xbc: {  	[tilespmem:s23], [sflag:$0x2] =	stream.indirect_vreg.gather [hbm4b:s9+s4], $0x80, v2, vm0, $0xb8;
	[tilespmem:$0x18080] =	vst v63  }
0xbd: {  	s22 =	simm.s32 $0xC880  }
0xbe: {  	[tilespmem:s22], [sflag:$0x2] =	stream.indirect_vreg.gather [hbm4b:s10+s4], $0x80, v2, vm0, $0xb8;
	[tilespmem:$0x18080] =	vst v63  }
0xbf: {  	s23 =	simm.s32 $0xD080  }
0xc0: {  	[tilespmem:s23], [sflag:$0x2] =	stream.indirect_vreg.gather [hbm4b:s11+s4], $0x80, v2, vm0, $0xb8;
	[tilespmem:$0x18080] =	vst v63  }
0xc1: {  	s22 =	simm.s32 $0xD880  }
0xc2: {  	[tilespmem:s22], [sflag:$0x2] =	stream.indirect_vreg.gather [hbm4b:s12+s4], $0x80, v2, vm0, $0xb8;
	[tilespmem:$0x18080] =	vst v63  }
0xc3: {  	s23 =	simm.s32 $0xE080  }
0xc4: {  	[tilespmem:s23], [sflag:$0x2] =	stream.indirect_vreg.gather [hbm4b:s13+s4], $0x80, v2, vm0, $0xb8;
	[tilespmem:$0x18080] =	vst v63  }
0xc5: {  	s22 =	simm.s32 $0xE880  }
0xc6: {  	[tilespmem:s22], [sflag:$0x2] =	stream.indirect_vreg.gather [hbm4b:s14+s4], $0x80, v2, vm0, $0xb8;
	[tilespmem:$0x18080] =	vst v63  }
0xc7: {  	s23 =	simm.s32 $0xF080  }
0xc8: {  	[tilespmem:s23], [sflag:$0x2] =	stream.indirect_vreg.gather [hbm4b:s15+s4], $0x80, v2, vm0, $0xb8;
	[tilespmem:$0x18080] =	vst v63  }
0xc9: {  	s22 =	simm.s32 $0xF880  }
0xca: {  	[tilespmem:s22], [sflag:$0x2] =	stream.indirect_vreg.gather [hbm4b:s16+s4], $0x80, v2, vm0, $0xb8;
	[tilespmem:$0x18080] =	vst v63  }
0xcb: {  	_ =	swait.ge [sflag:s26], $0x8000  }
0xcc: {  	[sflag:s26] =	ssyncset.done $0x0  }
0xcd: {  	s18 =	simm.s32 $0x80;
	s23 =	rddreg [dreg:$0xf];
	[sflag:s26] =	ssyncadd.s32 $0xFFFF8000  }
0xce: {  	[hbm4b:s23+s4] =	stream.linear.scatter [tilespmem:s18], [sflag:$0x4], $0x8000, $0x38;
	[tilespmem:$0x18080] =	vst v63  }
0xcf: {  	v2 =	vld.msk [tilespmem:$0x10], $0xff;
	_ =	sdelay $0x4  }
0xd0: {  	v3 =	vshll.u32 v2, $0x5  }
0xd1: {  	v2 =	vand.u32 $0x7, v2;
	v3 =	vand.u32 $0xFFFFFF00, v3  }
0xd2: {  	v2 =	vor.u32 v2, v3  }
0xd3: {  	v2 =	vperm.xlane v2, v0;
	_ =	sdelay $0x1  }
0xd4: {  	v2 =	vadd.s32 v1, v2;
	_ =	sdelay $0x3  }
0xd5: {  	s22 =	simm.s32 $0x10080  }
0xd6: {  	[tilespmem:s22], [sflag:$0x3] =	stream.indirect_vreg.gather [hbm4b:s5+s4], $0x80, v2, vm0, $0xb8;
	[tilespmem:$0x18080] =	vst v63  }
0xd7: {  	s18 =	simm.s32 $0x10880  }
0xd8: {  	[tilespmem:s18], [sflag:$0x3] =	stream.indirect_vreg.gather [hbm4b:s0+s4], $0x80, v2, vm0, $0xb8;
	[tilespmem:$0x18080] =	vst v63  }
0xd9: {  	s18 =	simm.s32 $0x11080  }
0xda: {  	[tilespmem:s18], [sflag:$0x3] =	stream.indirect_vreg.gather [hbm4b:s1+s4], $0x80, v2, vm0, $0xb8;
	[tilespmem:$0x18080] =	vst v63  }
0xdb: {  	s18 =	simm.s32 $0x11880  }
0xdc: {  	[tilespmem:s18], [sflag:$0x3] =	stream.indirect_vreg.gather [hbm4b:s2+s4], $0x80, v2, vm0, $0xb8;
	[tilespmem:$0x18080] =	vst v63  }
0xdd: {  	s18 =	simm.s32 $0x12080  }
0xde: {  	[tilespmem:s18], [sflag:$0x3] =	stream.indirect_vreg.gather [hbm4b:s25+s4], $0x80, v2, vm0, $0xb8;
	[tilespmem:$0x18080] =	vst v63  }
0xdf: {  	s18 =	simm.s32 $0x12880  }
0xe0: {  	[tilespmem:s18], [sflag:$0x3] =	stream.indirect_vreg.gather [hbm4b:s6+s4], $0x80, v2, vm0, $0xb8;
	[tilespmem:$0x18080] =	vst v63  }
0xe1: {  	s18 =	simm.s32 $0x13080  }
0xe2: {  	[tilespmem:s18], [sflag:$0x3] =	stream.indirect_vreg.gather [hbm4b:s7+s4], $0x80, v2, vm0, $0xb8;
	[tilespmem:$0x18080] =	vst v63  }
0xe3: {  	s18 =	simm.s32 $0x13880  }
0xe4: {  	[tilespmem:s18], [sflag:$0x3] =	stream.indirect_vreg.gather [hbm4b:s8+s4], $0x80, v2, vm0, $0xb8;
	[tilespmem:$0x18080] =	vst v63  }
0xe5: {  	s18 =	simm.s32 $0x14080  }
0xe6: {  	[tilespmem:s18], [sflag:$0x3] =	stream.indirect_vreg.gather [hbm4b:s9+s4], $0x80, v2, vm0, $0xb8;
	[tilespmem:$0x18080] =	vst v63  }
0xe7: {  	s18 =	simm.s32 $0x14880  }
0xe8: {  	[tilespmem:s18], [sflag:$0x3] =	stream.indirect_vreg.gather [hbm4b:s10+s4], $0x80, v2, vm0, $0xb8;
	[tilespmem:$0x18080] =	vst v63  }
0xe9: {  	s18 =	simm.s32 $0x15080  }
0xea: {  	[tilespmem:s18], [sflag:$0x3] =	stream.indirect_vreg.gather [hbm4b:s11+s4], $0x80, v2, vm0, $0xb8;
	[tilespmem:$0x18080] =	vst v63  }
0xeb: {  	s18 =	simm.s32 $0x15880  }
0xec: {  	[tilespmem:s18], [sflag:$0x3] =	stream.indirect_vreg.gather [hbm4b:s12+s4], $0x80, v2, vm0, $0xb8;
	[tilespmem:$0x18080] =	vst v63  }
0xed: {  	s18 =	simm.s32 $0x16080  }
0xee: {  	[tilespmem:s18], [sflag:$0x3] =	stream.indirect_vreg.gather [hbm4b:s13+s4], $0x80, v2, vm0, $0xb8;
	[tilespmem:$0x18080] =	vst v63  }
0xef: {  	s18 =	simm.s32 $0x16880  }
0xf0: {  	[tilespmem:s18], [sflag:$0x3] =	stream.indirect_vreg.gather [hbm4b:s14+s4], $0x80, v2, vm0, $0xb8;
	[tilespmem:$0x18080] =	vst v63  }
0xf1: {  	s18 =	simm.s32 $0x17080  }
0xf2: {  	[tilespmem:s18], [sflag:$0x3] =	stream.indirect_vreg.gather [hbm4b:s15+s4], $0x80, v2, vm0, $0xb8;
	[tilespmem:$0x18080] =	vst v63  }
0xf3: {  	s18 =	simm.s32 $0x17880  }
0xf4: {  	[tilespmem:s18], [sflag:$0x3] =	stream.indirect_vreg.gather [hbm4b:s16+s4], $0x80, v2, vm0, $0xb8;
	[tilespmem:$0x18080] =	vst v63  }
0xf5: {  	_ =	swait.ge [sflag:s28], $0x8000  }
0xf6: {  	[sflag:s28] =	ssyncset.done $0x0  }
0xf7: {  	s17 =	simm.s32 $0x8080;
	s18 =	rddreg [dreg:$0x10];
	[sflag:s28] =	ssyncadd.s32 $0xFFFF8000  }
0xf8: {  	[hbm4b:s18+s4] =	stream.linear.scatter [tilespmem:s17], [sflag:$0x5], $0x8000, $0x38;
	[tilespmem:$0x18080] =	vst v63  }
0xf9: {  	_ =	swait.ge [sflag:s29], $0x8000  }
0xfa: {  	[sflag:s29] =	ssyncset.done $0x0  }
0xfb: {  	[sflag:s29] =	ssyncadd.s32 $0xFFFF8000  }
0xfc: {  	v2 =	vld.msk [tilespmem:$0x18], $0xff;
	_ =	sdelay $0x4  }
0xfd: {  	v3 =	vshll.u32 v2, $0x5  }
0xfe: {  	v2 =	vand.u32 $0x7, v2;
	v3 =	vand.u32 $0xFFFFFF00, v3  }
0xff: {  	v2 =	vor.u32 v2, v3  }
0x100: {  	v2 =	vperm.xlane v2, v0;
	_ =	sdelay $0x1  }
0x101: {  	v2 =	vadd.s32 v1, v2;
	_ =	sdelay $0x3  }
0x102: {  	s23 =	simm.s32 $0x80  }
0x103: {  	[tilespmem:s23], [sflag:$0x1] =	stream.indirect_vreg.gather [hbm4b:s5+s4], $0x80, v2, vm0, $0xb8;
	[tilespmem:$0x18080] =	vst v63  }
0x104: {  	s23 =	simm.s32 $0x880  }
0x105: {  	[tilespmem:s23], [sflag:$0x1] =	stream.indirect_vreg.gather [hbm4b:s0+s4], $0x80, v2, vm0, $0xb8;
	[tilespmem:$0x18080] =	vst v63  }
0x106: {  	s23 =	simm.s32 $0x1080  }
0x107: {  	[tilespmem:s23], [sflag:$0x1] =	stream.indirect_vreg.gather [hbm4b:s1+s4], $0x80, v2, vm0, $0xb8;
	[tilespmem:$0x18080] =	vst v63  }
0x108: {  	s23 =	simm.s32 $0x1880  }
0x109: {  	[tilespmem:s23], [sflag:$0x1] =	stream.indirect_vreg.gather [hbm4b:s2+s4], $0x80, v2, vm0, $0xb8;
	[tilespmem:$0x18080] =	vst v63  }
0x10a: {  	s23 =	simm.s32 $0x2080  }
0x10b: {  	[tilespmem:s23], [sflag:$0x1] =	stream.indirect_vreg.gather [hbm4b:s25+s4], $0x80, v2, vm0, $0xb8;
	[tilespmem:$0x18080] =	vst v63  }
0x10c: {  	s23 =	simm.s32 $0x2880  }
0x10d: {  	[tilespmem:s23], [sflag:$0x1] =	stream.indirect_vreg.gather [hbm4b:s6+s4], $0x80, v2, vm0, $0xb8;
	[tilespmem:$0x18080] =	vst v63  }
0x10e: {  	s23 =	simm.s32 $0x3080  }
0x10f: {  	[tilespmem:s23], [sflag:$0x1] =	stream.indirect_vreg.gather [hbm4b:s7+s4], $0x80, v2, vm0, $0xb8;
	[tilespmem:$0x18080] =	vst v63  }
0x110: {  	s23 =	simm.s32 $0x3880  }
0x111: {  	[tilespmem:s23], [sflag:$0x1] =	stream.indirect_vreg.gather [hbm4b:s8+s4], $0x80, v2, vm0, $0xb8;
	[tilespmem:$0x18080] =	vst v63  }
0x112: {  	s23 =	simm.s32 $0x4080  }
0x113: {  	[tilespmem:s23], [sflag:$0x1] =	stream.indirect_vreg.gather [hbm4b:s9+s4], $0x80, v2, vm0, $0xb8;
	[tilespmem:$0x18080] =	vst v63  }
0x114: {  	s23 =	simm.s32 $0x4880  }
0x115: {  	[tilespmem:s23], [sflag:$0x1] =	stream.indirect_vreg.gather [hbm4b:s10+s4], $0x80, v2, vm0, $0xb8;
	[tilespmem:$0x18080] =	vst v63  }
0x116: {  	s23 =	simm.s32 $0x5080  }
0x117: {  	[tilespmem:s23], [sflag:$0x1] =	stream.indirect_vreg.gather [hbm4b:s11+s4], $0x80, v2, vm0, $0xb8;
	[tilespmem:$0x18080] =	vst v63  }
0x118: {  	s23 =	simm.s32 $0x5880  }
0x119: {  	[tilespmem:s23], [sflag:$0x1] =	stream.indirect_vreg.gather [hbm4b:s12+s4], $0x80, v2, vm0, $0xb8;
	[tilespmem:$0x18080] =	vst v63  }
0x11a: {  	s23 =	simm.s32 $0x6080  }
0x11b: {  	[tilespmem:s23], [sflag:$0x1] =	stream.indirect_vreg.gather [hbm4b:s13+s4], $0x80, v2, vm0, $0xb8;
	[tilespmem:$0x18080] =	vst v63  }
0x11c: {  	s20 =	simm.s32 $0x6880  }
0x11d: {  	[tilespmem:s20], [sflag:$0x1] =	stream.indirect_vreg.gather [hbm4b:s14+s4], $0x80, v2, vm0, $0xb8;
	[tilespmem:$0x18080] =	vst v63  }
0x11e: {  	s21 =	simm.s32 $0x7080  }
0x11f: {  	[tilespmem:s21], [sflag:$0x1] =	stream.indirect_vreg.gather [hbm4b:s15+s4], $0x80, v2, vm0, $0xb8;
	[tilespmem:$0x18080] =	vst v63  }
0x120: {  	s19 =	simm.s32 $0x7880;
	s23 =	simm.s32 $0x3  }
0x121: {  	[tilespmem:s19], [sflag:$0x1] =	stream.indirect_vreg.gather [hbm4b:s16+s4], $0x80, v2, vm0, $0xb8;
	[tilespmem:$0x18080] =	vst v63  }
0x122: {  	_ =	swait.ge [sflag:s23], $0x8000  }
0x123: {  	[sflag:s23] =	ssyncset.done $0x0  }
0x124: {  	s22 =	simm.s32 $0x10080;
	s21 =	rddreg [dreg:$0x11];
	[sflag:s23] =	ssyncadd.s32 $0xFFFF8000  }
0x125: {  	[hbm4b:s21+s4] =	stream.linear.scatter [tilespmem:s22], [sflag:$0x6], $0x8000, $0x38;
	[tilespmem:$0x18080] =	vst v63  }
0x126: {  	_ =	swait.ge [sflag:s30], $0x8000  }
0x127: {  	[sflag:s30] =	ssyncset.done $0x0  }
0x128: {  	[sflag:s30] =	ssyncadd.s32 $0xFFFF8000  }
0x129: {  	v2 =	vld.msk [tilespmem:$0x20], $0xff;
	_ =	sdelay $0x4  }
0x12a: {  	v3 =	vshll.u32 v2, $0x5  }
0x12b: {  	v2 =	vand.u32 $0x7, v2;
	v3 =	vand.u32 $0xFFFFFF00, v3  }
0x12c: {  	v2 =	vor.u32 v2, v3  }
0x12d: {  	v2 =	vperm.xlane v2, v0;
	_ =	sdelay $0x1  }
0x12e: {  	v2 =	vadd.s32 v1, v2;
	_ =	sdelay $0x3  }
0x12f: {  	s17 =	simm.s32 $0x8080  }
0x130: {  	[tilespmem:s17], [sflag:$0x2] =	stream.indirect_vreg.gather [hbm4b:s5+s4], $0x80, v2, vm0, $0xb8;
	[tilespmem:$0x18080] =	vst v63  }
0x131: {  	s22 =	simm.s32 $0x8880  }
0x132: {  	[tilespmem:s22], [sflag:$0x2] =	stream.indirect_vreg.gather [hbm4b:s0+s4], $0x80, v2, vm0, $0xb8;
	[tilespmem:$0x18080] =	vst v63  }
0x133: {  	s24 =	simm.s32 $0x9080  }
0x134: {  	[tilespmem:s24], [sflag:$0x2] =	stream.indirect_vreg.gather [hbm4b:s1+s4], $0x80, v2, vm0, $0xb8;
	[tilespmem:$0x18080] =	vst v63  }
0x135: {  	s24 =	simm.s32 $0x9880  }
0x136: {  	[tilespmem:s24], [sflag:$0x2] =	stream.indirect_vreg.gather [hbm4b:s2+s4], $0x80, v2, vm0, $0xb8;
	[tilespmem:$0x18080] =	vst v63  }
0x137: {  	s20 =	simm.s32 $0xA080  }
0x138: {  	[tilespmem:s20], [sflag:$0x2] =	stream.indirect_vreg.gather [hbm4b:s25+s4], $0x80, v2, vm0, $0xb8;
	[tilespmem:$0x18080] =	vst v63  }
0x139: {  	s21 =	simm.s32 $0xA880  }
0x13a: {  	[tilespmem:s21], [sflag:$0x2] =	stream.indirect_vreg.gather [hbm4b:s6+s4], $0x80, v2, vm0, $0xb8;
	[tilespmem:$0x18080] =	vst v63  }
0x13b: {  	s22 =	simm.s32 $0xB080  }
0x13c: {  	[tilespmem:s22], [sflag:$0x2] =	stream.indirect_vreg.gather [hbm4b:s7+s4], $0x80, v2, vm0, $0xb8;
	[tilespmem:$0x18080] =	vst v63  }
0x13d: {  	s24 =	simm.s32 $0xB880  }
0x13e: {  	[tilespmem:s24], [sflag:$0x2] =	stream.indirect_vreg.gather [hbm4b:s8+s4], $0x80, v2, vm0, $0xb8;
	[tilespmem:$0x18080] =	vst v63  }
0x13f: {  	s20 =	simm.s32 $0xC080  }
0x140: {  	[tilespmem:s20], [sflag:$0x2] =	stream.indirect_vreg.gather [hbm4b:s9+s4], $0x80, v2, vm0, $0xb8;
	[tilespmem:$0x18080] =	vst v63  }
0x141: {  	s21 =	simm.s32 $0xC880  }
0x142: {  	[tilespmem:s21], [sflag:$0x2] =	stream.indirect_vreg.gather [hbm4b:s10+s4], $0x80, v2, vm0, $0xb8;
	[tilespmem:$0x18080] =	vst v63  }
0x143: {  	s22 =	simm.s32 $0xD080  }
0x144: {  	[tilespmem:s22], [sflag:$0x2] =	stream.indirect_vreg.gather [hbm4b:s11+s4], $0x80, v2, vm0, $0xb8;
	[tilespmem:$0x18080] =	vst v63  }
0x145: {  	s24 =	simm.s32 $0xD880  }
0x146: {  	[tilespmem:s24], [sflag:$0x2] =	stream.indirect_vreg.gather [hbm4b:s12+s4], $0x80, v2, vm0, $0xb8;
	[tilespmem:$0x18080] =	vst v63  }
0x147: {  	s20 =	simm.s32 $0xE080  }
0x148: {  	[tilespmem:s20], [sflag:$0x2] =	stream.indirect_vreg.gather [hbm4b:s13+s4], $0x80, v2, vm0, $0xb8;
	[tilespmem:$0x18080] =	vst v63  }
0x149: {  	s21 =	simm.s32 $0xE880  }
0x14a: {  	[tilespmem:s21], [sflag:$0x2] =	stream.indirect_vreg.gather [hbm4b:s14+s4], $0x80, v2, vm0, $0xb8;
	[tilespmem:$0x18080] =	vst v63  }
0x14b: {  	s22 =	simm.s32 $0xF080  }
0x14c: {  	[tilespmem:s22], [sflag:$0x2] =	stream.indirect_vreg.gather [hbm4b:s15+s4], $0x80, v2, vm0, $0xb8;
	[tilespmem:$0x18080] =	vst v63  }
0x14d: {  	s24 =	simm.s32 $0xF880  }
0x14e: {  	[tilespmem:s24], [sflag:$0x2] =	stream.indirect_vreg.gather [hbm4b:s16+s4], $0x80, v2, vm0, $0xb8;
	[tilespmem:$0x18080] =	vst v63  }
0x14f: {  	_ =	swait.ge [sflag:s26], $0x8000  }
0x150: {  	[sflag:s26] =	ssyncset.done $0x0  }
0x151: {  	s18 =	simm.s32 $0x80;
	s20 =	rddreg [dreg:$0x12];
	[sflag:s26] =	ssyncadd.s32 $0xFFFF8000  }
0x152: {  	[hbm4b:s20+s4] =	stream.linear.scatter [tilespmem:s18], [sflag:$0x4], $0x8000, $0x38;
	[tilespmem:$0x18080] =	vst v63  }
0x153: {  	_ =	swait.ge [sflag:s31], $0x8000  }
0x154: {  	[sflag:s31] =	ssyncset.done $0x0  }
0x155: {  	[sflag:s31] =	ssyncadd.s32 $0xFFFF8000  }
0x156: {  	v2 =	vld.msk [tilespmem:$0x28], $0xff;
	_ =	sdelay $0x4  }
0x157: {  	v3 =	vshll.u32 v2, $0x5  }
0x158: {  	v2 =	vand.u32 $0x7, v2;
	v3 =	vand.u32 $0xFFFFFF00, v3  }
0x159: {  	v2 =	vor.u32 v2, v3  }
0x15a: {  	v2 =	vperm.xlane v2, v0;
	_ =	sdelay $0x1  }
0x15b: {  	v2 =	vadd.s32 v1, v2;
	_ =	sdelay $0x3  }
0x15c: {  	s19 =	simm.s32 $0x10080  }
0x15d: {  	[tilespmem:s19], [sflag:$0x3] =	stream.indirect_vreg.gather [hbm4b:s5+s4], $0x80, v2, vm0, $0xb8;
	[tilespmem:$0x18080] =	vst v63  }
0x15e: {  	s20 =	simm.s32 $0x10880  }
0x15f: {  	[tilespmem:s20], [sflag:$0x3] =	stream.indirect_vreg.gather [hbm4b:s0+s4], $0x80, v2, vm0, $0xb8;
	[tilespmem:$0x18080] =	vst v63  }
0x160: {  	s21 =	simm.s32 $0x11080  }
0x161: {  	[tilespmem:s21], [sflag:$0x3] =	stream.indirect_vreg.gather [hbm4b:s1+s4], $0x80, v2, vm0, $0xb8;
	[tilespmem:$0x18080] =	vst v63  }
0x162: {  	s21 =	simm.s32 $0x11880  }
0x163: {  	[tilespmem:s21], [sflag:$0x3] =	stream.indirect_vreg.gather [hbm4b:s2+s4], $0x80, v2, vm0, $0xb8;
	[tilespmem:$0x18080] =	vst v63  }
0x164: {  	s22 =	simm.s32 $0x12080  }
0x165: {  	[tilespmem:s22], [sflag:$0x3] =	stream.indirect_vreg.gather [hbm4b:s25+s4], $0x80, v2, vm0, $0xb8;
	[tilespmem:$0x18080] =	vst v63  }
0x166: {  	s22 =	simm.s32 $0x12880  }
0x167: {  	[tilespmem:s22], [sflag:$0x3] =	stream.indirect_vreg.gather [hbm4b:s6+s4], $0x80, v2, vm0, $0xb8;
	[tilespmem:$0x18080] =	vst v63  }
0x168: {  	s22 =	simm.s32 $0x13080  }
0x169: {  	[tilespmem:s22], [sflag:$0x3] =	stream.indirect_vreg.gather [hbm4b:s7+s4], $0x80, v2, vm0, $0xb8;
	[tilespmem:$0x18080] =	vst v63  }
0x16a: {  	s22 =	simm.s32 $0x13880  }
0x16b: {  	[tilespmem:s22], [sflag:$0x3] =	stream.indirect_vreg.gather [hbm4b:s8+s4], $0x80, v2, vm0, $0xb8;
	[tilespmem:$0x18080] =	vst v63  }
0x16c: {  	s3 =	simm.s32 $0x14080  }
0x16d: {  	[tilespmem:s3], [sflag:$0x3] =	stream.indirect_vreg.gather [hbm4b:s9+s4], $0x80, v2, vm0, $0xb8;
	[tilespmem:$0x18080] =	vst v63  }
0x16e: {  	s3 =	simm.s32 $0x14880  }
0x16f: {  	[tilespmem:s3], [sflag:$0x3] =	stream.indirect_vreg.gather [hbm4b:s10+s4], $0x80, v2, vm0, $0xb8;
	[tilespmem:$0x18080] =	vst v63  }
0x170: {  	s3 =	simm.s32 $0x15080  }
0x171: {  	[tilespmem:s3], [sflag:$0x3] =	stream.indirect_vreg.gather [hbm4b:s11+s4], $0x80, v2, vm0, $0xb8;
	[tilespmem:$0x18080] =	vst v63  }
0x172: {  	s3 =	simm.s32 $0x15880  }
0x173: {  	[tilespmem:s3], [sflag:$0x3] =	stream.indirect_vreg.gather [hbm4b:s12+s4], $0x80, v2, vm0, $0xb8;
	[tilespmem:$0x18080] =	vst v63  }
0x174: {  	s3 =	simm.s32 $0x16080  }
0x175: {  	[tilespmem:s3], [sflag:$0x3] =	stream.indirect_vreg.gather [hbm4b:s13+s4], $0x80, v2, vm0, $0xb8;
	[tilespmem:$0x18080] =	vst v63  }
0x176: {  	s3 =	simm.s32 $0x16880  }
0x177: {  	[tilespmem:s3], [sflag:$0x3] =	stream.indirect_vreg.gather [hbm4b:s14+s4], $0x80, v2, vm0, $0xb8;
	[tilespmem:$0x18080] =	vst v63  }
0x178: {  	s3 =	simm.s32 $0x17080  }
0x179: {  	[tilespmem:s3], [sflag:$0x3] =	stream.indirect_vreg.gather [hbm4b:s15+s4], $0x80, v2, vm0, $0xb8;
	[tilespmem:$0x18080] =	vst v63  }
0x17a: {  	s3 =	simm.s32 $0x17880  }
0x17b: {  	[tilespmem:s3], [sflag:$0x3] =	stream.indirect_vreg.gather [hbm4b:s16+s4], $0x80, v2, vm0, $0xb8;
	[tilespmem:$0x18080] =	vst v63  }
0x17c: {  	_ =	swait.ge [sflag:s28], $0x8000  }
0x17d: {  	[sflag:s28] =	ssyncset.done $0x0  }
0x17e: {  	s17 =	simm.s32 $0x8080;
	s3 =	rddreg [dreg:$0x13];
	[sflag:s28] =	ssyncadd.s32 $0xFFFF8000  }
0x17f: {  	[hbm4b:s3+s4] =	stream.linear.scatter [tilespmem:s17], [sflag:$0x5], $0x8000, $0x38;
	[tilespmem:$0x18080] =	vst v63  }
0x180: {  	_ =	swait.ge [sflag:s29], $0x8000  }
0x181: {  	[sflag:s29] =	ssyncset.done $0x0  }
0x182: {  	[sflag:s29] =	ssyncadd.s32 $0xFFFF8000  }
0x183: {  	v2 =	vld.msk [tilespmem:$0x30], $0xff;
	_ =	sdelay $0x4  }
0x184: {  	v3 =	vshll.u32 v2, $0x5  }
0x185: {  	v2 =	vand.u32 $0x7, v2;
	v3 =	vand.u32 $0xFFFFFF00, v3  }
0x186: {  	v2 =	vor.u32 v2, v3  }
0x187: {  	v2 =	vperm.xlane v2, v0;
	_ =	sdelay $0x1  }
0x188: {  	v2 =	vadd.s32 v1, v2;
	_ =	sdelay $0x3  }
0x189: {  	s24 =	simm.s32 $0x80  }
0x18a: {  	[tilespmem:s24], [sflag:$0x1] =	stream.indirect_vreg.gather [hbm4b:s5+s4], $0x80, v2, vm0, $0xb8;
	[tilespmem:$0x18080] =	vst v63  }
0x18b: {  	s3 =	simm.s32 $0x880  }
0x18c: {  	[tilespmem:s3], [sflag:$0x1] =	stream.indirect_vreg.gather [hbm4b:s0+s4], $0x80, v2, vm0, $0xb8;
	[tilespmem:$0x18080] =	vst v63  }
0x18d: {  	s3 =	simm.s32 $0x1080  }
0x18e: {  	[tilespmem:s3], [sflag:$0x1] =	stream.indirect_vreg.gather [hbm4b:s1+s4], $0x80, v2, vm0, $0xb8;
	[tilespmem:$0x18080] =	vst v63  }
0x18f: {  	s3 =	simm.s32 $0x1880  }
0x190: {  	[tilespmem:s3], [sflag:$0x1] =	stream.indirect_vreg.gather [hbm4b:s2+s4], $0x80, v2, vm0, $0xb8;
	[tilespmem:$0x18080] =	vst v63  }
0x191: {  	s3 =	simm.s32 $0x2080  }
0x192: {  	[tilespmem:s3], [sflag:$0x1] =	stream.indirect_vreg.gather [hbm4b:s25+s4], $0x80, v2, vm0, $0xb8;
	[tilespmem:$0x18080] =	vst v63  }
0x193: {  	s3 =	simm.s32 $0x2880  }
0x194: {  	[tilespmem:s3], [sflag:$0x1] =	stream.indirect_vreg.gather [hbm4b:s6+s4], $0x80, v2, vm0, $0xb8;
	[tilespmem:$0x18080] =	vst v63  }
0x195: {  	s3 =	simm.s32 $0x3080  }
0x196: {  	[tilespmem:s3], [sflag:$0x1] =	stream.indirect_vreg.gather [hbm4b:s7+s4], $0x80, v2, vm0, $0xb8;
	[tilespmem:$0x18080] =	vst v63  }
0x197: {  	s3 =	simm.s32 $0x3880  }
0x198: {  	[tilespmem:s3], [sflag:$0x1] =	stream.indirect_vreg.gather [hbm4b:s8+s4], $0x80, v2, vm0, $0xb8;
	[tilespmem:$0x18080] =	vst v63  }
0x199: {  	s3 =	simm.s32 $0x4080  }
0x19a: {  	[tilespmem:s3], [sflag:$0x1] =	stream.indirect_vreg.gather [hbm4b:s9+s4], $0x80, v2, vm0, $0xb8;
	[tilespmem:$0x18080] =	vst v63  }
0x19b: {  	s3 =	simm.s32 $0x4880  }
0x19c: {  	[tilespmem:s3], [sflag:$0x1] =	stream.indirect_vreg.gather [hbm4b:s10+s4], $0x80, v2, vm0, $0xb8;
	[tilespmem:$0x18080] =	vst v63  }
0x19d: {  	s3 =	simm.s32 $0x5080  }
0x19e: {  	[tilespmem:s3], [sflag:$0x1] =	stream.indirect_vreg.gather [hbm4b:s11+s4], $0x80, v2, vm0, $0xb8;
	[tilespmem:$0x18080] =	vst v63  }
0x19f: {  	s3 =	simm.s32 $0x5880  }
0x1a0: {  	[tilespmem:s3], [sflag:$0x1] =	stream.indirect_vreg.gather [hbm4b:s12+s4], $0x80, v2, vm0, $0xb8;
	[tilespmem:$0x18080] =	vst v63  }
0x1a1: {  	s3 =	simm.s32 $0x6080  }
0x1a2: {  	[tilespmem:s3], [sflag:$0x1] =	stream.indirect_vreg.gather [hbm4b:s13+s4], $0x80, v2, vm0, $0xb8;
	[tilespmem:$0x18080] =	vst v63  }
0x1a3: {  	s3 =	simm.s32 $0x6880  }
0x1a4: {  	[tilespmem:s3], [sflag:$0x1] =	stream.indirect_vreg.gather [hbm4b:s14+s4], $0x80, v2, vm0, $0xb8;
	[tilespmem:$0x18080] =	vst v63  }
0x1a5: {  	s3 =	simm.s32 $0x7080  }
0x1a6: {  	[tilespmem:s3], [sflag:$0x1] =	stream.indirect_vreg.gather [hbm4b:s15+s4], $0x80, v2, vm0, $0xb8;
	[tilespmem:$0x18080] =	vst v63  }
0x1a7: {  	s3 =	simm.s32 $0x7880  }
0x1a8: {  	[tilespmem:s3], [sflag:$0x1] =	stream.indirect_vreg.gather [hbm4b:s16+s4], $0x80, v2, vm0, $0xb8;
	[tilespmem:$0x18080] =	vst v63  }
0x1a9: {  	_ =	swait.ge [sflag:s23], $0x8000  }
0x1aa: {  	[sflag:s23] =	ssyncset.done $0x0  }
0x1ab: {  	s19 =	simm.s32 $0x10080;
	s3 =	rddreg [dreg:$0x14];
	[sflag:s23] =	ssyncadd.s32 $0xFFFF8000  }
0x1ac: {  	[hbm4b:s3+s4] =	stream.linear.scatter [tilespmem:s19], [sflag:$0x6], $0x8000, $0x38;
	[tilespmem:$0x18080] =	vst v63  }
0x1ad: {  	_ =	swait.ge [sflag:s30], $0x8000  }
0x1ae: {  	[sflag:s30] =	ssyncset.done $0x0  }
0x1af: {  	[sflag:s30] =	ssyncadd.s32 $0xFFFF8000  }
0x1b0: {  	v2 =	vld.msk [tilespmem:$0x38], $0xff;
	_ =	sdelay $0x4  }
0x1b1: {  	v3 =	vshll.u32 v2, $0x5  }
0x1b2: {  	v2 =	vand.u32 $0x7, v2;
	v3 =	vand.u32 $0xFFFFFF00, v3  }
0x1b3: {  	v2 =	vor.u32 v2, v3  }
0x1b4: {  	v2 =	vperm.xlane v2, v0;
	_ =	sdelay $0x1  }
0x1b5: {  	v2 =	vadd.s32 v1, v2;
	_ =	sdelay $0x3  }
0x1b6: {  	s17 =	simm.s32 $0x8080  }
0x1b7: {  	[tilespmem:s17], [sflag:$0x2] =	stream.indirect_vreg.gather [hbm4b:s5+s4], $0x80, v2, vm0, $0xb8;
	[tilespmem:$0x18080] =	vst v63  }
0x1b8: {  	s5 =	simm.s32 $0x8880  }
0x1b9: {  	[tilespmem:s5], [sflag:$0x2] =	stream.indirect_vreg.gather [hbm4b:s0+s4], $0x80, v2, vm0, $0xb8;
	[tilespmem:$0x18080] =	vst v63  }
0x1ba: {  	s17 =	simm.s32 $0x9080  }
0x1bb: {  	[tilespmem:s17], [sflag:$0x2] =	stream.indirect_vreg.gather [hbm4b:s1+s4], $0x80, v2, vm0, $0xb8;
	[tilespmem:$0x18080] =	vst v63  }
0x1bc: {  	s1 =	simm.s32 $0x9880  }
0x1bd: {  	[tilespmem:s1], [sflag:$0x2] =	stream.indirect_vreg.gather [hbm4b:s2+s4], $0x80, v2, vm0, $0xb8;
	[tilespmem:$0x18080] =	vst v63  }
0x1be: {  	s3 =	simm.s32 $0xA080  }
0x1bf: {  	[tilespmem:s3], [sflag:$0x2] =	stream.indirect_vreg.gather [hbm4b:s25+s4], $0x80, v2, vm0, $0xb8;
	[tilespmem:$0x18080] =	vst v63  }
0x1c0: {  	s5 =	simm.s32 $0xA880  }
0x1c1: {  	[tilespmem:s5], [sflag:$0x2] =	stream.indirect_vreg.gather [hbm4b:s6+s4], $0x80, v2, vm0, $0xb8;
	[tilespmem:$0x18080] =	vst v63  }
0x1c2: {  	s6 =	simm.s32 $0xB080  }
0x1c3: {  	[tilespmem:s6], [sflag:$0x2] =	stream.indirect_vreg.gather [hbm4b:s7+s4], $0x80, v2, vm0, $0xb8;
	[tilespmem:$0x18080] =	vst v63  }
0x1c4: {  	s7 =	simm.s32 $0xB880  }
0x1c5: {  	[tilespmem:s7], [sflag:$0x2] =	stream.indirect_vreg.gather [hbm4b:s8+s4], $0x80, v2, vm0, $0xb8;
	[tilespmem:$0x18080] =	vst v63  }
0x1c6: {  	s8 =	simm.s32 $0xC080  }
0x1c7: {  	[tilespmem:s8], [sflag:$0x2] =	stream.indirect_vreg.gather [hbm4b:s9+s4], $0x80, v2, vm0, $0xb8;
	[tilespmem:$0x18080] =	vst v63  }
0x1c8: {  	s17 =	simm.s32 $0xC880  }
0x1c9: {  	[tilespmem:s17], [sflag:$0x2] =	stream.indirect_vreg.gather [hbm4b:s10+s4], $0x80, v2, vm0, $0xb8;
	[tilespmem:$0x18080] =	vst v63  }
0x1ca: {  	s25 =	simm.s32 $0xD080  }
0x1cb: {  	[tilespmem:s25], [sflag:$0x2] =	stream.indirect_vreg.gather [hbm4b:s11+s4], $0x80, v2, vm0, $0xb8;
	[tilespmem:$0x18080] =	vst v63  }
0x1cc: {  	s1 =	simm.s32 $0xD880  }
0x1cd: {  	[tilespmem:s1], [sflag:$0x2] =	stream.indirect_vreg.gather [hbm4b:s12+s4], $0x80, v2, vm0, $0xb8;
	[tilespmem:$0x18080] =	vst v63  }
0x1ce: {  	s2 =	simm.s32 $0xE080  }
0x1cf: {  	[tilespmem:s2], [sflag:$0x2] =	stream.indirect_vreg.gather [hbm4b:s13+s4], $0x80, v2, vm0, $0xb8;
	[tilespmem:$0x18080] =	vst v63  }
0x1d0: {  	s3 =	simm.s32 $0xE880  }
0x1d1: {  	[tilespmem:s3], [sflag:$0x2] =	stream.indirect_vreg.gather [hbm4b:s14+s4], $0x80, v2, vm0, $0xb8;
	[tilespmem:$0x18080] =	vst v63  }
0x1d2: {  	s5 =	simm.s32 $0xF080  }
0x1d3: {  	[tilespmem:s5], [sflag:$0x2] =	stream.indirect_vreg.gather [hbm4b:s15+s4], $0x80, v2, vm0, $0xb8;
	[tilespmem:$0x18080] =	vst v63  }
0x1d4: {  	s6 =	simm.s32 $0xF880  }
0x1d5: {  	[tilespmem:s6], [sflag:$0x2] =	stream.indirect_vreg.gather [hbm4b:s16+s4], $0x80, v2, vm0, $0xb8;
	[tilespmem:$0x18080] =	vst v63  }
0x1d6: {  	_ =	swait.ge [sflag:s26], $0x8000  }
0x1d7: {  	[sflag:s26] =	ssyncset.done $0x0  }
0x1d8: {  	s24 =	simm.s32 $0x80;
	s7 =	rddreg [dreg:$0x15];
	[sflag:s26] =	ssyncadd.s32 $0xFFFF8000  }
0x1d9: {  	[hbm4b:s7+s4] =	stream.linear.scatter [tilespmem:s24], [sflag:$0x4], $0x8000, $0x38;
	[tilespmem:$0x18080] =	vst v63  }
0x1da: {  	_ =	swait.ge [sflag:s31], $0x8000  }
0x1db: {  	[sflag:s31] =	ssyncset.done $0x0  }
0x1dc: {  	[sflag:s31] =	ssyncadd.s32 $0xFFFF8000  }
0x1dd: {  	v2 =	vld.msk [tilespmem:$0x0], $0xff;
	_ =	sdelay $0x4  }
0x1de: {  	v3 =	vshll.u32 v2, $0x5  }
0x1df: {  	v2 =	vand.u32 $0x7, v2;
	v3 =	vand.u32 $0xFFFFFF00, v3  }
0x1e0: {  	v2 =	vor.u32 v2, v3  }
0x1e1: {  	v2 =	vperm.xlane v2, v0;
	_ =	sdelay $0x1  }
0x1e2: {  	v2 =	vadd.s32 v1, v2;
	_ =	sdelay $0x2  }
0x1e3: {  	s0 =	sld [smem:$0x7DE]  }
0x1e4: {  	s19 =	simm.s32 $0x10080;
	s5 =	rddreg [dreg:$0x1]  }
0x1e5: {  	[tilespmem:s19], [sflag:$0x3] =	stream.indirect_vreg.gather [hbm4b:s5+s4], $0x80, v2, vm0, $0xb8;
	[tilespmem:$0x18080] =	vst v63  }
0x1e6: {  	s1 =	sld [smem:$0x7E0]  }
0x1e7: {  	[tilespmem:s20], [sflag:$0x3] =	stream.indirect_vreg.gather [hbm4b:s0+s4], $0x80, v2, vm0, $0xb8;
	[tilespmem:$0x18080] =	vst v63  }
0x1e8: {  	s18 =	simm.s32 $0x11080;
	s2 =	sld [smem:$0x7E1]  }
0x1e9: {  	[tilespmem:s18], [sflag:$0x3] =	stream.indirect_vreg.gather [hbm4b:s1+s4], $0x80, v2, vm0, $0xb8;
	[tilespmem:$0x18080] =	vst v63  }
0x1ea: {  	s6 =	sld [smem:$0x7E3]  }
0x1eb: {  	[tilespmem:s21], [sflag:$0x3] =	stream.indirect_vreg.gather [hbm4b:s2+s4], $0x80, v2, vm0, $0xb8;
	[tilespmem:$0x18080] =	vst v63  }
0x1ec: {  	s8 =	simm.s32 $0x12080;
	s7 =	sld [smem:$0x7E4]  }
0x1ed: {  	[tilespmem:s8], [sflag:$0x3] =	stream.indirect_vreg.gather [hbm4b:s6+s4], $0x80, v2, vm0, $0xb8;
	[tilespmem:$0x18080] =	vst v63  }
0x1ee: {  	s9 =	simm.s32 $0x12880;
	s8 =	sld [smem:$0x7E5]  }
0x1ef: {  	[tilespmem:s9], [sflag:$0x3] =	stream.indirect_vreg.gather [hbm4b:s7+s4], $0x80, v2, vm0, $0xb8;
	[tilespmem:$0x18080] =	vst v63  }
0x1f0: {  	s10 =	simm.s32 $0x13080;
	s9 =	sld [smem:$0x7E6]  }
0x1f1: {  	[tilespmem:s10], [sflag:$0x3] =	stream.indirect_vreg.gather [hbm4b:s8+s4], $0x80, v2, vm0, $0xb8;
	[tilespmem:$0x18080] =	vst v63  }
0x1f2: {  	s22 =	simm.s32 $0x13880;
	s10 =	sld [smem:$0x7E7]  }
0x1f3: {  	[tilespmem:s22], [sflag:$0x3] =	stream.indirect_vreg.gather [hbm4b:s9+s4], $0x80, v2, vm0, $0xb8;
	[tilespmem:$0x18080] =	vst v63  }
0x1f4: {  	s11 =	simm.s32 $0x14080  }
0x1f5: {  	[tilespmem:s11], [sflag:$0x3] =	stream.indirect_vreg.gather [hbm4b:s10+s4], $0x80, v2, vm0, $0xb8;
	[tilespmem:$0x18080] =	vst v63  }
0x1f6: {  	s11 =	sld [smem:$0x7E8];
	_ =	sdelay $0x1  }
0x1f7: {  	s12 =	simm.s32 $0x14880  }
0x1f8: {  	[tilespmem:s12], [sflag:$0x3] =	stream.indirect_vreg.gather [hbm4b:s11+s4], $0x80, v2, vm0, $0xb8;
	[tilespmem:$0x18080] =	vst v63  }
0x1f9: {  	s12 =	sld [smem:$0x7E9];
	_ =	sdelay $0x1  }
0x1fa: {  	s13 =	simm.s32 $0x15080  }
0x1fb: {  	[tilespmem:s13], [sflag:$0x3] =	stream.indirect_vreg.gather [hbm4b:s12+s4], $0x80, v2, vm0, $0xb8;
	[tilespmem:$0x18080] =	vst v63  }
0x1fc: {  	s13 =	sld [smem:$0x7EA];
	_ =	sdelay $0x1  }
0x1fd: {  	s14 =	simm.s32 $0x15880  }
0x1fe: {  	[tilespmem:s14], [sflag:$0x3] =	stream.indirect_vreg.gather [hbm4b:s13+s4], $0x80, v2, vm0, $0xb8;
	[tilespmem:$0x18080] =	vst v63  }
0x1ff: {  	s14 =	sld [smem:$0x7EB];
	_ =	sdelay $0x1  }
0x200: {  	s15 =	simm.s32 $0x16080  }
0x201: {  	[tilespmem:s15], [sflag:$0x3] =	stream.indirect_vreg.gather [hbm4b:s14+s4], $0x80, v2, vm0, $0xb8;
	[tilespmem:$0x18080] =	vst v63  }
0x202: {  	s15 =	sld [smem:$0x7EC];
	_ =	sdelay $0x1  }
0x203: {  	s16 =	simm.s32 $0x16880  }
0x204: {  	[tilespmem:s16], [sflag:$0x3] =	stream.indirect_vreg.gather [hbm4b:s15+s4], $0x80, v2, vm0, $0xb8;
	[tilespmem:$0x18080] =	vst v63  }
0x205: {  	s16 =	sld [smem:$0x7ED];
	_ =	sdelay $0x1  }
0x206: {  	s17 =	simm.s32 $0x17080;
	s25 =	sld [smem:$0x7EE]  }
0x207: {  	[tilespmem:s17], [sflag:$0x3] =	stream.indirect_vreg.gather [hbm4b:s16+s4], $0x80, v2, vm0, $0xb8;
	[tilespmem:$0x18080] =	vst v63  }
0x208: {  	s18 =	simm.s32 $0x17880  }
0x209: {  	[tilespmem:s18], [sflag:$0x3] =	stream.indirect_vreg.gather [hbm4b:s25+s4], $0x80, v2, vm0, $0xb8;
	[tilespmem:$0x18080] =	vst v63  }
0x20a: {  	_ =	swait.ge [sflag:s28], $0x8000  }
0x20b: {  	[sflag:s28] =	ssyncset.done $0x0  }
0x20c: {  	s17 =	simm.s32 $0x8080;
	s22 =	rddreg [dreg:$0x16];
	[sflag:s28] =	ssyncadd.s32 $0xFFFF8000  }
0x20d: {  	[hbm4b:s22+s4] =	stream.linear.scatter [tilespmem:s17], [sflag:$0x5], $0x8000, $0x38;
	[tilespmem:$0x18080] =	vst v63  }
0x20e: {  	_ =	swait.ge [sflag:s29], $0x8000  }
0x20f: {  	[sflag:s29] =	ssyncset.done $0x0  }
0x210: {  	[sflag:s29] =	ssyncadd.s32 $0xFFFF8000  }
0x211: {  	v2 =	vld.msk [tilespmem:$0x8], $0xff;
	_ =	sdelay $0x4  }
0x212: {  	v3 =	vshll.u32 v2, $0x5  }
0x213: {  	v2 =	vand.u32 $0x7, v2;
	v3 =	vand.u32 $0xFFFFFF00, v3  }
0x214: {  	v2 =	vor.u32 v2, v3  }
0x215: {  	v2 =	vperm.xlane v2, v0;
	_ =	sdelay $0x1  }
0x216: {  	v2 =	vadd.s32 v1, v2;
	_ =	sdelay $0x3  }
0x217: {  	s24 =	simm.s32 $0x80  }
0x218: {  	[tilespmem:s24], [sflag:$0x1] =	stream.indirect_vreg.gather [hbm4b:s5+s4], $0x80, v2, vm0, $0xb8;
	[tilespmem:$0x18080] =	vst v63  }
0x219: {  	s24 =	simm.s32 $0x880  }
0x21a: {  	[tilespmem:s24], [sflag:$0x1] =	stream.indirect_vreg.gather [hbm4b:s0+s4], $0x80, v2, vm0, $0xb8;
	[tilespmem:$0x18080] =	vst v63  }
0x21b: {  	s22 =	simm.s32 $0x1080  }
0x21c: {  	[tilespmem:s22], [sflag:$0x1] =	stream.indirect_vreg.gather [hbm4b:s1+s4], $0x80, v2, vm0, $0xb8;
	[tilespmem:$0x18080] =	vst v63  }
0x21d: {  	s22 =	simm.s32 $0x1880  }
0x21e: {  	[tilespmem:s22], [sflag:$0x1] =	stream.indirect_vreg.gather [hbm4b:s2+s4], $0x80, v2, vm0, $0xb8;
	[tilespmem:$0x18080] =	vst v63  }
0x21f: {  	s22 =	simm.s32 $0x2080  }
0x220: {  	[tilespmem:s22], [sflag:$0x1] =	stream.indirect_vreg.gather [hbm4b:s6+s4], $0x80, v2, vm0, $0xb8;
	[tilespmem:$0x18080] =	vst v63  }
0x221: {  	s22 =	simm.s32 $0x2880  }
0x222: {  	[tilespmem:s22], [sflag:$0x1] =	stream.indirect_vreg.gather [hbm4b:s7+s4], $0x80, v2, vm0, $0xb8;
	[tilespmem:$0x18080] =	vst v63  }
0x223: {  	s22 =	simm.s32 $0x3080  }
0x224: {  	[tilespmem:s22], [sflag:$0x1] =	stream.indirect_vreg.gather [hbm4b:s8+s4], $0x80, v2, vm0, $0xb8;
	[tilespmem:$0x18080] =	vst v63  }
0x225: {  	s22 =	simm.s32 $0x3880  }
0x226: {  	[tilespmem:s22], [sflag:$0x1] =	stream.indirect_vreg.gather [hbm4b:s9+s4], $0x80, v2, vm0, $0xb8;
	[tilespmem:$0x18080] =	vst v63  }
0x227: {  	s22 =	simm.s32 $0x4080  }
0x228: {  	[tilespmem:s22], [sflag:$0x1] =	stream.indirect_vreg.gather [hbm4b:s10+s4], $0x80, v2, vm0, $0xb8;
	[tilespmem:$0x18080] =	vst v63  }
0x229: {  	s22 =	simm.s32 $0x4880  }
0x22a: {  	[tilespmem:s22], [sflag:$0x1] =	stream.indirect_vreg.gather [hbm4b:s11+s4], $0x80, v2, vm0, $0xb8;
	[tilespmem:$0x18080] =	vst v63  }
0x22b: {  	s22 =	simm.s32 $0x5080  }
0x22c: {  	[tilespmem:s22], [sflag:$0x1] =	stream.indirect_vreg.gather [hbm4b:s12+s4], $0x80, v2, vm0, $0xb8;
	[tilespmem:$0x18080] =	vst v63  }
0x22d: {  	s22 =	simm.s32 $0x5880  }
0x22e: {  	[tilespmem:s22], [sflag:$0x1] =	stream.indirect_vreg.gather [hbm4b:s13+s4], $0x80, v2, vm0, $0xb8;
	[tilespmem:$0x18080] =	vst v63  }
0x22f: {  	s22 =	simm.s32 $0x6080  }
0x230: {  	[tilespmem:s22], [sflag:$0x1] =	stream.indirect_vreg.gather [hbm4b:s14+s4], $0x80, v2, vm0, $0xb8;
	[tilespmem:$0x18080] =	vst v63  }
0x231: {  	s22 =	simm.s32 $0x6880  }
0x232: {  	[tilespmem:s22], [sflag:$0x1] =	stream.indirect_vreg.gather [hbm4b:s15+s4], $0x80, v2, vm0, $0xb8;
	[tilespmem:$0x18080] =	vst v63  }
0x233: {  	s22 =	simm.s32 $0x7080  }
0x234: {  	[tilespmem:s22], [sflag:$0x1] =	stream.indirect_vreg.gather [hbm4b:s16+s4], $0x80, v2, vm0, $0xb8;
	[tilespmem:$0x18080] =	vst v63  }
0x235: {  	s22 =	simm.s32 $0x7880  }
0x236: {  	[tilespmem:s22], [sflag:$0x1] =	stream.indirect_vreg.gather [hbm4b:s25+s4], $0x80, v2, vm0, $0xb8;
	[tilespmem:$0x18080] =	vst v63  }
0x237: {  	_ =	swait.ge [sflag:s23], $0x8000  }
0x238: {  	[sflag:s23] =	ssyncset.done $0x0  }
0x239: {  	s19 =	simm.s32 $0x10080;
	s22 =	rddreg [dreg:$0x17];
	[sflag:s23] =	ssyncadd.s32 $0xFFFF8000  }
0x23a: {  	[hbm4b:s22+s4] =	stream.linear.scatter [tilespmem:s19], [sflag:$0x6], $0x8000, $0x38;
	[tilespmem:$0x18080] =	vst v63  }
0x23b: {  	_ =	swait.ge [sflag:s30], $0x8000  }
0x23c: {  	[sflag:s30] =	ssyncset.done $0x0  }
0x23d: {  	[sflag:s30] =	ssyncadd.s32 $0xFFFF8000  }
0x23e: {  	v2 =	vld.msk [tilespmem:$0x10], $0xff;
	_ =	sdelay $0x4  }
0x23f: {  	v3 =	vshll.u32 v2, $0x5  }
0x240: {  	v2 =	vand.u32 $0x7, v2;
	v3 =	vand.u32 $0xFFFFFF00, v3  }
0x241: {  	v2 =	vor.u32 v2, v3  }
0x242: {  	v2 =	vperm.xlane v2, v0;
	_ =	sdelay $0x1  }
0x243: {  	v2 =	vadd.s32 v1, v2;
	_ =	sdelay $0x4  }
0x244: {  	[tilespmem:s17], [sflag:$0x2] =	stream.indirect_vreg.gather [hbm4b:s5+s4], $0x80, v2, vm0, $0xb8;
	[tilespmem:$0x18080] =	vst v63  }
0x245: {  	s17 =	simm.s32 $0x8880  }
0x246: {  	[tilespmem:s17], [sflag:$0x2] =	stream.indirect_vreg.gather [hbm4b:s0+s4], $0x80, v2, vm0, $0xb8;
	[tilespmem:$0x18080] =	vst v63  }
0x247: {  	s17 =	simm.s32 $0x9080  }
0x248: {  	[tilespmem:s17], [sflag:$0x2] =	stream.indirect_vreg.gather [hbm4b:s1+s4], $0x80, v2, vm0, $0xb8;
	[tilespmem:$0x18080] =	vst v63  }
0x249: {  	s17 =	simm.s32 $0x9880  }
0x24a: {  	[tilespmem:s17], [sflag:$0x2] =	stream.indirect_vreg.gather [hbm4b:s2+s4], $0x80, v2, vm0, $0xb8;
	[tilespmem:$0x18080] =	vst v63  }
0x24b: {  	s17 =	simm.s32 $0xA080  }
0x24c: {  	[tilespmem:s17], [sflag:$0x2] =	stream.indirect_vreg.gather [hbm4b:s6+s4], $0x80, v2, vm0, $0xb8;
	[tilespmem:$0x18080] =	vst v63  }
0x24d: {  	s17 =	simm.s32 $0xA880  }
0x24e: {  	[tilespmem:s17], [sflag:$0x2] =	stream.indirect_vreg.gather [hbm4b:s7+s4], $0x80, v2, vm0, $0xb8;
	[tilespmem:$0x18080] =	vst v63  }
0x24f: {  	s17 =	simm.s32 $0xB080  }
0x250: {  	[tilespmem:s17], [sflag:$0x2] =	stream.indirect_vreg.gather [hbm4b:s8+s4], $0x80, v2, vm0, $0xb8;
	[tilespmem:$0x18080] =	vst v63  }
0x251: {  	s17 =	simm.s32 $0xB880  }
0x252: {  	[tilespmem:s17], [sflag:$0x2] =	stream.indirect_vreg.gather [hbm4b:s9+s4], $0x80, v2, vm0, $0xb8;
	[tilespmem:$0x18080] =	vst v63  }
0x253: {  	s17 =	simm.s32 $0xC080  }
0x254: {  	[tilespmem:s17], [sflag:$0x2] =	stream.indirect_vreg.gather [hbm4b:s10+s4], $0x80, v2, vm0, $0xb8;
	[tilespmem:$0x18080] =	vst v63  }
0x255: {  	s17 =	simm.s32 $0xC880  }
0x256: {  	[tilespmem:s17], [sflag:$0x2] =	stream.indirect_vreg.gather [hbm4b:s11+s4], $0x80, v2, vm0, $0xb8;
	[tilespmem:$0x18080] =	vst v63  }
0x257: {  	s17 =	simm.s32 $0xD080  }
0x258: {  	[tilespmem:s17], [sflag:$0x2] =	stream.indirect_vreg.gather [hbm4b:s12+s4], $0x80, v2, vm0, $0xb8;
	[tilespmem:$0x18080] =	vst v63  }
0x259: {  	s17 =	simm.s32 $0xD880  }
0x25a: {  	[tilespmem:s17], [sflag:$0x2] =	stream.indirect_vreg.gather [hbm4b:s13+s4], $0x80, v2, vm0, $0xb8;
	[tilespmem:$0x18080] =	vst v63  }
0x25b: {  	s17 =	simm.s32 $0xE080  }
0x25c: {  	[tilespmem:s17], [sflag:$0x2] =	stream.indirect_vreg.gather [hbm4b:s14+s4], $0x80, v2, vm0, $0xb8;
	[tilespmem:$0x18080] =	vst v63  }
0x25d: {  	s17 =	simm.s32 $0xE880  }
0x25e: {  	[tilespmem:s17], [sflag:$0x2] =	stream.indirect_vreg.gather [hbm4b:s15+s4], $0x80, v2, vm0, $0xb8;
	[tilespmem:$0x18080] =	vst v63  }
0x25f: {  	s17 =	simm.s32 $0xF080  }
0x260: {  	[tilespmem:s17], [sflag:$0x2] =	stream.indirect_vreg.gather [hbm4b:s16+s4], $0x80, v2, vm0, $0xb8;
	[tilespmem:$0x18080] =	vst v63  }
0x261: {  	s17 =	simm.s32 $0xF880  }
0x262: {  	[tilespmem:s17], [sflag:$0x2] =	stream.indirect_vreg.gather [hbm4b:s25+s4], $0x80, v2, vm0, $0xb8;
	[tilespmem:$0x18080] =	vst v63  }
0x263: {  	_ =	swait.ge [sflag:s26], $0x8000  }
0x264: {  	[sflag:s26] =	ssyncset.done $0x0  }
0x265: {  	s18 =	simm.s32 $0x80;
	s17 =	rddreg [dreg:$0x18];
	[sflag:s26] =	ssyncadd.s32 $0xFFFF8000  }
0x266: {  	[hbm4b:s17+s4] =	stream.linear.scatter [tilespmem:s18], [sflag:$0x4], $0x8000, $0x38;
	[tilespmem:$0x18080] =	vst v63  }
0x267: {  	_ =	swait.ge [sflag:s31], $0x8000  }
0x268: {  	[sflag:s31] =	ssyncset.done $0x0  }
0x269: {  	[sflag:s31] =	ssyncadd.s32 $0xFFFF8000  }
0x26a: {  	v2 =	vld.msk [tilespmem:$0x18], $0xff;
	_ =	sdelay $0x4  }
0x26b: {  	v3 =	vshll.u32 v2, $0x5  }
0x26c: {  	v2 =	vand.u32 $0x7, v2;
	v3 =	vand.u32 $0xFFFFFF00, v3  }
0x26d: {  	v2 =	vor.u32 v2, v3  }
0x26e: {  	v2 =	vperm.xlane v2, v0;
	_ =	sdelay $0x1  }
0x26f: {  	v2 =	vadd.s32 v1, v2;
	_ =	sdelay $0x3  }
0x270: {  	s19 =	simm.s32 $0x10080  }
0x271: {  	[tilespmem:s19], [sflag:$0x3] =	stream.indirect_vreg.gather [hbm4b:s5+s4], $0x80, v2, vm0, $0xb8;
	[tilespmem:$0x18080] =	vst v63  }
0x272: {  	_ = 	snop  }
0x273: {  	[tilespmem:s20], [sflag:$0x3] =	stream.indirect_vreg.gather [hbm4b:s0+s4], $0x80, v2, vm0, $0xb8;
	[tilespmem:$0x18080] =	vst v63  }
0x274: {  	s20 =	simm.s32 $0x11080  }
0x275: {  	[tilespmem:s20], [sflag:$0x3] =	stream.indirect_vreg.gather [hbm4b:s1+s4], $0x80, v2, vm0, $0xb8;
	[tilespmem:$0x18080] =	vst v63  }
0x276: {  	_ = 	snop  }
0x277: {  	[tilespmem:s21], [sflag:$0x3] =	stream.indirect_vreg.gather [hbm4b:s2+s4], $0x80, v2, vm0, $0xb8;
	[tilespmem:$0x18080] =	vst v63  }
0x278: {  	s21 =	simm.s32 $0x12080  }
0x279: {  	[tilespmem:s21], [sflag:$0x3] =	stream.indirect_vreg.gather [hbm4b:s6+s4], $0x80, v2, vm0, $0xb8;
	[tilespmem:$0x18080] =	vst v63  }
0x27a: {  	s17 =	simm.s32 $0x12880  }
0x27b: {  	[tilespmem:s17], [sflag:$0x3] =	stream.indirect_vreg.gather [hbm4b:s7+s4], $0x80, v2, vm0, $0xb8;
	[tilespmem:$0x18080] =	vst v63  }
0x27c: {  	s20 =	simm.s32 $0x13080  }
0x27d: {  	[tilespmem:s20], [sflag:$0x3] =	stream.indirect_vreg.gather [hbm4b:s8+s4], $0x80, v2, vm0, $0xb8;
	[tilespmem:$0x18080] =	vst v63  }
0x27e: {  	s21 =	simm.s32 $0x13880  }
0x27f: {  	[tilespmem:s21], [sflag:$0x3] =	stream.indirect_vreg.gather [hbm4b:s9+s4], $0x80, v2, vm0, $0xb8;
	[tilespmem:$0x18080] =	vst v63  }
0x280: {  	s17 =	simm.s32 $0x14080  }
0x281: {  	[tilespmem:s17], [sflag:$0x3] =	stream.indirect_vreg.gather [hbm4b:s10+s4], $0x80, v2, vm0, $0xb8;
	[tilespmem:$0x18080] =	vst v63  }
0x282: {  	s20 =	simm.s32 $0x14880  }
0x283: {  	[tilespmem:s20], [sflag:$0x3] =	stream.indirect_vreg.gather [hbm4b:s11+s4], $0x80, v2, vm0, $0xb8;
	[tilespmem:$0x18080] =	vst v63  }
0x284: {  	s21 =	simm.s32 $0x15080  }
0x285: {  	[tilespmem:s21], [sflag:$0x3] =	stream.indirect_vreg.gather [hbm4b:s12+s4], $0x80, v2, vm0, $0xb8;
	[tilespmem:$0x18080] =	vst v63  }
0x286: {  	s17 =	simm.s32 $0x15880  }
0x287: {  	[tilespmem:s17], [sflag:$0x3] =	stream.indirect_vreg.gather [hbm4b:s13+s4], $0x80, v2, vm0, $0xb8;
	[tilespmem:$0x18080] =	vst v63  }
0x288: {  	s20 =	simm.s32 $0x16080  }
0x289: {  	[tilespmem:s20], [sflag:$0x3] =	stream.indirect_vreg.gather [hbm4b:s14+s4], $0x80, v2, vm0, $0xb8;
	[tilespmem:$0x18080] =	vst v63  }
0x28a: {  	s21 =	simm.s32 $0x16880  }
0x28b: {  	[tilespmem:s21], [sflag:$0x3] =	stream.indirect_vreg.gather [hbm4b:s15+s4], $0x80, v2, vm0, $0xb8;
	[tilespmem:$0x18080] =	vst v63  }
0x28c: {  	s17 =	simm.s32 $0x17080  }
0x28d: {  	[tilespmem:s17], [sflag:$0x3] =	stream.indirect_vreg.gather [hbm4b:s16+s4], $0x80, v2, vm0, $0xb8;
	[tilespmem:$0x18080] =	vst v63  }
0x28e: {  	s20 =	simm.s32 $0x17880  }
0x28f: {  	[tilespmem:s20], [sflag:$0x3] =	stream.indirect_vreg.gather [hbm4b:s25+s4], $0x80, v2, vm0, $0xb8;
	[tilespmem:$0x18080] =	vst v63  }
0x290: {  	_ =	swait.ge [sflag:s28], $0x8000  }
0x291: {  	[sflag:s28] =	ssyncset.done $0x0  }
0x292: {  	s22 =	simm.s32 $0x8080;
	s21 =	rddreg [dreg:$0x19];
	[sflag:s28] =	ssyncadd.s32 $0xFFFF8000  }
0x293: {  	[hbm4b:s21+s4] =	stream.linear.scatter [tilespmem:s22], [sflag:$0x5], $0x8000, $0x38;
	[tilespmem:$0x18080] =	vst v63  }
0x294: {  	_ =	swait.ge [sflag:s29], $0x8000  }
0x295: {  	[sflag:s29] =	ssyncset.done $0x0  }
0x296: {  	[sflag:s29] =	ssyncadd.s32 $0xFFFF8000  }
0x297: {  	v2 =	vld.msk [tilespmem:$0x20], $0xff;
	_ =	sdelay $0x4  }
0x298: {  	v3 =	vshll.u32 v2, $0x5  }
0x299: {  	v2 =	vand.u32 $0x7, v2;
	v3 =	vand.u32 $0xFFFFFF00, v3  }
0x29a: {  	v2 =	vor.u32 v2, v3  }
0x29b: {  	v2 =	vperm.xlane v2, v0;
	_ =	sdelay $0x1  }
0x29c: {  	v2 =	vadd.s32 v1, v2;
	_ =	sdelay $0x3  }
0x29d: {  	s18 =	simm.s32 $0x80  }
0x29e: {  	[tilespmem:s18], [sflag:$0x1] =	stream.indirect_vreg.gather [hbm4b:s5+s4], $0x80, v2, vm0, $0xb8;
	[tilespmem:$0x18080] =	vst v63  }
0x29f: {  	s24 =	simm.s32 $0x880  }
0x2a0: {  	[tilespmem:s24], [sflag:$0x1] =	stream.indirect_vreg.gather [hbm4b:s0+s4], $0x80, v2, vm0, $0xb8;
	[tilespmem:$0x18080] =	vst v63  }
0x2a1: {  	s22 =	simm.s32 $0x1080  }
0x2a2: {  	[tilespmem:s22], [sflag:$0x1] =	stream.indirect_vreg.gather [hbm4b:s1+s4], $0x80, v2, vm0, $0xb8;
	[tilespmem:$0x18080] =	vst v63  }
0x2a3: {  	s22 =	simm.s32 $0x1880  }
0x2a4: {  	[tilespmem:s22], [sflag:$0x1] =	stream.indirect_vreg.gather [hbm4b:s2+s4], $0x80, v2, vm0, $0xb8;
	[tilespmem:$0x18080] =	vst v63  }
0x2a5: {  	s24 =	simm.s32 $0x2080  }
0x2a6: {  	[tilespmem:s24], [sflag:$0x1] =	stream.indirect_vreg.gather [hbm4b:s6+s4], $0x80, v2, vm0, $0xb8;
	[tilespmem:$0x18080] =	vst v63  }
0x2a7: {  	s20 =	simm.s32 $0x2880  }
0x2a8: {  	[tilespmem:s20], [sflag:$0x1] =	stream.indirect_vreg.gather [hbm4b:s7+s4], $0x80, v2, vm0, $0xb8;
	[tilespmem:$0x18080] =	vst v63  }
0x2a9: {  	s21 =	simm.s32 $0x3080  }
0x2aa: {  	[tilespmem:s21], [sflag:$0x1] =	stream.indirect_vreg.gather [hbm4b:s8+s4], $0x80, v2, vm0, $0xb8;
	[tilespmem:$0x18080] =	vst v63  }
0x2ab: {  	s24 =	simm.s32 $0x3880  }
0x2ac: {  	[tilespmem:s24], [sflag:$0x1] =	stream.indirect_vreg.gather [hbm4b:s9+s4], $0x80, v2, vm0, $0xb8;
	[tilespmem:$0x18080] =	vst v63  }
0x2ad: {  	s3 =	simm.s32 $0x4080  }
0x2ae: {  	[tilespmem:s3], [sflag:$0x1] =	stream.indirect_vreg.gather [hbm4b:s10+s4], $0x80, v2, vm0, $0xb8;
	[tilespmem:$0x18080] =	vst v63  }
0x2af: {  	s3 =	simm.s32 $0x4880  }
0x2b0: {  	[tilespmem:s3], [sflag:$0x1] =	stream.indirect_vreg.gather [hbm4b:s11+s4], $0x80, v2, vm0, $0xb8;
	[tilespmem:$0x18080] =	vst v63  }
0x2b1: {  	s3 =	simm.s32 $0x5080  }
0x2b2: {  	[tilespmem:s3], [sflag:$0x1] =	stream.indirect_vreg.gather [hbm4b:s12+s4], $0x80, v2, vm0, $0xb8;
	[tilespmem:$0x18080] =	vst v63  }
0x2b3: {  	s3 =	simm.s32 $0x5880  }
0x2b4: {  	[tilespmem:s3], [sflag:$0x1] =	stream.indirect_vreg.gather [hbm4b:s13+s4], $0x80, v2, vm0, $0xb8;
	[tilespmem:$0x18080] =	vst v63  }
0x2b5: {  	s3 =	simm.s32 $0x6080  }
0x2b6: {  	[tilespmem:s3], [sflag:$0x1] =	stream.indirect_vreg.gather [hbm4b:s14+s4], $0x80, v2, vm0, $0xb8;
	[tilespmem:$0x18080] =	vst v63  }
0x2b7: {  	s3 =	simm.s32 $0x6880  }
0x2b8: {  	[tilespmem:s3], [sflag:$0x1] =	stream.indirect_vreg.gather [hbm4b:s15+s4], $0x80, v2, vm0, $0xb8;
	[tilespmem:$0x18080] =	vst v63  }
0x2b9: {  	s3 =	simm.s32 $0x7080  }
0x2ba: {  	[tilespmem:s3], [sflag:$0x1] =	stream.indirect_vreg.gather [hbm4b:s16+s4], $0x80, v2, vm0, $0xb8;
	[tilespmem:$0x18080] =	vst v63  }
0x2bb: {  	s3 =	simm.s32 $0x7880  }
0x2bc: {  	[tilespmem:s3], [sflag:$0x1] =	stream.indirect_vreg.gather [hbm4b:s25+s4], $0x80, v2, vm0, $0xb8;
	[tilespmem:$0x18080] =	vst v63  }
0x2bd: {  	_ =	swait.ge [sflag:s23], $0x8000  }
0x2be: {  	[sflag:s23] =	ssyncset.done $0x0  }
0x2bf: {  	s19 =	simm.s32 $0x10080;
	s3 =	rddreg [dreg:$0x1a];
	[sflag:s23] =	ssyncadd.s32 $0xFFFF8000  }
0x2c0: {  	[hbm4b:s3+s4] =	stream.linear.scatter [tilespmem:s19], [sflag:$0x6], $0x8000, $0x38;
	[tilespmem:$0x18080] =	vst v63  }
0x2c1: {  	_ =	swait.ge [sflag:s30], $0x8000  }
0x2c2: {  	[sflag:s30] =	ssyncset.done $0x0  }
0x2c3: {  	[sflag:s30] =	ssyncadd.s32 $0xFFFF8000  }
0x2c4: {  	v2 =	vld.msk [tilespmem:$0x28], $0xff;
	_ =	sdelay $0x4  }
0x2c5: {  	v3 =	vshll.u32 v2, $0x5  }
0x2c6: {  	v2 =	vand.u32 $0x7, v2;
	v3 =	vand.u32 $0xFFFFFF00, v3  }
0x2c7: {  	v2 =	vor.u32 v2, v3  }
0x2c8: {  	v2 =	vperm.xlane v2, v0;
	_ =	sdelay $0x1  }
0x2c9: {  	v2 =	vadd.s32 v1, v2;
	_ =	sdelay $0x3  }
0x2ca: {  	s17 =	simm.s32 $0x8080  }
0x2cb: {  	[tilespmem:s17], [sflag:$0x2] =	stream.indirect_vreg.gather [hbm4b:s5+s4], $0x80, v2, vm0, $0xb8;
	[tilespmem:$0x18080] =	vst v63  }
0x2cc: {  	s3 =	simm.s32 $0x8880  }
0x2cd: {  	[tilespmem:s3], [sflag:$0x2] =	stream.indirect_vreg.gather [hbm4b:s0+s4], $0x80, v2, vm0, $0xb8;
	[tilespmem:$0x18080] =	vst v63  }
0x2ce: {  	s3 =	simm.s32 $0x9080  }
0x2cf: {  	[tilespmem:s3], [sflag:$0x2] =	stream.indirect_vreg.gather [hbm4b:s1+s4], $0x80, v2, vm0, $0xb8;
	[tilespmem:$0x18080] =	vst v63  }
0x2d0: {  	s3 =	simm.s32 $0x9880  }
0x2d1: {  	[tilespmem:s3], [sflag:$0x2] =	stream.indirect_vreg.gather [hbm4b:s2+s4], $0x80, v2, vm0, $0xb8;
	[tilespmem:$0x18080] =	vst v63  }
0x2d2: {  	s3 =	simm.s32 $0xA080  }
0x2d3: {  	[tilespmem:s3], [sflag:$0x2] =	stream.indirect_vreg.gather [hbm4b:s6+s4], $0x80, v2, vm0, $0xb8;
	[tilespmem:$0x18080] =	vst v63  }
0x2d4: {  	s3 =	simm.s32 $0xA880  }
0x2d5: {  	[tilespmem:s3], [sflag:$0x2] =	stream.indirect_vreg.gather [hbm4b:s7+s4], $0x80, v2, vm0, $0xb8;
	[tilespmem:$0x18080] =	vst v63  }
0x2d6: {  	s3 =	simm.s32 $0xB080  }
0x2d7: {  	[tilespmem:s3], [sflag:$0x2] =	stream.indirect_vreg.gather [hbm4b:s8+s4], $0x80, v2, vm0, $0xb8;
	[tilespmem:$0x18080] =	vst v63  }
0x2d8: {  	s3 =	simm.s32 $0xB880  }
0x2d9: {  	[tilespmem:s3], [sflag:$0x2] =	stream.indirect_vreg.gather [hbm4b:s9+s4], $0x80, v2, vm0, $0xb8;
	[tilespmem:$0x18080] =	vst v63  }
0x2da: {  	s3 =	simm.s32 $0xC080  }
0x2db: {  	[tilespmem:s3], [sflag:$0x2] =	stream.indirect_vreg.gather [hbm4b:s10+s4], $0x80, v2, vm0, $0xb8;
	[tilespmem:$0x18080] =	vst v63  }
0x2dc: {  	s3 =	simm.s32 $0xC880  }
0x2dd: {  	[tilespmem:s3], [sflag:$0x2] =	stream.indirect_vreg.gather [hbm4b:s11+s4], $0x80, v2, vm0, $0xb8;
	[tilespmem:$0x18080] =	vst v63  }
0x2de: {  	s3 =	simm.s32 $0xD080  }
0x2df: {  	[tilespmem:s3], [sflag:$0x2] =	stream.indirect_vreg.gather [hbm4b:s12+s4], $0x80, v2, vm0, $0xb8;
	[tilespmem:$0x18080] =	vst v63  }
0x2e0: {  	s3 =	simm.s32 $0xD880  }
0x2e1: {  	[tilespmem:s3], [sflag:$0x2] =	stream.indirect_vreg.gather [hbm4b:s13+s4], $0x80, v2, vm0, $0xb8;
	[tilespmem:$0x18080] =	vst v63  }
0x2e2: {  	s3 =	simm.s32 $0xE080  }
0x2e3: {  	[tilespmem:s3], [sflag:$0x2] =	stream.indirect_vreg.gather [hbm4b:s14+s4], $0x80, v2, vm0, $0xb8;
	[tilespmem:$0x18080] =	vst v63  }
0x2e4: {  	s3 =	simm.s32 $0xE880  }
0x2e5: {  	[tilespmem:s3], [sflag:$0x2] =	stream.indirect_vreg.gather [hbm4b:s15+s4], $0x80, v2, vm0, $0xb8;
	[tilespmem:$0x18080] =	vst v63  }
0x2e6: {  	s3 =	simm.s32 $0xF080  }
0x2e7: {  	[tilespmem:s3], [sflag:$0x2] =	stream.indirect_vreg.gather [hbm4b:s16+s4], $0x80, v2, vm0, $0xb8;
	[tilespmem:$0x18080] =	vst v63  }
0x2e8: {  	s3 =	simm.s32 $0xF880  }
0x2e9: {  	[tilespmem:s3], [sflag:$0x2] =	stream.indirect_vreg.gather [hbm4b:s25+s4], $0x80, v2, vm0, $0xb8;
	[tilespmem:$0x18080] =	vst v63  }
0x2ea: {  	_ =	swait.ge [sflag:s26], $0x8000  }
0x2eb: {  	[sflag:s26] =	ssyncset.done $0x0  }
0x2ec: {  	s18 =	simm.s32 $0x80;
	s3 =	rddreg [dreg:$0x1b];
	[sflag:s26] =	ssyncadd.s32 $0xFFFF8000  }
0x2ed: {  	[hbm4b:s3+s4] =	stream.linear.scatter [tilespmem:s18], [sflag:$0x4], $0x8000, $0x38;
	[tilespmem:$0x18080] =	vst v63  }
0x2ee: {  	_ =	swait.ge [sflag:s31], $0x8000  }
0x2ef: {  	[sflag:s31] =	ssyncset.done $0x0  }
0x2f0: {  	[sflag:s31] =	ssyncadd.s32 $0xFFFF8000  }
0x2f1: {  	v2 =	vld.msk [tilespmem:$0x30], $0xff;
	_ =	sdelay $0x4  }
0x2f2: {  	v3 =	vshll.u32 v2, $0x5  }
0x2f3: {  	v2 =	vand.u32 $0x7, v2;
	v3 =	vand.u32 $0xFFFFFF00, v3  }
0x2f4: {  	v2 =	vor.u32 v2, v3  }
0x2f5: {  	v2 =	vperm.xlane v2, v0;
	_ =	sdelay $0x1  }
0x2f6: {  	v2 =	vadd.s32 v1, v2;
	_ =	sdelay $0x3  }
0x2f7: {  	s19 =	simm.s32 $0x10080  }
0x2f8: {  	[tilespmem:s19], [sflag:$0x3] =	stream.indirect_vreg.gather [hbm4b:s5+s4], $0x80, v2, vm0, $0xb8;
	[tilespmem:$0x18080] =	vst v63  }
0x2f9: {  	s19 =	simm.s32 $0x10880  }
0x2fa: {  	[tilespmem:s19], [sflag:$0x3] =	stream.indirect_vreg.gather [hbm4b:s0+s4], $0x80, v2, vm0, $0xb8;
	[tilespmem:$0x18080] =	vst v63  }
0x2fb: {  	s19 =	simm.s32 $0x11080  }
0x2fc: {  	[tilespmem:s19], [sflag:$0x3] =	stream.indirect_vreg.gather [hbm4b:s1+s4], $0x80, v2, vm0, $0xb8;
	[tilespmem:$0x18080] =	vst v63  }
0x2fd: {  	s19 =	simm.s32 $0x11880  }
0x2fe: {  	[tilespmem:s19], [sflag:$0x3] =	stream.indirect_vreg.gather [hbm4b:s2+s4], $0x80, v2, vm0, $0xb8;
	[tilespmem:$0x18080] =	vst v63  }
0x2ff: {  	s19 =	simm.s32 $0x12080  }
0x300: {  	[tilespmem:s19], [sflag:$0x3] =	stream.indirect_vreg.gather [hbm4b:s6+s4], $0x80, v2, vm0, $0xb8;
	[tilespmem:$0x18080] =	vst v63  }
0x301: {  	s19 =	simm.s32 $0x12880  }
0x302: {  	[tilespmem:s19], [sflag:$0x3] =	stream.indirect_vreg.gather [hbm4b:s7+s4], $0x80, v2, vm0, $0xb8;
	[tilespmem:$0x18080] =	vst v63  }
0x303: {  	s19 =	simm.s32 $0x13080  }
0x304: {  	[tilespmem:s19], [sflag:$0x3] =	stream.indirect_vreg.gather [hbm4b:s8+s4], $0x80, v2, vm0, $0xb8;
	[tilespmem:$0x18080] =	vst v63  }
0x305: {  	s19 =	simm.s32 $0x13880  }
0x306: {  	[tilespmem:s19], [sflag:$0x3] =	stream.indirect_vreg.gather [hbm4b:s9+s4], $0x80, v2, vm0, $0xb8;
	[tilespmem:$0x18080] =	vst v63  }
0x307: {  	s19 =	simm.s32 $0x14080  }
0x308: {  	[tilespmem:s19], [sflag:$0x3] =	stream.indirect_vreg.gather [hbm4b:s10+s4], $0x80, v2, vm0, $0xb8;
	[tilespmem:$0x18080] =	vst v63  }
0x309: {  	s19 =	simm.s32 $0x14880  }
0x30a: {  	[tilespmem:s19], [sflag:$0x3] =	stream.indirect_vreg.gather [hbm4b:s11+s4], $0x80, v2, vm0, $0xb8;
	[tilespmem:$0x18080] =	vst v63  }
0x30b: {  	s19 =	simm.s32 $0x15080  }
0x30c: {  	[tilespmem:s19], [sflag:$0x3] =	stream.indirect_vreg.gather [hbm4b:s12+s4], $0x80, v2, vm0, $0xb8;
	[tilespmem:$0x18080] =	vst v63  }
0x30d: {  	s19 =	simm.s32 $0x15880  }
0x30e: {  	[tilespmem:s19], [sflag:$0x3] =	stream.indirect_vreg.gather [hbm4b:s13+s4], $0x80, v2, vm0, $0xb8;
	[tilespmem:$0x18080] =	vst v63  }
0x30f: {  	s19 =	simm.s32 $0x16080  }
0x310: {  	[tilespmem:s19], [sflag:$0x3] =	stream.indirect_vreg.gather [hbm4b:s14+s4], $0x80, v2, vm0, $0xb8;
	[tilespmem:$0x18080] =	vst v63  }
0x311: {  	s19 =	simm.s32 $0x16880  }
0x312: {  	[tilespmem:s19], [sflag:$0x3] =	stream.indirect_vreg.gather [hbm4b:s15+s4], $0x80, v2, vm0, $0xb8;
	[tilespmem:$0x18080] =	vst v63  }
0x313: {  	s19 =	simm.s32 $0x17080  }
0x314: {  	[tilespmem:s19], [sflag:$0x3] =	stream.indirect_vreg.gather [hbm4b:s16+s4], $0x80, v2, vm0, $0xb8;
	[tilespmem:$0x18080] =	vst v63  }
0x315: {  	s19 =	simm.s32 $0x17880  }
0x316: {  	[tilespmem:s19], [sflag:$0x3] =	stream.indirect_vreg.gather [hbm4b:s25+s4], $0x80, v2, vm0, $0xb8;
	[tilespmem:$0x18080] =	vst v63  }
0x317: {  	_ =	swait.ge [sflag:s28], $0x8000  }
0x318: {  	[sflag:s28] =	ssyncset.done $0x0  }
0x319: {  	s19 =	rddreg [dreg:$0x1c];
	[sflag:s28] =	ssyncadd.s32 $0xFFFF8000  }
0x31a: {  	[hbm4b:s19+s4] =	stream.linear.scatter [tilespmem:s17], [sflag:$0x5], $0x8000, $0x38;
	[tilespmem:$0x18080] =	vst v63  }
0x31b: {  	_ =	swait.ge [sflag:s29], $0x8000  }
0x31c: {  	[sflag:s29] =	ssyncset.done $0x0  }
0x31d: {  	[sflag:s29] =	ssyncadd.s32 $0xFFFF8000  }
0x31e: {  	v2 =	vld.msk [tilespmem:$0x38], $0xff;
	_ =	sdelay $0x4  }
0x31f: {  	v3 =	vshll.u32 v2, $0x5  }
0x320: {  	v2 =	vand.u32 $0x7, v2;
	v3 =	vand.u32 $0xFFFFFF00, v3  }
0x321: {  	v2 =	vor.u32 v2, v3  }
0x322: {  	v2 =	vperm.xlane v2, v0;
	_ =	sdelay $0x1  }
0x323: {  	v2 =	vadd.s32 v1, v2;
	_ =	sdelay $0x4  }
0x324: {  	[tilespmem:s18], [sflag:$0x1] =	stream.indirect_vreg.gather [hbm4b:s5+s4], $0x80, v2, vm0, $0xb8;
	[tilespmem:$0x18080] =	vst v63  }
0x325: {  	s17 =	simm.s32 $0x880  }
0x326: {  	[tilespmem:s17], [sflag:$0x1] =	stream.indirect_vreg.gather [hbm4b:s0+s4], $0x80, v2, vm0, $0xb8;
	[tilespmem:$0x18080] =	vst v63  }
0x327: {  	s18 =	simm.s32 $0x1080  }
0x328: {  	[tilespmem:s18], [sflag:$0x1] =	stream.indirect_vreg.gather [hbm4b:s1+s4], $0x80, v2, vm0, $0xb8;
	[tilespmem:$0x18080] =	vst v63  }
0x329: {  	_ = 	snop  }
0x32a: {  	[tilespmem:s22], [sflag:$0x1] =	stream.indirect_vreg.gather [hbm4b:s2+s4], $0x80, v2, vm0, $0xb8;
	[tilespmem:$0x18080] =	vst v63  }
0x32b: {  	s19 =	simm.s32 $0x2080  }
0x32c: {  	[tilespmem:s19], [sflag:$0x1] =	stream.indirect_vreg.gather [hbm4b:s6+s4], $0x80, v2, vm0, $0xb8;
	[tilespmem:$0x18080] =	vst v63  }
0x32d: {  	_ = 	snop  }
0x32e: {  	[tilespmem:s20], [sflag:$0x1] =	stream.indirect_vreg.gather [hbm4b:s7+s4], $0x80, v2, vm0, $0xb8;
	[tilespmem:$0x18080] =	vst v63  }
0x32f: {  	_ = 	snop  }
0x330: {  	[tilespmem:s21], [sflag:$0x1] =	stream.indirect_vreg.gather [hbm4b:s8+s4], $0x80, v2, vm0, $0xb8;
	[tilespmem:$0x18080] =	vst v63  }
0x331: {  	_ = 	snop  }
0x332: {  	[tilespmem:s24], [sflag:$0x1] =	stream.indirect_vreg.gather [hbm4b:s9+s4], $0x80, v2, vm0, $0xb8;
	[tilespmem:$0x18080] =	vst v63  }
0x333: {  	s21 =	simm.s32 $0x4080  }
0x334: {  	[tilespmem:s21], [sflag:$0x1] =	stream.indirect_vreg.gather [hbm4b:s10+s4], $0x80, v2, vm0, $0xb8;
	[tilespmem:$0x18080] =	vst v63  }
0x335: {  	s22 =	simm.s32 $0x4880  }
0x336: {  	[tilespmem:s22], [sflag:$0x1] =	stream.indirect_vreg.gather [hbm4b:s11+s4], $0x80, v2, vm0, $0xb8;
	[tilespmem:$0x18080] =	vst v63  }
0x337: {  	s24 =	simm.s32 $0x5080  }
0x338: {  	[tilespmem:s24], [sflag:$0x1] =	stream.indirect_vreg.gather [hbm4b:s12+s4], $0x80, v2, vm0, $0xb8;
	[tilespmem:$0x18080] =	vst v63  }
0x339: {  	s2 =	simm.s32 $0x5880  }
0x33a: {  	[tilespmem:s2], [sflag:$0x1] =	stream.indirect_vreg.gather [hbm4b:s13+s4], $0x80, v2, vm0, $0xb8;
	[tilespmem:$0x18080] =	vst v63  }
0x33b: {  	s3 =	simm.s32 $0x6080  }
0x33c: {  	[tilespmem:s3], [sflag:$0x1] =	stream.indirect_vreg.gather [hbm4b:s14+s4], $0x80, v2, vm0, $0xb8;
	[tilespmem:$0x18080] =	vst v63  }
0x33d: {  	s5 =	simm.s32 $0x6880  }
0x33e: {  	[tilespmem:s5], [sflag:$0x1] =	stream.indirect_vreg.gather [hbm4b:s15+s4], $0x80, v2, vm0, $0xb8;
	[tilespmem:$0x18080] =	vst v63  }
0x33f: {  	s6 =	simm.s32 $0x7080  }
0x340: {  	[tilespmem:s6], [sflag:$0x1] =	stream.indirect_vreg.gather [hbm4b:s16+s4], $0x80, v2, vm0, $0xb8;
	[tilespmem:$0x18080] =	vst v63  }
0x341: {  	s7 =	simm.s32 $0x7880  }
0x342: {  	[tilespmem:s7], [sflag:$0x1] =	stream.indirect_vreg.gather [hbm4b:s25+s4], $0x80, v2, vm0, $0xb8;
	[tilespmem:$0x18080] =	vst v63  }
0x343: {  	s0 =	sld [smem:$0x7C8];
	_ =	swait.ge [sflag:s23], $0x8000  }
0x344: {  	[sflag:s23] =	ssyncset.done $0x0  }
0x345: {  	s15 =	simm.s32 $0x10080;
	s8 =	rddreg [dreg:$0x1d];
	[sflag:s23] =	ssyncadd.s32 $0xFFFF8000  }
0x346: {  	[hbm4b:s8+s4] =	stream.linear.scatter [tilespmem:s15], [sflag:$0x6], $0x8000, $0x38;
	[tilespmem:$0x18080] =	vst v63  }
0x347: {  	_ =	swait.ge [sflag:s30], $0x8000  }
0x348: {  	[sflag:s30] =	ssyncset.done $0x0  }
0x349: {  	[sflag:s30] =	ssyncadd.s32 $0xFFFF8000  }
0x34a: {  	v2 =	vld.msk [tilespmem:$0x0], $0xff;
	_ =	sdelay $0x4  }
0x34b: {  	v3 =	vshll.u32 v2, $0x5  }
0x34c: {  	v2 =	vand.u32 $0x7, v2;
	v3 =	vand.u32 $0xFFFFFF00, v3  }
0x34d: {  	v2 =	vor.u32 v2, v3  }
0x34e: {  	v2 =	vperm.xlane v2, v0;
	_ =	sdelay $0x1  }
0x34f: {  	v2 =	vadd.s32 v1, v2;
	_ =	sdelay $0x2  }
0x350: {  	s1 =	sld [smem:$0x7EF]  }
0x351: {  	s24 =	simm.s32 $0x8080;
	s5 =	rddreg [dreg:$0x2]  }
0x352: {  	[tilespmem:s24], [sflag:$0x2] =	stream.indirect_vreg.gather [hbm4b:s5+s4], $0x80, v2, vm0, $0xb8;
	[tilespmem:$0x18080] =	vst v63  }
0x353: {  	s9 =	simm.s32 $0x8880;
	s2 =	sld [smem:$0x7F0]  }
0x354: {  	[tilespmem:s9], [sflag:$0x2] =	stream.indirect_vreg.gather [hbm4b:s1+s4], $0x80, v2, vm0, $0xb8;
	[tilespmem:$0x18080] =	vst v63  }
0x355: {  	s10 =	simm.s32 $0x9080;
	s6 =	sld [smem:$0x7F1]  }
0x356: {  	[tilespmem:s10], [sflag:$0x2] =	stream.indirect_vreg.gather [hbm4b:s2+s4], $0x80, v2, vm0, $0xb8;
	[tilespmem:$0x18080] =	vst v63  }
0x357: {  	s11 =	simm.s32 $0x9880;
	s7 =	sld [smem:$0x7F2]  }
0x358: {  	[tilespmem:s11], [sflag:$0x2] =	stream.indirect_vreg.gather [hbm4b:s6+s4], $0x80, v2, vm0, $0xb8;
	[tilespmem:$0x18080] =	vst v63  }
0x359: {  	s12 =	simm.s32 $0xA080;
	s8 =	sld [smem:$0x7F3]  }
0x35a: {  	[tilespmem:s12], [sflag:$0x2] =	stream.indirect_vreg.gather [hbm4b:s7+s4], $0x80, v2, vm0, $0xb8;
	[tilespmem:$0x18080] =	vst v63  }
0x35b: {  	s13 =	simm.s32 $0xA880;
	s9 =	sld [smem:$0x7F4]  }
0x35c: {  	[tilespmem:s13], [sflag:$0x2] =	stream.indirect_vreg.gather [hbm4b:s8+s4], $0x80, v2, vm0, $0xb8;
	[tilespmem:$0x18080] =	vst v63  }
0x35d: {  	s25 =	simm.s32 $0xB080;
	s10 =	sld [smem:$0x7F5]  }
0x35e: {  	[tilespmem:s25], [sflag:$0x2] =	stream.indirect_vreg.gather [hbm4b:s9+s4], $0x80, v2, vm0, $0xb8;
	[tilespmem:$0x18080] =	vst v63  }
0x35f: {  	s14 =	simm.s32 $0xB880;
	s11 =	sld [smem:$0x7F6]  }
0x360: {  	[tilespmem:s14], [sflag:$0x2] =	stream.indirect_vreg.gather [hbm4b:s10+s4], $0x80, v2, vm0, $0xb8;
	[tilespmem:$0x18080] =	vst v63  }
0x361: {  	s16 =	simm.s32 $0xC080;
	s12 =	sld [smem:$0x7F7]  }
0x362: {  	[tilespmem:s16], [sflag:$0x2] =	stream.indirect_vreg.gather [hbm4b:s11+s4], $0x80, v2, vm0, $0xb8;
	[tilespmem:$0x18080] =	vst v63  }
0x363: {  	s17 =	simm.s32 $0xC880;
	s13 =	sld [smem:$0x7F8]  }
0x364: {  	[tilespmem:s17], [sflag:$0x2] =	stream.indirect_vreg.gather [hbm4b:s12+s4], $0x80, v2, vm0, $0xb8;
	[tilespmem:$0x18080] =	vst v63  }
0x365: {  	s18 =	simm.s32 $0xD080;
	s14 =	sld [smem:$0x7F9]  }
0x366: {  	[tilespmem:s18], [sflag:$0x2] =	stream.indirect_vreg.gather [hbm4b:s13+s4], $0x80, v2, vm0, $0xb8;
	[tilespmem:$0x18080] =	vst v63  }
0x367: {  	s19 =	simm.s32 $0xD880;
	s18 =	sld [smem:$0x7FA]  }
0x368: {  	[tilespmem:s19], [sflag:$0x2] =	stream.indirect_vreg.gather [hbm4b:s14+s4], $0x80, v2, vm0, $0xb8;
	[tilespmem:$0x18080] =	vst v63  }
0x369: {  	s20 =	simm.s32 $0xE080;
	s19 =	sld [smem:$0x7FB]  }
0x36a: {  	[tilespmem:s20], [sflag:$0x2] =	stream.indirect_vreg.gather [hbm4b:s18+s4], $0x80, v2, vm0, $0xb8;
	[tilespmem:$0x18080] =	vst v63  }
0x36b: {  	s21 =	simm.s32 $0xE880;
	s20 =	sld [smem:$0x7FC]  }
0x36c: {  	[tilespmem:s21], [sflag:$0x2] =	stream.indirect_vreg.gather [hbm4b:s19+s4], $0x80, v2, vm0, $0xb8;
	[tilespmem:$0x18080] =	vst v63  }
0x36d: {  	s22 =	simm.s32 $0xF080;
	s21 =	sld [smem:$0x7FD]  }
0x36e: {  	[tilespmem:s22], [sflag:$0x2] =	stream.indirect_vreg.gather [hbm4b:s20+s4], $0x80, v2, vm0, $0xb8;
	[tilespmem:$0x18080] =	vst v63  }
0x36f: {  	s16 =	simm.s32 $0xF880  }
0x370: {  	[tilespmem:s16], [sflag:$0x2] =	stream.indirect_vreg.gather [hbm4b:s21+s4], $0x80, v2, vm0, $0xb8;
	[tilespmem:$0x18080] =	vst v63  }
0x371: {  	_ =	swait.ge [sflag:s26], $0x8000  }
0x372: {  	[sflag:s26] =	ssyncset.done $0x0  }
0x373: {  	s22 =	simm.s32 $0x80;
	s17 =	rddreg [dreg:$0x1e];
	[sflag:s26] =	ssyncadd.s32 $0xFFFF8000  }
0x374: {  	[hbm4b:s17+s4] =	stream.linear.scatter [tilespmem:s22], [sflag:$0x4], $0x8000, $0x38;
	[tilespmem:$0x18080] =	vst v63  }
0x375: {  	_ =	swait.ge [sflag:s31], $0x8000  }
0x376: {  	[sflag:s31] =	ssyncset.done $0x0  }
0x377: {  	[sflag:s31] =	ssyncadd.s32 $0xFFFF8000  }
0x378: {  	v2 =	vld.msk [tilespmem:$0x8], $0xff;
	_ =	sdelay $0x4  }
0x379: {  	v3 =	vshll.u32 v2, $0x5  }
0x37a: {  	v2 =	vand.u32 $0x7, v2;
	v3 =	vand.u32 $0xFFFFFF00, v3  }
0x37b: {  	v2 =	vor.u32 v2, v3  }
0x37c: {  	v2 =	vperm.xlane v2, v0;
	_ =	sdelay $0x1  }
0x37d: {  	v2 =	vadd.s32 v1, v2;
	_ =	sdelay $0x4  }
0x37e: {  	[tilespmem:s15], [sflag:$0x3] =	stream.indirect_vreg.gather [hbm4b:s5+s4], $0x80, v2, vm0, $0xb8;
	[tilespmem:$0x18080] =	vst v63  }
0x37f: {  	s15 =	simm.s32 $0x10880  }
0x380: {  	[tilespmem:s15], [sflag:$0x3] =	stream.indirect_vreg.gather [hbm4b:s1+s4], $0x80, v2, vm0, $0xb8;
	[tilespmem:$0x18080] =	vst v63  }
0x381: {  	s17 =	simm.s32 $0x11080  }
0x382: {  	[tilespmem:s17], [sflag:$0x3] =	stream.indirect_vreg.gather [hbm4b:s2+s4], $0x80, v2, vm0, $0xb8;
	[tilespmem:$0x18080] =	vst v63  }
0x383: {  	s15 =	simm.s32 $0x11880  }
0x384: {  	[tilespmem:s15], [sflag:$0x3] =	stream.indirect_vreg.gather [hbm4b:s6+s4], $0x80, v2, vm0, $0xb8;
	[tilespmem:$0x18080] =	vst v63  }
0x385: {  	s17 =	simm.s32 $0x12080  }
0x386: {  	[tilespmem:s17], [sflag:$0x3] =	stream.indirect_vreg.gather [hbm4b:s7+s4], $0x80, v2, vm0, $0xb8;
	[tilespmem:$0x18080] =	vst v63  }
0x387: {  	s15 =	simm.s32 $0x12880  }
0x388: {  	[tilespmem:s15], [sflag:$0x3] =	stream.indirect_vreg.gather [hbm4b:s8+s4], $0x80, v2, vm0, $0xb8;
	[tilespmem:$0x18080] =	vst v63  }
0x389: {  	s17 =	simm.s32 $0x13080  }
0x38a: {  	[tilespmem:s17], [sflag:$0x3] =	stream.indirect_vreg.gather [hbm4b:s9+s4], $0x80, v2, vm0, $0xb8;
	[tilespmem:$0x18080] =	vst v63  }
0x38b: {  	s15 =	simm.s32 $0x13880  }
0x38c: {  	[tilespmem:s15], [sflag:$0x3] =	stream.indirect_vreg.gather [hbm4b:s10+s4], $0x80, v2, vm0, $0xb8;
	[tilespmem:$0x18080] =	vst v63  }
0x38d: {  	s17 =	simm.s32 $0x14080  }
0x38e: {  	[tilespmem:s17], [sflag:$0x3] =	stream.indirect_vreg.gather [hbm4b:s11+s4], $0x80, v2, vm0, $0xb8;
	[tilespmem:$0x18080] =	vst v63  }
0x38f: {  	s15 =	simm.s32 $0x14880  }
0x390: {  	[tilespmem:s15], [sflag:$0x3] =	stream.indirect_vreg.gather [hbm4b:s12+s4], $0x80, v2, vm0, $0xb8;
	[tilespmem:$0x18080] =	vst v63  }
0x391: {  	s17 =	simm.s32 $0x15080  }
0x392: {  	[tilespmem:s17], [sflag:$0x3] =	stream.indirect_vreg.gather [hbm4b:s13+s4], $0x80, v2, vm0, $0xb8;
	[tilespmem:$0x18080] =	vst v63  }
0x393: {  	s15 =	simm.s32 $0x15880  }
0x394: {  	[tilespmem:s15], [sflag:$0x3] =	stream.indirect_vreg.gather [hbm4b:s14+s4], $0x80, v2, vm0, $0xb8;
	[tilespmem:$0x18080] =	vst v63  }
0x395: {  	s17 =	simm.s32 $0x16080  }
0x396: {  	[tilespmem:s17], [sflag:$0x3] =	stream.indirect_vreg.gather [hbm4b:s18+s4], $0x80, v2, vm0, $0xb8;
	[tilespmem:$0x18080] =	vst v63  }
0x397: {  	s15 =	simm.s32 $0x16880  }
0x398: {  	[tilespmem:s15], [sflag:$0x3] =	stream.indirect_vreg.gather [hbm4b:s19+s4], $0x80, v2, vm0, $0xb8;
	[tilespmem:$0x18080] =	vst v63  }
0x399: {  	s17 =	simm.s32 $0x17080  }
0x39a: {  	[tilespmem:s17], [sflag:$0x3] =	stream.indirect_vreg.gather [hbm4b:s20+s4], $0x80, v2, vm0, $0xb8;
	[tilespmem:$0x18080] =	vst v63  }
0x39b: {  	s15 =	simm.s32 $0x17880  }
0x39c: {  	[tilespmem:s15], [sflag:$0x3] =	stream.indirect_vreg.gather [hbm4b:s21+s4], $0x80, v2, vm0, $0xb8;
	[tilespmem:$0x18080] =	vst v63  }
0x39d: {  	_ =	swait.ge [sflag:s28], $0x8000  }
0x39e: {  	[sflag:s28] =	ssyncset.done $0x0  }
0x39f: {  	s17 =	rddreg [dreg:$0x1f];
	[sflag:s28] =	ssyncadd.s32 $0xFFFF8000  }
0x3a0: {  	[hbm4b:s17+s4] =	stream.linear.scatter [tilespmem:s24], [sflag:$0x5], $0x8000, $0x38;
	[tilespmem:$0x18080] =	vst v63  }
0x3a1: {  	_ =	swait.ge [sflag:s29], $0x8000  }
0x3a2: {  	[sflag:s29] =	ssyncset.done $0x0  }
0x3a3: {  	[sflag:s29] =	ssyncadd.s32 $0xFFFF8000  }
0x3a4: {  	v2 =	vld.msk [tilespmem:$0x10], $0xff;
	_ =	sdelay $0x4  }
0x3a5: {  	v3 =	vshll.u32 v2, $0x5  }
0x3a6: {  	v2 =	vand.u32 $0x7, v2;
	v3 =	vand.u32 $0xFFFFFF00, v3  }
0x3a7: {  	v2 =	vor.u32 v2, v3  }
0x3a8: {  	v2 =	vperm.xlane v2, v0;
	_ =	sdelay $0x1  }
0x3a9: {  	v2 =	vadd.s32 v1, v2;
	_ =	sdelay $0x4  }
0x3aa: {  	[tilespmem:s22], [sflag:$0x1] =	stream.indirect_vreg.gather [hbm4b:s5+s4], $0x80, v2, vm0, $0xb8;
	[tilespmem:$0x18080] =	vst v63  }
0x3ab: {  	s24 =	simm.s32 $0x880  }
0x3ac: {  	[tilespmem:s24], [sflag:$0x1] =	stream.indirect_vreg.gather [hbm4b:s1+s4], $0x80, v2, vm0, $0xb8;
	[tilespmem:$0x18080] =	vst v63  }
0x3ad: {  	s22 =	simm.s32 $0x1080  }
0x3ae: {  	[tilespmem:s22], [sflag:$0x1] =	stream.indirect_vreg.gather [hbm4b:s2+s4], $0x80, v2, vm0, $0xb8;
	[tilespmem:$0x18080] =	vst v63  }
0x3af: {  	s22 =	simm.s32 $0x1880  }
0x3b0: {  	[tilespmem:s22], [sflag:$0x1] =	stream.indirect_vreg.gather [hbm4b:s6+s4], $0x80, v2, vm0, $0xb8;
	[tilespmem:$0x18080] =	vst v63  }
0x3b1: {  	s22 =	simm.s32 $0x2080  }
0x3b2: {  	[tilespmem:s22], [sflag:$0x1] =	stream.indirect_vreg.gather [hbm4b:s7+s4], $0x80, v2, vm0, $0xb8;
	[tilespmem:$0x18080] =	vst v63  }
0x3b3: {  	s22 =	simm.s32 $0x2880  }
0x3b4: {  	[tilespmem:s22], [sflag:$0x1] =	stream.indirect_vreg.gather [hbm4b:s8+s4], $0x80, v2, vm0, $0xb8;
	[tilespmem:$0x18080] =	vst v63  }
0x3b5: {  	s22 =	simm.s32 $0x3080  }
0x3b6: {  	[tilespmem:s22], [sflag:$0x1] =	stream.indirect_vreg.gather [hbm4b:s9+s4], $0x80, v2, vm0, $0xb8;
	[tilespmem:$0x18080] =	vst v63  }
0x3b7: {  	s22 =	simm.s32 $0x3880  }
0x3b8: {  	[tilespmem:s22], [sflag:$0x1] =	stream.indirect_vreg.gather [hbm4b:s10+s4], $0x80, v2, vm0, $0xb8;
	[tilespmem:$0x18080] =	vst v63  }
0x3b9: {  	s22 =	simm.s32 $0x4080  }
0x3ba: {  	[tilespmem:s22], [sflag:$0x1] =	stream.indirect_vreg.gather [hbm4b:s11+s4], $0x80, v2, vm0, $0xb8;
	[tilespmem:$0x18080] =	vst v63  }
0x3bb: {  	s22 =	simm.s32 $0x4880  }
0x3bc: {  	[tilespmem:s22], [sflag:$0x1] =	stream.indirect_vreg.gather [hbm4b:s12+s4], $0x80, v2, vm0, $0xb8;
	[tilespmem:$0x18080] =	vst v63  }
0x3bd: {  	s22 =	simm.s32 $0x5080  }
0x3be: {  	[tilespmem:s22], [sflag:$0x1] =	stream.indirect_vreg.gather [hbm4b:s13+s4], $0x80, v2, vm0, $0xb8;
	[tilespmem:$0x18080] =	vst v63  }
0x3bf: {  	s22 =	simm.s32 $0x5880  }
0x3c0: {  	[tilespmem:s22], [sflag:$0x1] =	stream.indirect_vreg.gather [hbm4b:s14+s4], $0x80, v2, vm0, $0xb8;
	[tilespmem:$0x18080] =	vst v63  }
0x3c1: {  	s22 =	simm.s32 $0x6080  }
0x3c2: {  	[tilespmem:s22], [sflag:$0x1] =	stream.indirect_vreg.gather [hbm4b:s18+s4], $0x80, v2, vm0, $0xb8;
	[tilespmem:$0x18080] =	vst v63  }
0x3c3: {  	s22 =	simm.s32 $0x6880  }
0x3c4: {  	[tilespmem:s22], [sflag:$0x1] =	stream.indirect_vreg.gather [hbm4b:s19+s4], $0x80, v2, vm0, $0xb8;
	[tilespmem:$0x18080] =	vst v63  }
0x3c5: {  	s22 =	simm.s32 $0x7080  }
0x3c6: {  	[tilespmem:s22], [sflag:$0x1] =	stream.indirect_vreg.gather [hbm4b:s20+s4], $0x80, v2, vm0, $0xb8;
	[tilespmem:$0x18080] =	vst v63  }
0x3c7: {  	s22 =	simm.s32 $0x7880  }
0x3c8: {  	[tilespmem:s22], [sflag:$0x1] =	stream.indirect_vreg.gather [hbm4b:s21+s4], $0x80, v2, vm0, $0xb8;
	[tilespmem:$0x18080] =	vst v63  }
0x3c9: {  	_ =	swait.ge [sflag:s23], $0x8000  }
0x3ca: {  	s22 =	sld [smem:$0x7D4]  }
0x3cb: {  	[sflag:s23] =	ssyncset.done $0x0  }
0x3cc: {  	s16 =	simm.s32 $0x10080;
	[sflag:s23] =	ssyncadd.s32 $0xFFFF8000  }
0x3cd: {  	[hbm4b:s22+s4] =	stream.linear.scatter [tilespmem:s16], [sflag:$0x6], $0x8000, $0x38;
	[tilespmem:$0x18080] =	vst v63  }
0x3ce: {  	_ =	swait.ge [sflag:s30], $0x8000  }
0x3cf: {  	[sflag:s30] =	ssyncset.done $0x0  }
0x3d0: {  	[sflag:s30] =	ssyncadd.s32 $0xFFFF8000  }
0x3d1: {  	v2 =	vld.msk [tilespmem:$0x18], $0xff;
	_ =	sdelay $0x4  }
0x3d2: {  	v3 =	vshll.u32 v2, $0x5  }
0x3d3: {  	v2 =	vand.u32 $0x7, v2;
	v3 =	vand.u32 $0xFFFFFF00, v3  }
0x3d4: {  	v2 =	vor.u32 v2, v3  }
0x3d5: {  	v2 =	vperm.xlane v2, v0;
	_ =	sdelay $0x1  }
0x3d6: {  	v2 =	vadd.s32 v1, v2;
	_ =	sdelay $0x3  }
0x3d7: {  	s15 =	simm.s32 $0x8080  }
0x3d8: {  	[tilespmem:s15], [sflag:$0x2] =	stream.indirect_vreg.gather [hbm4b:s5+s4], $0x80, v2, vm0, $0xb8;
	[tilespmem:$0x18080] =	vst v63  }
0x3d9: {  	s22 =	simm.s32 $0x8880  }
0x3da: {  	[tilespmem:s22], [sflag:$0x2] =	stream.indirect_vreg.gather [hbm4b:s1+s4], $0x80, v2, vm0, $0xb8;
	[tilespmem:$0x18080] =	vst v63  }
0x3db: {  	s22 =	simm.s32 $0x9080  }
0x3dc: {  	[tilespmem:s22], [sflag:$0x2] =	stream.indirect_vreg.gather [hbm4b:s2+s4], $0x80, v2, vm0, $0xb8;
	[tilespmem:$0x18080] =	vst v63  }
0x3dd: {  	s22 =	simm.s32 $0x9880  }
0x3de: {  	[tilespmem:s22], [sflag:$0x2] =	stream.indirect_vreg.gather [hbm4b:s6+s4], $0x80, v2, vm0, $0xb8;
	[tilespmem:$0x18080] =	vst v63  }
0x3df: {  	s22 =	simm.s32 $0xA080  }
0x3e0: {  	[tilespmem:s22], [sflag:$0x2] =	stream.indirect_vreg.gather [hbm4b:s7+s4], $0x80, v2, vm0, $0xb8;
	[tilespmem:$0x18080] =	vst v63  }
0x3e1: {  	s22 =	simm.s32 $0xA880  }
0x3e2: {  	[tilespmem:s22], [sflag:$0x2] =	stream.indirect_vreg.gather [hbm4b:s8+s4], $0x80, v2, vm0, $0xb8;
	[tilespmem:$0x18080] =	vst v63  }
0x3e3: {  	_ = 	snop  }
0x3e4: {  	[tilespmem:s25], [sflag:$0x2] =	stream.indirect_vreg.gather [hbm4b:s9+s4], $0x80, v2, vm0, $0xb8;
	[tilespmem:$0x18080] =	vst v63  }
0x3e5: {  	s25 =	simm.s32 $0xB880  }
0x3e6: {  	[tilespmem:s25], [sflag:$0x2] =	stream.indirect_vreg.gather [hbm4b:s10+s4], $0x80, v2, vm0, $0xb8;
	[tilespmem:$0x18080] =	vst v63  }
0x3e7: {  	s22 =	simm.s32 $0xC080  }
0x3e8: {  	[tilespmem:s22], [sflag:$0x2] =	stream.indirect_vreg.gather [hbm4b:s11+s4], $0x80, v2, vm0, $0xb8;
	[tilespmem:$0x18080] =	vst v63  }
0x3e9: {  	s25 =	simm.s32 $0xC880  }
0x3ea: {  	[tilespmem:s25], [sflag:$0x2] =	stream.indirect_vreg.gather [hbm4b:s12+s4], $0x80, v2, vm0, $0xb8;
	[tilespmem:$0x18080] =	vst v63  }
0x3eb: {  	s22 =	simm.s32 $0xD080  }
0x3ec: {  	[tilespmem:s22], [sflag:$0x2] =	stream.indirect_vreg.gather [hbm4b:s13+s4], $0x80, v2, vm0, $0xb8;
	[tilespmem:$0x18080] =	vst v63  }
0x3ed: {  	s25 =	simm.s32 $0xD880  }
0x3ee: {  	[tilespmem:s25], [sflag:$0x2] =	stream.indirect_vreg.gather [hbm4b:s14+s4], $0x80, v2, vm0, $0xb8;
	[tilespmem:$0x18080] =	vst v63  }
0x3ef: {  	s22 =	simm.s32 $0xE080  }
0x3f0: {  	[tilespmem:s22], [sflag:$0x2] =	stream.indirect_vreg.gather [hbm4b:s18+s4], $0x80, v2, vm0, $0xb8;
	[tilespmem:$0x18080] =	vst v63  }
0x3f1: {  	s25 =	simm.s32 $0xE880  }
0x3f2: {  	[tilespmem:s25], [sflag:$0x2] =	stream.indirect_vreg.gather [hbm4b:s19+s4], $0x80, v2, vm0, $0xb8;
	[tilespmem:$0x18080] =	vst v63  }
0x3f3: {  	s22 =	simm.s32 $0xF080  }
0x3f4: {  	[tilespmem:s22], [sflag:$0x2] =	stream.indirect_vreg.gather [hbm4b:s20+s4], $0x80, v2, vm0, $0xb8;
	[tilespmem:$0x18080] =	vst v63  }
0x3f5: {  	s25 =	simm.s32 $0xF880  }
0x3f6: {  	[tilespmem:s25], [sflag:$0x2] =	stream.indirect_vreg.gather [hbm4b:s21+s4], $0x80, v2, vm0, $0xb8;
	[tilespmem:$0x18080] =	vst v63  }
0x3f7: {  	_ =	swait.ge [sflag:s26], $0x8000  }
0x3f8: {  	s22 =	sld [smem:$0x7D6]  }
0x3f9: {  	[sflag:s26] =	ssyncset.done $0x0  }
0x3fa: {  	s17 =	simm.s32 $0x80;
	[sflag:s26] =	ssyncadd.s32 $0xFFFF8000  }
0x3fb: {  	[hbm4b:s22+s4] =	stream.linear.scatter [tilespmem:s17], [sflag:$0x4], $0x8000, $0x38;
	[tilespmem:$0x18080] =	vst v63  }
0x3fc: {  	_ =	swait.ge [sflag:s31], $0x8000  }
0x3fd: {  	[sflag:s31] =	ssyncset.done $0x0  }
0x3fe: {  	[sflag:s31] =	ssyncadd.s32 $0xFFFF8000  }
0x3ff: {  	v2 =	vld.msk [tilespmem:$0x20], $0xff;
	_ =	sdelay $0x4  }
0x400: {  	v3 =	vshll.u32 v2, $0x5  }
0x401: {  	v2 =	vand.u32 $0x7, v2;
	v3 =	vand.u32 $0xFFFFFF00, v3  }
0x402: {  	v2 =	vor.u32 v2, v3  }
0x403: {  	v2 =	vperm.xlane v2, v0;
	_ =	sdelay $0x1  }
0x404: {  	v2 =	vadd.s32 v1, v2;
	_ =	sdelay $0x3  }
0x405: {  	s16 =	simm.s32 $0x10080  }
0x406: {  	[tilespmem:s16], [sflag:$0x3] =	stream.indirect_vreg.gather [hbm4b:s5+s4], $0x80, v2, vm0, $0xb8;
	[tilespmem:$0x18080] =	vst v63  }
0x407: {  	s25 =	simm.s32 $0x10880  }
0x408: {  	[tilespmem:s25], [sflag:$0x3] =	stream.indirect_vreg.gather [hbm4b:s1+s4], $0x80, v2, vm0, $0xb8;
	[tilespmem:$0x18080] =	vst v63  }
0x409: {  	s17 =	simm.s32 $0x11080  }
0x40a: {  	[tilespmem:s17], [sflag:$0x3] =	stream.indirect_vreg.gather [hbm4b:s2+s4], $0x80, v2, vm0, $0xb8;
	[tilespmem:$0x18080] =	vst v63  }
0x40b: {  	s25 =	simm.s32 $0x11880  }
0x40c: {  	[tilespmem:s25], [sflag:$0x3] =	stream.indirect_vreg.gather [hbm4b:s6+s4], $0x80, v2, vm0, $0xb8;
	[tilespmem:$0x18080] =	vst v63  }
0x40d: {  	s17 =	simm.s32 $0x12080  }
0x40e: {  	[tilespmem:s17], [sflag:$0x3] =	stream.indirect_vreg.gather [hbm4b:s7+s4], $0x80, v2, vm0, $0xb8;
	[tilespmem:$0x18080] =	vst v63  }
0x40f: {  	s17 =	simm.s32 $0x12880  }
0x410: {  	[tilespmem:s17], [sflag:$0x3] =	stream.indirect_vreg.gather [hbm4b:s8+s4], $0x80, v2, vm0, $0xb8;
	[tilespmem:$0x18080] =	vst v63  }
0x411: {  	s17 =	simm.s32 $0x13080  }
0x412: {  	[tilespmem:s17], [sflag:$0x3] =	stream.indirect_vreg.gather [hbm4b:s9+s4], $0x80, v2, vm0, $0xb8;
	[tilespmem:$0x18080] =	vst v63  }
0x413: {  	s17 =	simm.s32 $0x13880  }
0x414: {  	[tilespmem:s17], [sflag:$0x3] =	stream.indirect_vreg.gather [hbm4b:s10+s4], $0x80, v2, vm0, $0xb8;
	[tilespmem:$0x18080] =	vst v63  }
0x415: {  	s17 =	simm.s32 $0x14080  }
0x416: {  	[tilespmem:s17], [sflag:$0x3] =	stream.indirect_vreg.gather [hbm4b:s11+s4], $0x80, v2, vm0, $0xb8;
	[tilespmem:$0x18080] =	vst v63  }
0x417: {  	s17 =	simm.s32 $0x14880  }
0x418: {  	[tilespmem:s17], [sflag:$0x3] =	stream.indirect_vreg.gather [hbm4b:s12+s4], $0x80, v2, vm0, $0xb8;
	[tilespmem:$0x18080] =	vst v63  }
0x419: {  	s17 =	simm.s32 $0x15080  }
0x41a: {  	[tilespmem:s17], [sflag:$0x3] =	stream.indirect_vreg.gather [hbm4b:s13+s4], $0x80, v2, vm0, $0xb8;
	[tilespmem:$0x18080] =	vst v63  }
0x41b: {  	s17 =	simm.s32 $0x15880  }
0x41c: {  	[tilespmem:s17], [sflag:$0x3] =	stream.indirect_vreg.gather [hbm4b:s14+s4], $0x80, v2, vm0, $0xb8;
	[tilespmem:$0x18080] =	vst v63  }
0x41d: {  	s17 =	simm.s32 $0x16080  }
0x41e: {  	[tilespmem:s17], [sflag:$0x3] =	stream.indirect_vreg.gather [hbm4b:s18+s4], $0x80, v2, vm0, $0xb8;
	[tilespmem:$0x18080] =	vst v63  }
0x41f: {  	s17 =	simm.s32 $0x16880  }
0x420: {  	[tilespmem:s17], [sflag:$0x3] =	stream.indirect_vreg.gather [hbm4b:s19+s4], $0x80, v2, vm0, $0xb8;
	[tilespmem:$0x18080] =	vst v63  }
0x421: {  	s17 =	simm.s32 $0x17080  }
0x422: {  	[tilespmem:s17], [sflag:$0x3] =	stream.indirect_vreg.gather [hbm4b:s20+s4], $0x80, v2, vm0, $0xb8;
	[tilespmem:$0x18080] =	vst v63  }
0x423: {  	s17 =	simm.s32 $0x17880  }
0x424: {  	[tilespmem:s17], [sflag:$0x3] =	stream.indirect_vreg.gather [hbm4b:s21+s4], $0x80, v2, vm0, $0xb8;
	[tilespmem:$0x18080] =	vst v63  }
0x425: {  	_ =	swait.ge [sflag:s28], $0x8000  }
0x426: {  	s17 =	sld [smem:$0x7D8]  }
0x427: {  	[sflag:s28] =	ssyncset.done $0x0  }
0x428: {  	s15 =	simm.s32 $0x8080;
	[sflag:s28] =	ssyncadd.s32 $0xFFFF8000  }
0x429: {  	[hbm4b:s17+s4] =	stream.linear.scatter [tilespmem:s15], [sflag:$0x5], $0x8000, $0x38;
	[tilespmem:$0x18080] =	vst v63  }
0x42a: {  	_ =	swait.ge [sflag:s29], $0x8000  }
0x42b: {  	[sflag:s29] =	ssyncset.done $0x0  }
0x42c: {  	[sflag:s29] =	ssyncadd.s32 $0xFFFF8000  }
0x42d: {  	v2 =	vld.msk [tilespmem:$0x28], $0xff;
	_ =	sdelay $0x4  }
0x42e: {  	v3 =	vshll.u32 v2, $0x5  }
0x42f: {  	v2 =	vand.u32 $0x7, v2;
	v3 =	vand.u32 $0xFFFFFF00, v3  }
0x430: {  	v2 =	vor.u32 v2, v3  }
0x431: {  	v2 =	vperm.xlane v2, v0;
	_ =	sdelay $0x1  }
0x432: {  	v2 =	vadd.s32 v1, v2;
	_ =	sdelay $0x3  }
0x433: {  	s22 =	simm.s32 $0x80  }
0x434: {  	[tilespmem:s22], [sflag:$0x1] =	stream.indirect_vreg.gather [hbm4b:s5+s4], $0x80, v2, vm0, $0xb8;
	[tilespmem:$0x18080] =	vst v63  }
0x435: {  	_ = 	snop  }
0x436: {  	[tilespmem:s24], [sflag:$0x1] =	stream.indirect_vreg.gather [hbm4b:s1+s4], $0x80, v2, vm0, $0xb8;
	[tilespmem:$0x18080] =	vst v63  }
0x437: {  	s15 =	simm.s32 $0x1080  }
0x438: {  	[tilespmem:s15], [sflag:$0x1] =	stream.indirect_vreg.gather [hbm4b:s2+s4], $0x80, v2, vm0, $0xb8;
	[tilespmem:$0x18080] =	vst v63  }
0x439: {  	s24 =	simm.s32 $0x1880  }
0x43a: {  	[tilespmem:s24], [sflag:$0x1] =	stream.indirect_vreg.gather [hbm4b:s6+s4], $0x80, v2, vm0, $0xb8;
	[tilespmem:$0x18080] =	vst v63  }
0x43b: {  	s15 =	simm.s32 $0x2080  }
0x43c: {  	[tilespmem:s15], [sflag:$0x1] =	stream.indirect_vreg.gather [hbm4b:s7+s4], $0x80, v2, vm0, $0xb8;
	[tilespmem:$0x18080] =	vst v63  }
0x43d: {  	s24 =	simm.s32 $0x2880  }
0x43e: {  	[tilespmem:s24], [sflag:$0x1] =	stream.indirect_vreg.gather [hbm4b:s8+s4], $0x80, v2, vm0, $0xb8;
	[tilespmem:$0x18080] =	vst v63  }
0x43f: {  	s15 =	simm.s32 $0x3080  }
0x440: {  	[tilespmem:s15], [sflag:$0x1] =	stream.indirect_vreg.gather [hbm4b:s9+s4], $0x80, v2, vm0, $0xb8;
	[tilespmem:$0x18080] =	vst v63  }
0x441: {  	s24 =	simm.s32 $0x3880  }
0x442: {  	[tilespmem:s24], [sflag:$0x1] =	stream.indirect_vreg.gather [hbm4b:s10+s4], $0x80, v2, vm0, $0xb8;
	[tilespmem:$0x18080] =	vst v63  }
0x443: {  	s15 =	simm.s32 $0x4080  }
0x444: {  	[tilespmem:s15], [sflag:$0x1] =	stream.indirect_vreg.gather [hbm4b:s11+s4], $0x80, v2, vm0, $0xb8;
	[tilespmem:$0x18080] =	vst v63  }
0x445: {  	s24 =	simm.s32 $0x4880  }
0x446: {  	[tilespmem:s24], [sflag:$0x1] =	stream.indirect_vreg.gather [hbm4b:s12+s4], $0x80, v2, vm0, $0xb8;
	[tilespmem:$0x18080] =	vst v63  }
0x447: {  	s15 =	simm.s32 $0x5080  }
0x448: {  	[tilespmem:s15], [sflag:$0x1] =	stream.indirect_vreg.gather [hbm4b:s13+s4], $0x80, v2, vm0, $0xb8;
	[tilespmem:$0x18080] =	vst v63  }
0x449: {  	s24 =	simm.s32 $0x5880  }
0x44a: {  	[tilespmem:s24], [sflag:$0x1] =	stream.indirect_vreg.gather [hbm4b:s14+s4], $0x80, v2, vm0, $0xb8;
	[tilespmem:$0x18080] =	vst v63  }
0x44b: {  	s15 =	simm.s32 $0x6080  }
0x44c: {  	[tilespmem:s15], [sflag:$0x1] =	stream.indirect_vreg.gather [hbm4b:s18+s4], $0x80, v2, vm0, $0xb8;
	[tilespmem:$0x18080] =	vst v63  }
0x44d: {  	s24 =	simm.s32 $0x6880  }
0x44e: {  	[tilespmem:s24], [sflag:$0x1] =	stream.indirect_vreg.gather [hbm4b:s19+s4], $0x80, v2, vm0, $0xb8;
	[tilespmem:$0x18080] =	vst v63  }
0x44f: {  	s15 =	simm.s32 $0x7080  }
0x450: {  	[tilespmem:s15], [sflag:$0x1] =	stream.indirect_vreg.gather [hbm4b:s20+s4], $0x80, v2, vm0, $0xb8;
	[tilespmem:$0x18080] =	vst v63  }
0x451: {  	s24 =	simm.s32 $0x7880  }
0x452: {  	[tilespmem:s24], [sflag:$0x1] =	stream.indirect_vreg.gather [hbm4b:s21+s4], $0x80, v2, vm0, $0xb8;
	[tilespmem:$0x18080] =	vst v63  }
0x453: {  	_ =	swait.ge [sflag:s23], $0x8000  }
0x454: {  	s15 =	sld [smem:$0x7DA]  }
0x455: {  	[sflag:s23] =	ssyncset.done $0x0  }
0x456: {  	[sflag:s23] =	ssyncadd.s32 $0xFFFF8000  }
0x457: {  	[hbm4b:s15+s4] =	stream.linear.scatter [tilespmem:s16], [sflag:$0x6], $0x8000, $0x38;
	[tilespmem:$0x18080] =	vst v63  }
0x458: {  	_ =	swait.ge [sflag:s30], $0x8000  }
0x459: {  	[sflag:s30] =	ssyncset.done $0x0  }
0x45a: {  	[sflag:s30] =	ssyncadd.s32 $0xFFFF8000  }
0x45b: {  	v2 =	vld.msk [tilespmem:$0x30], $0xff;
	_ =	sdelay $0x4  }
0x45c: {  	v3 =	vshll.u32 v2, $0x5  }
0x45d: {  	v2 =	vand.u32 $0x7, v2;
	v3 =	vand.u32 $0xFFFFFF00, v3  }
0x45e: {  	v2 =	vor.u32 v2, v3  }
0x45f: {  	v2 =	vperm.xlane v2, v0;
	_ =	sdelay $0x1  }
0x460: {  	v2 =	vadd.s32 v1, v2;
	_ =	sdelay $0x3  }
0x461: {  	s17 =	simm.s32 $0x8080  }
0x462: {  	[tilespmem:s17], [sflag:$0x2] =	stream.indirect_vreg.gather [hbm4b:s5+s4], $0x80, v2, vm0, $0xb8;
	[tilespmem:$0x18080] =	vst v63  }
0x463: {  	s24 =	simm.s32 $0x8880  }
0x464: {  	[tilespmem:s24], [sflag:$0x2] =	stream.indirect_vreg.gather [hbm4b:s1+s4], $0x80, v2, vm0, $0xb8;
	[tilespmem:$0x18080] =	vst v63  }
0x465: {  	s15 =	simm.s32 $0x9080  }
0x466: {  	[tilespmem:s15], [sflag:$0x2] =	stream.indirect_vreg.gather [hbm4b:s2+s4], $0x80, v2, vm0, $0xb8;
	[tilespmem:$0x18080] =	vst v63  }
0x467: {  	s24 =	simm.s32 $0x9880  }
0x468: {  	[tilespmem:s24], [sflag:$0x2] =	stream.indirect_vreg.gather [hbm4b:s6+s4], $0x80, v2, vm0, $0xb8;
	[tilespmem:$0x18080] =	vst v63  }
0x469: {  	s15 =	simm.s32 $0xA080  }
0x46a: {  	[tilespmem:s15], [sflag:$0x2] =	stream.indirect_vreg.gather [hbm4b:s7+s4], $0x80, v2, vm0, $0xb8;
	[tilespmem:$0x18080] =	vst v63  }
0x46b: {  	s24 =	simm.s32 $0xA880  }
0x46c: {  	[tilespmem:s24], [sflag:$0x2] =	stream.indirect_vreg.gather [hbm4b:s8+s4], $0x80, v2, vm0, $0xb8;
	[tilespmem:$0x18080] =	vst v63  }
0x46d: {  	s15 =	simm.s32 $0xB080  }
0x46e: {  	[tilespmem:s15], [sflag:$0x2] =	stream.indirect_vreg.gather [hbm4b:s9+s4], $0x80, v2, vm0, $0xb8;
	[tilespmem:$0x18080] =	vst v63  }
0x46f: {  	s24 =	simm.s32 $0xB880  }
0x470: {  	[tilespmem:s24], [sflag:$0x2] =	stream.indirect_vreg.gather [hbm4b:s10+s4], $0x80, v2, vm0, $0xb8;
	[tilespmem:$0x18080] =	vst v63  }
0x471: {  	s15 =	simm.s32 $0xC080  }
0x472: {  	[tilespmem:s15], [sflag:$0x2] =	stream.indirect_vreg.gather [hbm4b:s11+s4], $0x80, v2, vm0, $0xb8;
	[tilespmem:$0x18080] =	vst v63  }
0x473: {  	s24 =	simm.s32 $0xC880  }
0x474: {  	[tilespmem:s24], [sflag:$0x2] =	stream.indirect_vreg.gather [hbm4b:s12+s4], $0x80, v2, vm0, $0xb8;
	[tilespmem:$0x18080] =	vst v63  }
0x475: {  	s15 =	simm.s32 $0xD080  }
0x476: {  	[tilespmem:s15], [sflag:$0x2] =	stream.indirect_vreg.gather [hbm4b:s13+s4], $0x80, v2, vm0, $0xb8;
	[tilespmem:$0x18080] =	vst v63  }
0x477: {  	s24 =	simm.s32 $0xD880  }
0x478: {  	[tilespmem:s24], [sflag:$0x2] =	stream.indirect_vreg.gather [hbm4b:s14+s4], $0x80, v2, vm0, $0xb8;
	[tilespmem:$0x18080] =	vst v63  }
0x479: {  	s15 =	simm.s32 $0xE080  }
0x47a: {  	[tilespmem:s15], [sflag:$0x2] =	stream.indirect_vreg.gather [hbm4b:s18+s4], $0x80, v2, vm0, $0xb8;
	[tilespmem:$0x18080] =	vst v63  }
0x47b: {  	s24 =	simm.s32 $0xE880  }
0x47c: {  	[tilespmem:s24], [sflag:$0x2] =	stream.indirect_vreg.gather [hbm4b:s19+s4], $0x80, v2, vm0, $0xb8;
	[tilespmem:$0x18080] =	vst v63  }
0x47d: {  	s15 =	simm.s32 $0xF080  }
0x47e: {  	[tilespmem:s15], [sflag:$0x2] =	stream.indirect_vreg.gather [hbm4b:s20+s4], $0x80, v2, vm0, $0xb8;
	[tilespmem:$0x18080] =	vst v63  }
0x47f: {  	s24 =	simm.s32 $0xF880  }
0x480: {  	[tilespmem:s24], [sflag:$0x2] =	stream.indirect_vreg.gather [hbm4b:s21+s4], $0x80, v2, vm0, $0xb8;
	[tilespmem:$0x18080] =	vst v63  }
0x481: {  	_ =	swait.ge [sflag:s26], $0x8000  }
0x482: {  	s15 =	sld [smem:$0x7DC]  }
0x483: {  	[sflag:s26] =	ssyncset.done $0x0  }
0x484: {  	[sflag:s26] =	ssyncadd.s32 $0xFFFF8000  }
0x485: {  	[hbm4b:s15+s4] =	stream.linear.scatter [tilespmem:s22], [sflag:$0x4], $0x8000, $0x38;
	[tilespmem:$0x18080] =	vst v63  }
0x486: {  	_ =	swait.ge [sflag:s31], $0x8000  }
0x487: {  	[sflag:s31] =	ssyncset.done $0x0  }
0x488: {  	[sflag:s31] =	ssyncadd.s32 $0xFFFF8000  }
0x489: {  	v2 =	vld.msk [tilespmem:$0x38], $0xff;
	_ =	sdelay $0x4  }
0x48a: {  	v3 =	vshll.u32 v2, $0x5  }
0x48b: {  	v2 =	vand.u32 $0x7, v2;
	v3 =	vand.u32 $0xFFFFFF00, v3  }
0x48c: {  	v2 =	vor.u32 v2, v3  }
0x48d: {  	v2 =	vperm.xlane v2, v0;
	_ =	sdelay $0x1  }
0x48e: {  	v2 =	vadd.s32 v1, v2;
	_ =	sdelay $0x4  }
0x48f: {  	[tilespmem:s16], [sflag:$0x3] =	stream.indirect_vreg.gather [hbm4b:s5+s4], $0x80, v2, vm0, $0xb8;
	[tilespmem:$0x18080] =	vst v63  }
0x490: {  	s24 =	simm.s32 $0x10880  }
0x491: {  	[tilespmem:s24], [sflag:$0x3] =	stream.indirect_vreg.gather [hbm4b:s1+s4], $0x80, v2, vm0, $0xb8;
	[tilespmem:$0x18080] =	vst v63  }
0x492: {  	s5 =	simm.s32 $0x11080  }
0x493: {  	[tilespmem:s5], [sflag:$0x3] =	stream.indirect_vreg.gather [hbm4b:s2+s4], $0x80, v2, vm0, $0xb8;
	[tilespmem:$0x18080] =	vst v63  }
0x494: {  	s25 =	simm.s32 $0x11880  }
0x495: {  	[tilespmem:s25], [sflag:$0x3] =	stream.indirect_vreg.gather [hbm4b:s6+s4], $0x80, v2, vm0, $0xb8;
	[tilespmem:$0x18080] =	vst v63  }
0x496: {  	s6 =	simm.s32 $0x12080  }
0x497: {  	[tilespmem:s6], [sflag:$0x3] =	stream.indirect_vreg.gather [hbm4b:s7+s4], $0x80, v2, vm0, $0xb8;
	[tilespmem:$0x18080] =	vst v63  }
0x498: {  	s7 =	simm.s32 $0x12880  }
0x499: {  	[tilespmem:s7], [sflag:$0x3] =	stream.indirect_vreg.gather [hbm4b:s8+s4], $0x80, v2, vm0, $0xb8;
	[tilespmem:$0x18080] =	vst v63  }
0x49a: {  	s8 =	simm.s32 $0x13080  }
0x49b: {  	[tilespmem:s8], [sflag:$0x3] =	stream.indirect_vreg.gather [hbm4b:s9+s4], $0x80, v2, vm0, $0xb8;
	[tilespmem:$0x18080] =	vst v63  }
0x49c: {  	s9 =	simm.s32 $0x13880  }
0x49d: {  	[tilespmem:s9], [sflag:$0x3] =	stream.indirect_vreg.gather [hbm4b:s10+s4], $0x80, v2, vm0, $0xb8;
	[tilespmem:$0x18080] =	vst v63  }
0x49e: {  	s10 =	simm.s32 $0x14080  }
0x49f: {  	[tilespmem:s10], [sflag:$0x3] =	stream.indirect_vreg.gather [hbm4b:s11+s4], $0x80, v2, vm0, $0xb8;
	[tilespmem:$0x18080] =	vst v63  }
0x4a0: {  	s11 =	simm.s32 $0x14880  }
0x4a1: {  	[tilespmem:s11], [sflag:$0x3] =	stream.indirect_vreg.gather [hbm4b:s12+s4], $0x80, v2, vm0, $0xb8;
	[tilespmem:$0x18080] =	vst v63  }
0x4a2: {  	s12 =	simm.s32 $0x15080  }
0x4a3: {  	[tilespmem:s12], [sflag:$0x3] =	stream.indirect_vreg.gather [hbm4b:s13+s4], $0x80, v2, vm0, $0xb8;
	[tilespmem:$0x18080] =	vst v63  }
0x4a4: {  	s13 =	simm.s32 $0x15880  }
0x4a5: {  	[tilespmem:s13], [sflag:$0x3] =	stream.indirect_vreg.gather [hbm4b:s14+s4], $0x80, v2, vm0, $0xb8;
	[tilespmem:$0x18080] =	vst v63  }
0x4a6: {  	s15 =	simm.s32 $0x16080  }
0x4a7: {  	[tilespmem:s15], [sflag:$0x3] =	stream.indirect_vreg.gather [hbm4b:s18+s4], $0x80, v2, vm0, $0xb8;
	[tilespmem:$0x18080] =	vst v63  }
0x4a8: {  	s18 =	simm.s32 $0x16880  }
0x4a9: {  	[tilespmem:s18], [sflag:$0x3] =	stream.indirect_vreg.gather [hbm4b:s19+s4], $0x80, v2, vm0, $0xb8;
	[tilespmem:$0x18080] =	vst v63  }
0x4aa: {  	s19 =	simm.s32 $0x17080  }
0x4ab: {  	[tilespmem:s19], [sflag:$0x3] =	stream.indirect_vreg.gather [hbm4b:s20+s4], $0x80, v2, vm0, $0xb8;
	[tilespmem:$0x18080] =	vst v63  }
0x4ac: {  	s22 =	simm.s32 $0x17880  }
0x4ad: {  	[tilespmem:s22], [sflag:$0x3] =	stream.indirect_vreg.gather [hbm4b:s21+s4], $0x80, v2, vm0, $0xb8;
	[tilespmem:$0x18080] =	vst v63  }
0x4ae: {  	_ =	swait.ge [sflag:s28], $0x8000  }
0x4af: {  	s24 =	sld [smem:$0x7DF]  }
0x4b0: {  	[sflag:s28] =	ssyncset.done $0x0  }
0x4b1: {  	[sflag:s28] =	ssyncadd.s32 $0xFFFF8000  }
0x4b2: {  	[hbm4b:s24+s4] =	stream.linear.scatter [tilespmem:s17], [sflag:$0x5], $0x8000, $0x38;
	[tilespmem:$0x18080] =	vst v63  }
0x4b3: {  	_ =	swait.ge [sflag:s29], $0x8000  }
0x4b4: {  	[sflag:s29] =	ssyncset.done $0x0  }
0x4b5: {  	[sflag:s29] =	ssyncadd.s32 $0xFFFF8000  }
0x4b6: {  	_ =	swait.ge [sflag:s23], $0x8000  }
0x4b7: {  	s25 =	sld [smem:$0x7E2]  }
0x4b8: {  	[sflag:s23] =	ssyncset.done $0x0  }
0x4b9: {  	[sflag:s23] =	ssyncadd.s32 $0xFFFF8000  }
0x4ba: {  	[hbm4b:s25+s4] =	stream.linear.scatter [tilespmem:s16], [sflag:$0x6], $0x8000, $0x38;
	[tilespmem:$0x18080] =	vst v63  }
0x4bb: {  	p0 =	sne.s32 s0, $0x1;
	_ =	swait.ge [sflag:s30], $0x8000  }
.Ltmp0:
0x4bc: {  	[sflag:s30] =	ssyncset.done $0x0;
	(pc) =	sbr.rel @p0 .LBB3_1-.Ltmp0, $4  }
0x4bd: {  	[sflag:s30] =	ssyncadd.s32 $0xFFFF8000  }
0x4be: {  	_ =	swait.ge [sflag:s31], $0x8000  }
0x4bf: {  	[sflag:s31] =	ssyncset.done $0x0  }
0x4c0: {  	s0 =	sadd.s32 $0xFFFFFFFF, s0;
	[sflag:s31] =	ssyncadd.s32 $0xFFFF8000  }
0x4c1: {  	_ =	sfence.sel $0x180000  }
0x4c2: {  	[bflag:$0x0] =	sbarrier.arrive $0xFFFF  }
0x4c3: {  	_ =	strace $0x90000047  }
0x4c4: {  	s0 =	stileid.u32;
	[bflag:$0x2] =	sbarrier.arrive $0xFFFF  }
0x4c5: {  	p0 =	sne.s32 s0, $0x0;
	s0 =	sld [smem:$0x7C9];
	_ =	sdelay $0x2  }
0x4c6: {  	s0 =	sadd.s32 @!p0 $0x100000, s0  }
0x4c7: {  	[sflag:s0] =	ssyncadd.tile.s32 @!p0 $0x1;
	_ =	shalt  }
.Lfunc_end3:
_tile_overlayer_lowered:
.L_overlay_start_3:
0x4c8: {  	(tag) =	ssettag $0x3  }
0x4c9: {  	s0 =	rddreg [dreg:$0x0];
	s2 =	stileid.u32  }
0x4ca: {  	s1 =	rddreg [dreg:$0x1];
	p0 =	sne.s32 s2, $0x0  }
0x4cb: {  	s3 =	rddreg [dreg:$0x2];
	[bflag:$0x3] =	sbarrier.arrive $0xFFFF;
	s2 =	simm.s32 @!p0 $0x1C07  }
0x4cc: {  	[timem:s3], [sflag:s2] =	dma.local @!p0 [hbm:s0], s1  }
0x4cd: {  	s0 =	simm.s32 @!p0 $0x7  }
0x4ce: {  	_ =	swait.ge @!p0 [sflag:s0], s1  }
0x4cf: {  	s1 =	ssub.s32 @!p0 $0x0, s1;
	[sflag:s0] =	ssyncset.done @!p0 $0x0  }
0x4d0: {  	[sflag:s0] =	ssyncadd.s32 @!p0 s1  }
0x4d1: {  	[bflag:$0x3] =	sbarrier.arrive $0xFFFF  }
0x4d2: {  	_ =	shalt  }

</sc_bundles>
